<compile_context>
chip_gen: v7x
topology: tpu7x:2x2x1
jax: 0.10.2.dev20260603
libtpu: 0.0.44.dev20260713+nightly
codegen_flags: <defaults>
</compile_context>

<pallas_src>
import functools

import jax
import jax.numpy as jnp
from jax import lax
from jax.experimental import pallas as pl
from jax.experimental.pallas import tpu as pltpu
from jax.experimental.pallas import tpu_sc as plsc

N = 10000
E = 320000
D_IN = 128
D_HID = 64

NC = 2
NS = 16
NW = NC * NS
EPW = E // NW
C = 80
NCH = EPW // C
NP = 10240
RPT = NP // NS

_mesh = plsc.VectorSubcoreMesh(core_axis_name="c", subcore_axis_name="s",
                               num_cores=NC, num_subcores=NS)
_sc_params = pltpu.CompilerParams(use_tc_tiling_on_sc=False,
                                  needs_layout_passes=False)


def _worker_id():
    return lax.axis_index("s") * NC + lax.axis_index("c")


@functools.partial(
    pl.kernel,
    out_type=jax.ShapeDtypeStruct((NC, NP), jnp.float32),
    mesh=_mesh,
    compiler_params=_sc_params,
    scratch_types=[
        pltpu.VMEM((NCH, C), jnp.int32),
        pltpu.VMEM((C,), jnp.float32),
        pltpu.VMEM_SHARED((NP,), jnp.float32),
        pltpu.SemaphoreType.DMA,
    ],
)
def _sc_degree(edges_hbm, out_hbm, dst_v, ones_v, acc_sh, sem):
    cax = lax.axis_index("c")
    s = lax.axis_index("s")
    wid = _worker_id()
    pltpu.sync_copy(edges_hbm.at[1, wid], dst_v)
    for j in range(C // 16):
        ones_v[pl.ds(j * 16, 16)] = jnp.zeros((16,), jnp.float32)
    for k in range(RPT // C):
        pltpu.sync_copy(ones_v, acc_sh.at[pl.ds(s * RPT + k * C, C)])
    for j in range(C // 16):
        ones_v[pl.ds(j * 16, 16)] = jnp.ones((16,), jnp.float32)
    plsc.subcore_barrier()

    B = 5

    def body(k, carry):
        for i in range(B):
            pltpu.async_copy(ones_v, acc_sh.at[dst_v.at[k * B + i]], sem,
                             add=True)
        return carry

    def body_drain(k, carry):
        for i in range(B):
            pltpu.async_copy(ones_v, acc_sh.at[dst_v.at[k * B + i]], sem,
                             add=True)
        for i in range(B):
            pltpu.make_async_copy(ones_v, acc_sh.at[dst_v.at[0]], sem).wait()
        return carry

    body(0, 0)
    lax.fori_loop(1, NCH // B, body_drain, 0)
    for i in range(B):
        pltpu.make_async_copy(ones_v, acc_sh.at[dst_v.at[0]], sem).wait()
    plsc.subcore_barrier()
    pltpu.sync_copy(acc_sh.at[pl.ds(s * RPT, RPT)],
                    out_hbm.at[cax, pl.ds(s * RPT, RPT)])


@functools.partial(
    pl.kernel,
    out_type=jax.ShapeDtypeStruct((NC, NP, D_HID), jnp.float32),
    mesh=_mesh,
    compiler_params=_sc_params,
    scratch_types=[
        pltpu.VMEM((NCH, C), jnp.int32),
        pltpu.VMEM((NCH, C), jnp.int32),
        [pltpu.VMEM((C, D_HID), jnp.float32) for _ in range(4)],
        [pltpu.SemaphoreType.DMA for _ in range(4)],
        [pltpu.SemaphoreType.DMA for _ in range(4)],
        pltpu.VMEM_SHARED((NP, D_HID), jnp.float32),
    ],
)
def _sc_msg64(hp_hbm, edges_hbm, zeros2_hbm, out_hbm,
              src_v, dst_v, rows, gsem, ssem, acc_sh):
    cax = lax.axis_index("c")
    s = lax.axis_index("s")
    wid = _worker_id()
    cp0 = pltpu.async_copy(edges_hbm.at[0, wid], src_v, gsem[0])
    cp1 = pltpu.async_copy(edges_hbm.at[1, wid], dst_v, gsem[1])
    cp2 = pltpu.async_copy(zeros2_hbm.at[pl.ds(s * RPT, RPT)],
                           acc_sh.at[pl.ds(s * RPT, RPT)], gsem[2])
    cp0.wait()
    cp1.wait()
    cp2.wait()
    plsc.subcore_barrier()

    def issue_g(c, b):
        pltpu.async_copy(hp_hbm.at[src_v.at[c]], rows[b], gsem[b])

    def wait_g(c, b):
        pltpu.make_async_copy(hp_hbm.at[src_v.at[c]], rows[b], gsem[b]).wait()

    def issue_s(c, b):
        pltpu.async_copy(rows[b], acc_sh.at[dst_v.at[c]], ssem[b], add=True)

    def wait_s(b):
        pltpu.make_async_copy(rows[b], acc_sh.at[dst_v.at[0]], ssem[b]).wait()

    issue_g(0, 0)
    issue_g(1, 1)
    issue_g(2, 2)
    wait_g(0, 0)
    issue_s(0, 0)
    issue_g(3, 3)
    wait_g(1, 1)
    issue_s(1, 1)

    def body(k, carry):
        c = 4 * k
        wait_s(0)
        issue_g(c + 4, 0)
        wait_g(c + 2, 2)
        issue_s(c + 2, 2)
        wait_s(1)
        issue_g(c + 5, 1)
        wait_g(c + 3, 3)
        issue_s(c + 3, 3)
        wait_s(2)
        issue_g(c + 6, 2)
        wait_g(c + 4, 0)
        issue_s(c + 4, 0)
        wait_s(3)
        issue_g(c + 7, 3)
        wait_g(c + 5, 1)
        issue_s(c + 5, 1)
        return carry

    lax.fori_loop(0, (NCH - 5) // 4, body, 0)
    wait_s(0)
    issue_g(124, 0)
    wait_g(122, 2)
    issue_s(122, 2)
    wait_s(1)
    wait_g(123, 3)
    issue_s(123, 3)
    wait_s(2)
    wait_g(124, 0)
    issue_s(124, 0)
    wait_s(3)
    wait_s(0)
    plsc.subcore_barrier()
    pltpu.sync_copy(acc_sh.at[pl.ds(s * RPT, RPT)],
                    out_hbm.at[cax, pl.ds(s * RPT, RPT)])


@functools.partial(
    pl.kernel,
    out_type=jax.ShapeDtypeStruct((NC, NP), jnp.float32),
    mesh=_mesh,
    compiler_params=_sc_params,
    scratch_types=[
        pltpu.VMEM((NCH, C), jnp.int32),
        pltpu.VMEM((NCH, C), jnp.int32),
        pltpu.VMEM((N,), jnp.float32),
        [pltpu.VMEM((C,), jnp.float32) for _ in range(2)],
        [pltpu.SemaphoreType.DMA for _ in range(2)],
        pltpu.VMEM_SHARED((NP,), jnp.float32),
    ],
)
def _sc_msg1(gp_hbm, edges_hbm, out_hbm,
             src_v, dst_v, gtab_v, vals, sems, acc_sh):
    cax = lax.axis_index("c")
    s = lax.axis_index("s")
    wid = _worker_id()
    cp0 = pltpu.async_copy(edges_hbm.at[0, wid], src_v, sems[0])
    cp1 = pltpu.async_copy(edges_hbm.at[1, wid], dst_v, sems[1])
    pltpu.sync_copy(gp_hbm, gtab_v)
    cp0.wait()
    cp1.wait()
    for j in range(C // 16):
        vals[0][pl.ds(j * 16, 16)] = jnp.zeros((16,), jnp.float32)
    for k in range(RPT // C):
        pltpu.sync_copy(vals[0], acc_sh.at[pl.ds(s * RPT + k * C, C)])
    plsc.subcore_barrier()

    def compute(ch, b):
        for j in range(C // 16):
            idx = src_v[ch, pl.ds(j * 16, 16)]
            vals[b][pl.ds(j * 16, 16)] = plsc.load_gather(gtab_v, [idx])

    def issue_s(ch, b):
        pltpu.async_copy(vals[b], acc_sh.at[dst_v.at[ch]], sems[b], add=True)

    def wait_s(b):
        pltpu.make_async_copy(vals[b], acc_sh.at[dst_v.at[0]], sems[b]).wait()

    compute(0, 0)
    issue_s(0, 0)
    compute(1, 1)
    issue_s(1, 1)

    def body(k, carry):
        wait_s(0)
        compute(2 * k, 0)
        issue_s(2 * k, 0)
        wait_s(1)
        compute(2 * k + 1, 1)
        issue_s(2 * k + 1, 1)
        return carry

    lax.fori_loop(1, NCH // 2, body, 0)
    wait_s(0)
    compute(NCH - 1, 0)
    issue_s(NCH - 1, 0)
    wait_s(1)
    wait_s(0)
    plsc.subcore_barrier()
    pltpu.sync_copy(acc_sh.at[pl.ds(s * RPT, RPT)],
                    out_hbm.at[cax, pl.ds(s * RPT, RPT)])


def _tc1a_body(x_ref, w1_ref, h_ref):
    h_ref[...] = jnp.dot(x_ref[...], w1_ref[...],
                         preferred_element_type=jnp.float32)


def _tc1b_body(cntp_ref, h_ref, hp_ref, dis_ref):
    cnt = cntp_ref[0:1, :] + cntp_ref[1:2, :]
    dis_row = lax.rsqrt(cnt + 1.0)
    dis = dis_row.reshape(NP, 1)[0:N]
    hp_ref[...] = h_ref[...] * dis
    dis_ref[...] = dis_row[:, 0:N]


def _tc2_body(sp_ref, hp_ref, dis_ref, b1_ref, w2_ref, gp_ref):
    dis = dis_ref[...].reshape(N, 1)
    sacc = sp_ref[0, 0:N, :] + sp_ref[1, 0:N, :] + hp_ref[...]
    h1 = jnp.maximum(dis * sacc + b1_ref[...], 0.0)
    h2 = jnp.dot(h1, w2_ref[...], preferred_element_type=jnp.float32)
    gp_ref[...] = (dis * h2).reshape(1, N)


def _tc3_body(tp_ref, gp_ref, dis_ref, b2_ref, out_ref):
    t = tp_ref[0:1, 0:N] + tp_ref[1:2, 0:N] + gp_ref[...]
    out_ref[...] = jax.nn.sigmoid(dis_ref[...] * t + b2_ref[...])


_tc1a = pl.pallas_call(
    _tc1a_body,
    out_shape=jax.ShapeDtypeStruct((N, D_HID), jnp.float32),
)
_tc1b = pl.pallas_call(
    _tc1b_body,
    out_shape=[jax.ShapeDtypeStruct((N, D_HID), jnp.float32),
               jax.ShapeDtypeStruct((1, N), jnp.float32)],
)
_tc2 = pl.pallas_call(
    _tc2_body,
    out_shape=jax.ShapeDtypeStruct((1, N), jnp.float32),
)
_tc3 = pl.pallas_call(
    _tc3_body,
    out_shape=jax.ShapeDtypeStruct((1, N), jnp.float32),
)


def kernel(x, edge_index, W1, b1, W2, b2):
    edges_r = edge_index.reshape(2, NW, NCH, C)
    zeros2 = jnp.zeros((NP, D_HID), jnp.float32)

    h = _tc1a(x, W1)
    cntp = _sc_degree(edges_r)
    hp, dis = _tc1b(cntp, h)
    sp = _sc_msg64(hp, edges_r, zeros2)
    gp = _tc2(sp, hp, dis, b1.reshape(1, D_HID), W2)
    tp = _sc_msg1(gp.reshape(N), edges_r)
    out = _tc3(tp, gp, dis, b2.reshape(1, 1))
    return out.reshape(N, 1)

# --- scband reference (transcript-rebuilt; emitter-appended) ---
"""Pipeline reference for scband-discriminator-3934190044271 (READ-ONLY COPY).

The authoritative reference and input builder live on the scoring server;
editing this copy changes nothing except your own understanding.
"""

import jax, jax.numpy as jnp
import numpy as np

N = 10000
E = 320000
D_IN = 128
D_HID = 64


def setup_inputs(seed: int = 0):
    key = jax.random.key(seed)
    k1, k2, k3, k4 = jax.random.split(key, 4)
    x = jax.random.normal(k1, (N, D_IN), dtype=jnp.float32)
    edge_index = jax.random.randint(k2, (2, E), 0, N, dtype=jnp.int32)
    W1 = jax.random.normal(k3, (D_IN, D_HID), dtype=jnp.float32) * (1.0 / np.sqrt(D_IN))
    b1 = jnp.zeros((D_HID,), dtype=jnp.float32)
    W2 = jax.random.normal(k4, (D_HID, 1), dtype=jnp.float32) * (1.0 / np.sqrt(D_HID))
    b2 = jnp.zeros((1,), dtype=jnp.float32)
    return {"x": x, "edge_index": edge_index, "W1": W1, "b1": b1, "W2": W2, "b2": b2}


def gcn_conv(x, edge_index, W, b):
    # GCNConv: out = D^{-1/2} (A + I) D^{-1/2} X W + b  (degrees computed on A + I)
    n = x.shape[0]
    loop = jnp.arange(n, dtype=edge_index.dtype)
    src = jnp.concatenate([edge_index[0], loop])
    dst = jnp.concatenate([edge_index[1], loop])
    deg = jax.ops.segment_sum(jnp.ones(src.shape[0], dtype=x.dtype), dst, num_segments=n)
    deg_inv_sqrt = jnp.where(deg > 0, jax.lax.rsqrt(jnp.maximum(deg, 1e-12)), 0.0)
    norm = deg_inv_sqrt[src] * deg_inv_sqrt[dst]
    h = x @ W
    msg = jnp.take(h, src, axis=0) * norm[:, None]
    out = jax.ops.segment_sum(msg, dst, num_segments=n)
    return out + b


def reference(x, edge_index, W1, b1, W2, b2):
    h = jax.nn.relu(gcn_conv(x, edge_index, W1, b1))
    out = jax.nn.sigmoid(gcn_conv(h, edge_index, W2, b2))
    return out

if __name__ == "__main__":
    import jax
    _d = setup_inputs()
    print(jax.jit(kernel)(*tuple(_d.values())))

</pallas_src>

<mosaic_0001>
#map = affine_map<(d0, d1) -> (0)>
#map1 = affine_map<(d0, d1) -> (0, 0, 0, 0)>
#map2 = affine_map<(d0, d1) -> (0, 0)>
module attributes {stable_mosaic.version = 14 : i64} {
  func.func @_sc_msg1(%arg0: i32, %arg1: i32, %arg2: memref<10000xf32, #tpu.memory_space<hbm>>, %arg3: memref<2x32x125x80xi32, #tpu.memory_space<hbm>>, %arg4: memref<2x10240xf32, #tpu.memory_space<hbm>>, %arg5: memref<125x80xi32, #tpu.memory_space<vmem>>, %arg6: memref<125x80xi32, #tpu.memory_space<vmem>>, %arg7: memref<10000xf32, #tpu.memory_space<vmem>>, %arg8: memref<80xf32, #tpu.memory_space<vmem>>, %arg9: memref<80xf32, #tpu.memory_space<vmem>>, %arg10: memref<!tpu.dma_semaphore, #tpu.memory_space<semaphore_mem>>, %arg11: memref<!tpu.dma_semaphore, #tpu.memory_space<semaphore_mem>>, %arg12: memref<10240xf32, #tpu.memory_space<vmem_shared>>) attributes {dimension_semantics = [#tpu.dimension_semantics<core_parallel>, #tpu.dimension_semantics<subcore_parallel>], iteration_bounds = array<i64: 2, 16>, scalar_prefetch = 0 : i64, scratch_operands = 8 : i64, tpu.core_type = #tpu.core_type<sc_vector_subcore>, window_params = [{transform_indices = #map}, {transform_indices = #map1}, {transform_indices = #map2}]} {
    %mul3A = arith.constant 2 : i32
    %mul3A_0 = arith.muli %arg1, %mul3A : i32
    %add3A = arith.addi %mul3A_0, %arg0 : i32
    %dma_start3A = arith.constant 0 : i32
    %dma_start3A_1 = arith.constant 0 : i32
    %dma_start3A_2 = arith.constant 0 : i32
    %dma_start3A_3 = tpu.memref_slice %arg3[%dma_start3A, %add3A, %dma_start3A_1, %dma_start3A_2] : memref<2x32x125x80xi32, #tpu.memory_space<hbm>> -> memref<1x1x125x80xi32, #tpu.memory_space<hbm>>
    %dma_start3A_4 = tpu.memref_squeeze %dma_start3A_3 : memref<1x1x125x80xi32, #tpu.memory_space<hbm>> -> memref<125x80xi32, #tpu.memory_space<hbm>>
    %dma_start3A_5 = arith.constant 0 : i32
    %dma_start3A_6 = arith.constant 0 : i32
    %dma_start3A_7 = tpu.memref_slice %arg3[%dma_start3A, %add3A, %dma_start3A_5, %dma_start3A_6] : memref<2x32x125x80xi32, #tpu.memory_space<hbm>> -> memref<1x1x125x80xi32, #tpu.memory_space<hbm>>
    %dma_start3A_8 = tpu.memref_squeeze %dma_start3A_7 : memref<1x1x125x80xi32, #tpu.memory_space<hbm>> -> memref<125x80xi32, #tpu.memory_space<hbm>>
    tpu.enqueue_dma source(%dma_start3A_8 : memref<125x80xi32, #tpu.memory_space<hbm>>) target(%arg5 : memref<125x80xi32, #tpu.memory_space<vmem>>) target_semaphore(%arg10 : memref<!tpu.dma_semaphore, #tpu.memory_space<semaphore_mem>>)
    %dma_start3A_9 = arith.constant 1 : i32
    %dma_start3A_10 = arith.constant 0 : i32
    %dma_start3A_11 = arith.constant 0 : i32
    %dma_start3A_12 = tpu.memref_slice %arg3[%dma_start3A_9, %add3A, %dma_start3A_10, %dma_start3A_11] : memref<2x32x125x80xi32, #tpu.memory_space<hbm>> -> memref<1x1x125x80xi32, #tpu.memory_space<hbm>>
    %dma_start3A_13 = tpu.memref_squeeze %dma_start3A_12 : memref<1x1x125x80xi32, #tpu.memory_space<hbm>> -> memref<125x80xi32, #tpu.memory_space<hbm>>
    %dma_start3A_14 = arith.constant 0 : i32
    %dma_start3A_15 = arith.constant 0 : i32
    %dma_start3A_16 = tpu.memref_slice %arg3[%dma_start3A_9, %add3A, %dma_start3A_14, %dma_start3A_15] : memref<2x32x125x80xi32, #tpu.memory_space<hbm>> -> memref<1x1x125x80xi32, #tpu.memory_space<hbm>>
    %dma_start3A_17 = tpu.memref_squeeze %dma_start3A_16 : memref<1x1x125x80xi32, #tpu.memory_space<hbm>> -> memref<125x80xi32, #tpu.memory_space<hbm>>
    tpu.enqueue_dma source(%dma_start3A_17 : memref<125x80xi32, #tpu.memory_space<hbm>>) target(%arg6 : memref<125x80xi32, #tpu.memory_space<vmem>>) target_semaphore(%arg11 : memref<!tpu.dma_semaphore, #tpu.memory_space<semaphore_mem>>)
    "tpu.region"() ({
      %run_scoped3A = tpu.sem_alloc : memref<!tpu.dma_semaphore, #tpu.memory_space<semaphore_mem>>
      tpu.enqueue_dma source(%arg2 : memref<10000xf32, #tpu.memory_space<hbm>>) target(%arg7 : memref<10000xf32, #tpu.memory_space<vmem>>) target_semaphore(%run_scoped3A : memref<!tpu.dma_semaphore, #tpu.memory_space<semaphore_mem>>)
      tpu.wait_dma2 semaphore(%run_scoped3A : memref<!tpu.dma_semaphore, #tpu.memory_space<semaphore_mem>>) src(%arg2 : memref<10000xf32, #tpu.memory_space<hbm>>) dst(%arg7 : memref<10000xf32, #tpu.memory_space<vmem>>)
      tpu.yield
    }) : () -> ()
    %dma_wait3A = arith.constant 0 : i32
    %dma_wait3A_18 = arith.constant 0 : i32
    %dma_wait3A_19 = arith.constant 0 : i32
    %dma_wait3A_20 = tpu.memref_slice %arg3[%dma_wait3A, %add3A, %dma_wait3A_18, %dma_wait3A_19] : memref<2x32x125x80xi32, #tpu.memory_space<hbm>> -> memref<1x1x125x80xi32, #tpu.memory_space<hbm>>
    %dma_wait3A_21 = tpu.memref_squeeze %dma_wait3A_20 : memref<1x1x125x80xi32, #tpu.memory_space<hbm>> -> memref<125x80xi32, #tpu.memory_space<hbm>>
    %dma_wait3A_22 = arith.constant 0 : i32
    %dma_wait3A_23 = arith.constant 0 : i32
    %dma_wait3A_24 = tpu.memref_slice %arg3[%dma_wait3A, %add3A, %dma_wait3A_22, %dma_wait3A_23] : memref<2x32x125x80xi32, #tpu.memory_space<hbm>> -> memref<1x1x125x80xi32, #tpu.memory_space<hbm>>
    %dma_wait3A_25 = tpu.memref_squeeze %dma_wait3A_24 : memref<1x1x125x80xi32, #tpu.memory_space<hbm>> -> memref<125x80xi32, #tpu.memory_space<hbm>>
    tpu.wait_dma2 semaphore(%arg10 : memref<!tpu.dma_semaphore, #tpu.memory_space<semaphore_mem>>) src(%dma_wait3A_25 : memref<125x80xi32, #tpu.memory_space<hbm>>) dst(%arg5 : memref<125x80xi32, #tpu.memory_space<vmem>>)
    %dma_wait3A_26 = arith.constant 1 : i32
    %dma_wait3A_27 = arith.constant 0 : i32
    %dma_wait3A_28 = arith.constant 0 : i32
    %dma_wait3A_29 = tpu.memref_slice %arg3[%dma_wait3A_26, %add3A, %dma_wait3A_27, %dma_wait3A_28] : memref<2x32x125x80xi32, #tpu.memory_space<hbm>> -> memref<1x1x125x80xi32, #tpu.memory_space<hbm>>
    %dma_wait3A_30 = tpu.memref_squeeze %dma_wait3A_29 : memref<1x1x125x80xi32, #tpu.memory_space<hbm>> -> memref<125x80xi32, #tpu.memory_space<hbm>>
    %dma_wait3A_31 = arith.constant 0 : i32
    %dma_wait3A_32 = arith.constant 0 : i32
    %dma_wait3A_33 = tpu.memref_slice %arg3[%dma_wait3A_26, %add3A, %dma_wait3A_31, %dma_wait3A_32] : memref<2x32x125x80xi32, #tpu.memory_space<hbm>> -> memref<1x1x125x80xi32, #tpu.memory_space<hbm>>
    %dma_wait3A_34 = tpu.memref_squeeze %dma_wait3A_33 : memref<1x1x125x80xi32, #tpu.memory_space<hbm>> -> memref<125x80xi32, #tpu.memory_space<hbm>>
    tpu.wait_dma2 semaphore(%arg11 : memref<!tpu.dma_semaphore, #tpu.memory_space<semaphore_mem>>) src(%dma_wait3A_34 : memref<125x80xi32, #tpu.memory_space<hbm>>) dst(%arg6 : memref<125x80xi32, #tpu.memory_space<vmem>>)
    %broadcast_in_dim3A = arith.constant 0.000000e+00 : f32
    %broadcast_in_dim3A_35 = vector.broadcast %broadcast_in_dim3A : f32 to vector<16xf32>
    %swap3A = arith.constant 0 : index
    %swap3A_36 = tpu.vector_load %arg8[%swap3A] {strides = array<i32>} : memref<80xf32, #tpu.memory_space<vmem>>, vector<16xf32>,
    tpu.vector_store %arg8[%swap3A], %broadcast_in_dim3A_35 {strides = array<i32>} : memref<80xf32, #tpu.memory_space<vmem>>, vector<16xf32>,
    %broadcast_in_dim3A_37 = arith.constant 0.000000e+00 : f32
    %broadcast_in_dim3A_38 = vector.broadcast %broadcast_in_dim3A_37 : f32 to vector<16xf32>
    %swap3A_39 = arith.constant 16 : index
    %swap3A_40 = tpu.vector_load %arg8[%swap3A_39] {strides = array<i32>} : memref<80xf32, #tpu.memory_space<vmem>>, vector<16xf32>,
    tpu.vector_store %arg8[%swap3A_39], %broadcast_in_dim3A_38 {strides = array<i32>} : memref<80xf32, #tpu.memory_space<vmem>>, vector<16xf32>,
    %broadcast_in_dim3A_41 = arith.constant 0.000000e+00 : f32
    %broadcast_in_dim3A_42 = vector.broadcast %broadcast_in_dim3A_41 : f32 to vector<16xf32>
    %swap3A_43 = arith.constant 32 : index
    %swap3A_44 = tpu.vector_load %arg8[%swap3A_43] {strides = array<i32>} : memref<80xf32, #tpu.memory_space<vmem>>, vector<16xf32>,
    tpu.vector_store %arg8[%swap3A_43], %broadcast_in_dim3A_42 {strides = array<i32>} : memref<80xf32, #tpu.memory_space<vmem>>, vector<16xf32>,
    %broadcast_in_dim3A_45 = arith.constant 0.000000e+00 : f32
    %broadcast_in_dim3A_46 = vector.broadcast %broadcast_in_dim3A_45 : f32 to vector<16xf32>
    %swap3A_47 = arith.constant 48 : index
    %swap3A_48 = tpu.vector_load %arg8[%swap3A_47] {strides = array<i32>} : memref<80xf32, #tpu.memory_space<vmem>>, vector<16xf32>,
    tpu.vector_store %arg8[%swap3A_47], %broadcast_in_dim3A_46 {strides = array<i32>} : memref<80xf32, #tpu.memory_space<vmem>>, vector<16xf32>,
    %broadcast_in_dim3A_49 = arith.constant 0.000000e+00 : f32
    %broadcast_in_dim3A_50 = vector.broadcast %broadcast_in_dim3A_49 : f32 to vector<16xf32>
    %swap3A_51 = arith.constant 64 : index
    %swap3A_52 = tpu.vector_load %arg8[%swap3A_51] {strides = array<i32>} : memref<80xf32, #tpu.memory_space<vmem>>, vector<16xf32>,
    tpu.vector_store %arg8[%swap3A_51], %broadcast_in_dim3A_50 {strides = array<i32>} : memref<80xf32, #tpu.memory_space<vmem>>, vector<16xf32>,
    %mul3A_53 = arith.constant 640 : i32
    %mul3A_54 = arith.muli %arg1, %mul3A_53 : i32
    %add3A_55 = arith.constant 0 : i32
    %add3A_56 = arith.addi %mul3A_54, %add3A_55 : i32
    "tpu.region"() ({
      %run_scoped3A = tpu.sem_alloc : memref<!tpu.dma_semaphore, #tpu.memory_space<semaphore_mem>>
      %dma_start3A_234 = tpu.memref_slice %arg12[%add3A_56] : memref<10240xf32, #tpu.memory_space<vmem_shared>> -> memref<80xf32, #tpu.memory_space<vmem_shared>>
      %dma_start3A_235 = tpu.memref_slice %arg12[%add3A_56] : memref<10240xf32, #tpu.memory_space<vmem_shared>> -> memref<80xf32, #tpu.memory_space<vmem_shared>>
      tpu.enqueue_dma source(%arg8 : memref<80xf32, #tpu.memory_space<vmem>>) target(%dma_start3A_235 : memref<80xf32, #tpu.memory_space<vmem_shared>>) target_semaphore(%run_scoped3A : memref<!tpu.dma_semaphore, #tpu.memory_space<semaphore_mem>>)
      %dma_wait3A_236 = tpu.memref_slice %arg12[%add3A_56] : memref<10240xf32, #tpu.memory_space<vmem_shared>> -> memref<80xf32, #tpu.memory_space<vmem_shared>>
      %dma_wait3A_237 = tpu.memref_slice %arg12[%add3A_56] : memref<10240xf32, #tpu.memory_space<vmem_shared>> -> memref<80xf32, #tpu.memory_space<vmem_shared>>
      tpu.wait_dma2 semaphore(%run_scoped3A : memref<!tpu.dma_semaphore, #tpu.memory_space<semaphore_mem>>) src(%arg8 : memref<80xf32, #tpu.memory_space<vmem>>) dst(%dma_wait3A_237 : memref<80xf32, #tpu.memory_space<vmem_shared>>)
      tpu.yield
    }) : () -> ()
    %mul3A_57 = arith.constant 640 : i32
    %mul3A_58 = arith.muli %arg1, %mul3A_57 : i32
    %add3A_59 = arith.constant 80 : i32
    %add3A_60 = arith.addi %mul3A_58, %add3A_59 : i32
    "tpu.region"() ({
      %run_scoped3A = tpu.sem_alloc : memref<!tpu.dma_semaphore, #tpu.memory_space<semaphore_mem>>
      %dma_start3A_234 = tpu.memref_slice %arg12[%add3A_60] : memref<10240xf32, #tpu.memory_space<vmem_shared>> -> memref<80xf32, #tpu.memory_space<vmem_shared>>
      %dma_start3A_235 = tpu.memref_slice %arg12[%add3A_60] : memref<10240xf32, #tpu.memory_space<vmem_shared>> -> memref<80xf32, #tpu.memory_space<vmem_shared>>
      tpu.enqueue_dma source(%arg8 : memref<80xf32, #tpu.memory_space<vmem>>) target(%dma_start3A_235 : memref<80xf32, #tpu.memory_space<vmem_shared>>) target_semaphore(%run_scoped3A : memref<!tpu.dma_semaphore, #tpu.memory_space<semaphore_mem>>)
      %dma_wait3A_236 = tpu.memref_slice %arg12[%add3A_60] : memref<10240xf32, #tpu.memory_space<vmem_shared>> -> memref<80xf32, #tpu.memory_space<vmem_shared>>
      %dma_wait3A_237 = tpu.memref_slice %arg12[%add3A_60] : memref<10240xf32, #tpu.memory_space<vmem_shared>> -> memref<80xf32, #tpu.memory_space<vmem_shared>>
      tpu.wait_dma2 semaphore(%run_scoped3A : memref<!tpu.dma_semaphore, #tpu.memory_space<semaphore_mem>>) src(%arg8 : memref<80xf32, #tpu.memory_space<vmem>>) dst(%dma_wait3A_237 : memref<80xf32, #tpu.memory_space<vmem_shared>>)
      tpu.yield
    }) : () -> ()
    %mul3A_61 = arith.constant 640 : i32
    %mul3A_62 = arith.muli %arg1, %mul3A_61 : i32
    %add3A_63 = arith.constant 160 : i32
    %add3A_64 = arith.addi %mul3A_62, %add3A_63 : i32
    "tpu.region"() ({
      %run_scoped3A = tpu.sem_alloc : memref<!tpu.dma_semaphore, #tpu.memory_space<semaphore_mem>>
      %dma_start3A_234 = tpu.memref_slice %arg12[%add3A_64] : memref<10240xf32, #tpu.memory_space<vmem_shared>> -> memref<80xf32, #tpu.memory_space<vmem_shared>>
      %dma_start3A_235 = tpu.memref_slice %arg12[%add3A_64] : memref<10240xf32, #tpu.memory_space<vmem_shared>> -> memref<80xf32, #tpu.memory_space<vmem_shared>>
      tpu.enqueue_dma source(%arg8 : memref<80xf32, #tpu.memory_space<vmem>>) target(%dma_start3A_235 : memref<80xf32, #tpu.memory_space<vmem_shared>>) target_semaphore(%run_scoped3A : memref<!tpu.dma_semaphore, #tpu.memory_space<semaphore_mem>>)
      %dma_wait3A_236 = tpu.memref_slice %arg12[%add3A_64] : memref<10240xf32, #tpu.memory_space<vmem_shared>> -> memref<80xf32, #tpu.memory_space<vmem_shared>>
      %dma_wait3A_237 = tpu.memref_slice %arg12[%add3A_64] : memref<10240xf32, #tpu.memory_space<vmem_shared>> -> memref<80xf32, #tpu.memory_space<vmem_shared>>
      tpu.wait_dma2 semaphore(%run_scoped3A : memref<!tpu.dma_semaphore, #tpu.memory_space<semaphore_mem>>) src(%arg8 : memref<80xf32, #tpu.memory_space<vmem>>) dst(%dma_wait3A_237 : memref<80xf32, #tpu.memory_space<vmem_shared>>)
      tpu.yield
    }) : () -> ()
    %mul3A_65 = arith.constant 640 : i32
    %mul3A_66 = arith.muli %arg1, %mul3A_65 : i32
    %add3A_67 = arith.constant 240 : i32
    %add3A_68 = arith.addi %mul3A_66, %add3A_67 : i32
    "tpu.region"() ({
      %run_scoped3A = tpu.sem_alloc : memref<!tpu.dma_semaphore, #tpu.memory_space<semaphore_mem>>
      %dma_start3A_234 = tpu.memref_slice %arg12[%add3A_68] : memref<10240xf32, #tpu.memory_space<vmem_shared>> -> memref<80xf32, #tpu.memory_space<vmem_shared>>
      %dma_start3A_235 = tpu.memref_slice %arg12[%add3A_68] : memref<10240xf32, #tpu.memory_space<vmem_shared>> -> memref<80xf32, #tpu.memory_space<vmem_shared>>
      tpu.enqueue_dma source(%arg8 : memref<80xf32, #tpu.memory_space<vmem>>) target(%dma_start3A_235 : memref<80xf32, #tpu.memory_space<vmem_shared>>) target_semaphore(%run_scoped3A : memref<!tpu.dma_semaphore, #tpu.memory_space<semaphore_mem>>)
      %dma_wait3A_236 = tpu.memref_slice %arg12[%add3A_68] : memref<10240xf32, #tpu.memory_space<vmem_shared>> -> memref<80xf32, #tpu.memory_space<vmem_shared>>
      %dma_wait3A_237 = tpu.memref_slice %arg12[%add3A_68] : memref<10240xf32, #tpu.memory_space<vmem_shared>> -> memref<80xf32, #tpu.memory_space<vmem_shared>>
      tpu.wait_dma2 semaphore(%run_scoped3A : memref<!tpu.dma_semaphore, #tpu.memory_space<semaphore_mem>>) src(%arg8 : memref<80xf32, #tpu.memory_space<vmem>>) dst(%dma_wait3A_237 : memref<80xf32, #tpu.memory_space<vmem_shared>>)
      tpu.yield
    }) : () -> ()
    %mul3A_69 = arith.constant 640 : i32
    %mul3A_70 = arith.muli %arg1, %mul3A_69 : i32
    %add3A_71 = arith.constant 320 : i32
    %add3A_72 = arith.addi %mul3A_70, %add3A_71 : i32
    "tpu.region"() ({
      %run_scoped3A = tpu.sem_alloc : memref<!tpu.dma_semaphore, #tpu.memory_space<semaphore_mem>>
      %dma_start3A_234 = tpu.memref_slice %arg12[%add3A_72] : memref<10240xf32, #tpu.memory_space<vmem_shared>> -> memref<80xf32, #tpu.memory_space<vmem_shared>>
      %dma_start3A_235 = tpu.memref_slice %arg12[%add3A_72] : memref<10240xf32, #tpu.memory_space<vmem_shared>> -> memref<80xf32, #tpu.memory_space<vmem_shared>>
      tpu.enqueue_dma source(%arg8 : memref<80xf32, #tpu.memory_space<vmem>>) target(%dma_start3A_235 : memref<80xf32, #tpu.memory_space<vmem_shared>>) target_semaphore(%run_scoped3A : memref<!tpu.dma_semaphore, #tpu.memory_space<semaphore_mem>>)
      %dma_wait3A_236 = tpu.memref_slice %arg12[%add3A_72] : memref<10240xf32, #tpu.memory_space<vmem_shared>> -> memref<80xf32, #tpu.memory_space<vmem_shared>>
      %dma_wait3A_237 = tpu.memref_slice %arg12[%add3A_72] : memref<10240xf32, #tpu.memory_space<vmem_shared>> -> memref<80xf32, #tpu.memory_space<vmem_shared>>
      tpu.wait_dma2 semaphore(%run_scoped3A : memref<!tpu.dma_semaphore, #tpu.memory_space<semaphore_mem>>) src(%arg8 : memref<80xf32, #tpu.memory_space<vmem>>) dst(%dma_wait3A_237 : memref<80xf32, #tpu.memory_space<vmem_shared>>)
      tpu.yield
    }) : () -> ()
    %mul3A_73 = arith.constant 640 : i32
    %mul3A_74 = arith.muli %arg1, %mul3A_73 : i32
    %add3A_75 = arith.constant 400 : i32
    %add3A_76 = arith.addi %mul3A_74, %add3A_75 : i32
    "tpu.region"() ({
      %run_scoped3A = tpu.sem_alloc : memref<!tpu.dma_semaphore, #tpu.memory_space<semaphore_mem>>
      %dma_start3A_234 = tpu.memref_slice %arg12[%add3A_76] : memref<10240xf32, #tpu.memory_space<vmem_shared>> -> memref<80xf32, #tpu.memory_space<vmem_shared>>
      %dma_start3A_235 = tpu.memref_slice %arg12[%add3A_76] : memref<10240xf32, #tpu.memory_space<vmem_shared>> -> memref<80xf32, #tpu.memory_space<vmem_shared>>
      tpu.enqueue_dma source(%arg8 : memref<80xf32, #tpu.memory_space<vmem>>) target(%dma_start3A_235 : memref<80xf32, #tpu.memory_space<vmem_shared>>) target_semaphore(%run_scoped3A : memref<!tpu.dma_semaphore, #tpu.memory_space<semaphore_mem>>)
      %dma_wait3A_236 = tpu.memref_slice %arg12[%add3A_76] : memref<10240xf32, #tpu.memory_space<vmem_shared>> -> memref<80xf32, #tpu.memory_space<vmem_shared>>
      %dma_wait3A_237 = tpu.memref_slice %arg12[%add3A_76] : memref<10240xf32, #tpu.memory_space<vmem_shared>> -> memref<80xf32, #tpu.memory_space<vmem_shared>>
      tpu.wait_dma2 semaphore(%run_scoped3A : memref<!tpu.dma_semaphore, #tpu.memory_space<semaphore_mem>>) src(%arg8 : memref<80xf32, #tpu.memory_space<vmem>>) dst(%dma_wait3A_237 : memref<80xf32, #tpu.memory_space<vmem_shared>>)
      tpu.yield
    }) : () -> ()
    %mul3A_77 = arith.constant 640 : i32
    %mul3A_78 = arith.muli %arg1, %mul3A_77 : i32
    %add3A_79 = arith.constant 480 : i32
    %add3A_80 = arith.addi %mul3A_78, %add3A_79 : i32
    "tpu.region"() ({
      %run_scoped3A = tpu.sem_alloc : memref<!tpu.dma_semaphore, #tpu.memory_space<semaphore_mem>>
      %dma_start3A_234 = tpu.memref_slice %arg12[%add3A_80] : memref<10240xf32, #tpu.memory_space<vmem_shared>> -> memref<80xf32, #tpu.memory_space<vmem_shared>>
      %dma_start3A_235 = tpu.memref_slice %arg12[%add3A_80] : memref<10240xf32, #tpu.memory_space<vmem_shared>> -> memref<80xf32, #tpu.memory_space<vmem_shared>>
      tpu.enqueue_dma source(%arg8 : memref<80xf32, #tpu.memory_space<vmem>>) target(%dma_start3A_235 : memref<80xf32, #tpu.memory_space<vmem_shared>>) target_semaphore(%run_scoped3A : memref<!tpu.dma_semaphore, #tpu.memory_space<semaphore_mem>>)
      %dma_wait3A_236 = tpu.memref_slice %arg12[%add3A_80] : memref<10240xf32, #tpu.memory_space<vmem_shared>> -> memref<80xf32, #tpu.memory_space<vmem_shared>>
      %dma_wait3A_237 = tpu.memref_slice %arg12[%add3A_80] : memref<10240xf32, #tpu.memory_space<vmem_shared>> -> memref<80xf32, #tpu.memory_space<vmem_shared>>
      tpu.wait_dma2 semaphore(%run_scoped3A : memref<!tpu.dma_semaphore, #tpu.memory_space<semaphore_mem>>) src(%arg8 : memref<80xf32, #tpu.memory_space<vmem>>) dst(%dma_wait3A_237 : memref<80xf32, #tpu.memory_space<vmem_shared>>)
      tpu.yield
    }) : () -> ()
    %mul3A_81 = arith.constant 640 : i32
    %mul3A_82 = arith.muli %arg1, %mul3A_81 : i32
    %add3A_83 = arith.constant 560 : i32
    %add3A_84 = arith.addi %mul3A_82, %add3A_83 : i32
    "tpu.region"() ({
      %run_scoped3A = tpu.sem_alloc : memref<!tpu.dma_semaphore, #tpu.memory_space<semaphore_mem>>
      %dma_start3A_234 = tpu.memref_slice %arg12[%add3A_84] : memref<10240xf32, #tpu.memory_space<vmem_shared>> -> memref<80xf32, #tpu.memory_space<vmem_shared>>
      %dma_start3A_235 = tpu.memref_slice %arg12[%add3A_84] : memref<10240xf32, #tpu.memory_space<vmem_shared>> -> memref<80xf32, #tpu.memory_space<vmem_shared>>
      tpu.enqueue_dma source(%arg8 : memref<80xf32, #tpu.memory_space<vmem>>) target(%dma_start3A_235 : memref<80xf32, #tpu.memory_space<vmem_shared>>) target_semaphore(%run_scoped3A : memref<!tpu.dma_semaphore, #tpu.memory_space<semaphore_mem>>)
      %dma_wait3A_236 = tpu.memref_slice %arg12[%add3A_84] : memref<10240xf32, #tpu.memory_space<vmem_shared>> -> memref<80xf32, #tpu.memory_space<vmem_shared>>
      %dma_wait3A_237 = tpu.memref_slice %arg12[%add3A_84] : memref<10240xf32, #tpu.memory_space<vmem_shared>> -> memref<80xf32, #tpu.memory_space<vmem_shared>>
      tpu.wait_dma2 semaphore(%run_scoped3A : memref<!tpu.dma_semaphore, #tpu.memory_space<semaphore_mem>>) src(%arg8 : memref<80xf32, #tpu.memory_space<vmem>>) dst(%dma_wait3A_237 : memref<80xf32, #tpu.memory_space<vmem_shared>>)
      tpu.yield
    }) : () -> ()
    %barrier3A = arith.constant 0 : index
    tpu.barrier barrier_id(%barrier3A)
    %get3A = arith.constant 0 : i32
    %get3A_85 = arith.index_cast %get3A : i32 to index
    %get3A_86 = arith.constant 0 : index
    %get3A_87 = tpu.vector_load %arg5[%get3A_85, %get3A_86] {strides = array<i32>} : memref<125x80xi32, #tpu.memory_space<vmem>>, vector<16xi32>,
    %gather3A = tpu.vector_load_idx %arg7[%get3A_87] : memref<10000xf32, #tpu.memory_space<vmem>>[vector<16xi32>], vector<16xf32>,
    %swap3A_88 = arith.constant 0 : index
    %swap3A_89 = tpu.vector_load %arg8[%swap3A_88] {strides = array<i32>} : memref<80xf32, #tpu.memory_space<vmem>>, vector<16xf32>,
    tpu.vector_store %arg8[%swap3A_88], %gather3A {strides = array<i32>} : memref<80xf32, #tpu.memory_space<vmem>>, vector<16xf32>,
    %get3A_90 = arith.constant 0 : i32
    %get3A_91 = arith.index_cast %get3A_90 : i32 to index
    %get3A_92 = arith.constant 16 : index
    %get3A_93 = tpu.vector_load %arg5[%get3A_91, %get3A_92] {strides = array<i32>} : memref<125x80xi32, #tpu.memory_space<vmem>>, vector<16xi32>,
    %gather3A_94 = tpu.vector_load_idx %arg7[%get3A_93] : memref<10000xf32, #tpu.memory_space<vmem>>[vector<16xi32>], vector<16xf32>,
    %swap3A_95 = arith.constant 16 : index
    %swap3A_96 = tpu.vector_load %arg8[%swap3A_95] {strides = array<i32>} : memref<80xf32, #tpu.memory_space<vmem>>, vector<16xf32>,
    tpu.vector_store %arg8[%swap3A_95], %gather3A_94 {strides = array<i32>} : memref<80xf32, #tpu.memory_space<vmem>>, vector<16xf32>,
    %get3A_97 = arith.constant 0 : i32
    %get3A_98 = arith.index_cast %get3A_97 : i32 to index
    %get3A_99 = arith.constant 32 : index
    %get3A_100 = tpu.vector_load %arg5[%get3A_98, %get3A_99] {strides = array<i32>} : memref<125x80xi32, #tpu.memory_space<vmem>>, vector<16xi32>,
    %gather3A_101 = tpu.vector_load_idx %arg7[%get3A_100] : memref<10000xf32, #tpu.memory_space<vmem>>[vector<16xi32>], vector<16xf32>,
    %swap3A_102 = arith.constant 32 : index
    %swap3A_103 = tpu.vector_load %arg8[%swap3A_102] {strides = array<i32>} : memref<80xf32, #tpu.memory_space<vmem>>, vector<16xf32>,
    tpu.vector_store %arg8[%swap3A_102], %gather3A_101 {strides = array<i32>} : memref<80xf32, #tpu.memory_space<vmem>>, vector<16xf32>,
    %get3A_104 = arith.constant 0 : i32
    %get3A_105 = arith.index_cast %get3A_104 : i32 to index
    %get3A_106 = arith.constant 48 : index
    %get3A_107 = tpu.vector_load %arg5[%get3A_105, %get3A_106] {strides = array<i32>} : memref<125x80xi32, #tpu.memory_space<vmem>>, vector<16xi32>,
    %gather3A_108 = tpu.vector_load_idx %arg7[%get3A_107] : memref<10000xf32, #tpu.memory_space<vmem>>[vector<16xi32>], vector<16xf32>,
    %swap3A_109 = arith.constant 48 : index
    %swap3A_110 = tpu.vector_load %arg8[%swap3A_109] {strides = array<i32>} : memref<80xf32, #tpu.memory_space<vmem>>, vector<16xf32>,
    tpu.vector_store %arg8[%swap3A_109], %gather3A_108 {strides = array<i32>} : memref<80xf32, #tpu.memory_space<vmem>>, vector<16xf32>,
    %get3A_111 = arith.constant 0 : i32
    %get3A_112 = arith.index_cast %get3A_111 : i32 to index
    %get3A_113 = arith.constant 64 : index
    %get3A_114 = tpu.vector_load %arg5[%get3A_112, %get3A_113] {strides = array<i32>} : memref<125x80xi32, #tpu.memory_space<vmem>>, vector<16xi32>,
    %gather3A_115 = tpu.vector_load_idx %arg7[%get3A_114] : memref<10000xf32, #tpu.memory_space<vmem>>[vector<16xi32>], vector<16xf32>,
    %swap3A_116 = arith.constant 64 : index
    %swap3A_117 = tpu.vector_load %arg8[%swap3A_116] {strides = array<i32>} : memref<80xf32, #tpu.memory_space<vmem>>, vector<16xf32>,
    tpu.vector_store %arg8[%swap3A_116], %gather3A_115 {strides = array<i32>} : memref<80xf32, #tpu.memory_space<vmem>>, vector<16xf32>,
    %dma_start3A_118 = arith.constant 0 : i32
    %dma_start3A_119 = arith.constant 0 : i32
    %dma_start3A_120 = tpu.memref_slice %arg6[%dma_start3A_118, %dma_start3A_119] : memref<125x80xi32, #tpu.memory_space<vmem>> -> memref<1x80xi32, #tpu.memory_space<vmem>>
    %dma_start3A_121 = tpu.memref_squeeze %dma_start3A_120 : memref<1x80xi32, #tpu.memory_space<vmem>> -> memref<80xi32, #tpu.memory_space<vmem>>
    %dma_start3A_122 = arith.constant 0 : i32
    %dma_start3A_123 = tpu.memref_slice %arg12[%dma_start3A_122] : memref<10240xf32, #tpu.memory_space<vmem_shared>> -> memref<10240xf32, #tpu.memory_space<vmem_shared>>
    tpu.enqueue_indirect_dma source(%arg8 : memref<80xf32, #tpu.memory_space<vmem>>) target(%dma_start3A_123 : memref<10240xf32, #tpu.memory_space<vmem_shared>>) offsets(%dma_start3A_121 : memref<80xi32, #tpu.memory_space<vmem>>) semaphore(%arg10 : memref<!tpu.dma_semaphore, #tpu.memory_space<semaphore_mem>>) {add = true}
    %get3A_124 = arith.constant 1 : i32
    %get3A_125 = arith.index_cast %get3A_124 : i32 to index
    %get3A_126 = arith.constant 0 : index
    %get3A_127 = tpu.vector_load %arg5[%get3A_125, %get3A_126] {strides = array<i32>} : memref<125x80xi32, #tpu.memory_space<vmem>>, vector<16xi32>,
    %gather3A_128 = tpu.vector_load_idx %arg7[%get3A_127] : memref<10000xf32, #tpu.memory_space<vmem>>[vector<16xi32>], vector<16xf32>,
    %swap3A_129 = arith.constant 0 : index
    %swap3A_130 = tpu.vector_load %arg9[%swap3A_129] {strides = array<i32>} : memref<80xf32, #tpu.memory_space<vmem>>, vector<16xf32>,
    tpu.vector_store %arg9[%swap3A_129], %gather3A_128 {strides = array<i32>} : memref<80xf32, #tpu.memory_space<vmem>>, vector<16xf32>,
    %get3A_131 = arith.constant 1 : i32
    %get3A_132 = arith.index_cast %get3A_131 : i32 to index
    %get3A_133 = arith.constant 16 : index
    %get3A_134 = tpu.vector_load %arg5[%get3A_132, %get3A_133] {strides = array<i32>} : memref<125x80xi32, #tpu.memory_space<vmem>>, vector<16xi32>,
    %gather3A_135 = tpu.vector_load_idx %arg7[%get3A_134] : memref<10000xf32, #tpu.memory_space<vmem>>[vector<16xi32>], vector<16xf32>,
    %swap3A_136 = arith.constant 16 : index
    %swap3A_137 = tpu.vector_load %arg9[%swap3A_136] {strides = array<i32>} : memref<80xf32, #tpu.memory_space<vmem>>, vector<16xf32>,
    tpu.vector_store %arg9[%swap3A_136], %gather3A_135 {strides = array<i32>} : memref<80xf32, #tpu.memory_space<vmem>>, vector<16xf32>,
    %get3A_138 = arith.constant 1 : i32
    %get3A_139 = arith.index_cast %get3A_138 : i32 to index
    %get3A_140 = arith.constant 32 : index
    %get3A_141 = tpu.vector_load %arg5[%get3A_139, %get3A_140] {strides = array<i32>} : memref<125x80xi32, #tpu.memory_space<vmem>>, vector<16xi32>,
    %gather3A_142 = tpu.vector_load_idx %arg7[%get3A_141] : memref<10000xf32, #tpu.memory_space<vmem>>[vector<16xi32>], vector<16xf32>,
    %swap3A_143 = arith.constant 32 : index
    %swap3A_144 = tpu.vector_load %arg9[%swap3A_143] {strides = array<i32>} : memref<80xf32, #tpu.memory_space<vmem>>, vector<16xf32>,
    tpu.vector_store %arg9[%swap3A_143], %gather3A_142 {strides = array<i32>} : memref<80xf32, #tpu.memory_space<vmem>>, vector<16xf32>,
    %get3A_145 = arith.constant 1 : i32
    %get3A_146 = arith.index_cast %get3A_145 : i32 to index
    %get3A_147 = arith.constant 48 : index
    %get3A_148 = tpu.vector_load %arg5[%get3A_146, %get3A_147] {strides = array<i32>} : memref<125x80xi32, #tpu.memory_space<vmem>>, vector<16xi32>,
    %gather3A_149 = tpu.vector_load_idx %arg7[%get3A_148] : memref<10000xf32, #tpu.memory_space<vmem>>[vector<16xi32>], vector<16xf32>,
    %swap3A_150 = arith.constant 48 : index
    %swap3A_151 = tpu.vector_load %arg9[%swap3A_150] {strides = array<i32>} : memref<80xf32, #tpu.memory_space<vmem>>, vector<16xf32>,
    tpu.vector_store %arg9[%swap3A_150], %gather3A_149 {strides = array<i32>} : memref<80xf32, #tpu.memory_space<vmem>>, vector<16xf32>,
    %get3A_152 = arith.constant 1 : i32
    %get3A_153 = arith.index_cast %get3A_152 : i32 to index
    %get3A_154 = arith.constant 64 : index
    %get3A_155 = tpu.vector_load %arg5[%get3A_153, %get3A_154] {strides = array<i32>} : memref<125x80xi32, #tpu.memory_space<vmem>>, vector<16xi32>,
    %gather3A_156 = tpu.vector_load_idx %arg7[%get3A_155] : memref<10000xf32, #tpu.memory_space<vmem>>[vector<16xi32>], vector<16xf32>,
    %swap3A_157 = arith.constant 64 : index
    %swap3A_158 = tpu.vector_load %arg9[%swap3A_157] {strides = array<i32>} : memref<80xf32, #tpu.memory_space<vmem>>, vector<16xf32>,
    tpu.vector_store %arg9[%swap3A_157], %gather3A_156 {strides = array<i32>} : memref<80xf32, #tpu.memory_space<vmem>>, vector<16xf32>,
    %dma_start3A_159 = arith.constant 1 : i32
    %dma_start3A_160 = arith.constant 0 : i32
    %dma_start3A_161 = tpu.memref_slice %arg6[%dma_start3A_159, %dma_start3A_160] : memref<125x80xi32, #tpu.memory_space<vmem>> -> memref<1x80xi32, #tpu.memory_space<vmem>>
    %dma_start3A_162 = tpu.memref_squeeze %dma_start3A_161 : memref<1x80xi32, #tpu.memory_space<vmem>> -> memref<80xi32, #tpu.memory_space<vmem>>
    %dma_start3A_163 = arith.constant 0 : i32
    %dma_start3A_164 = tpu.memref_slice %arg12[%dma_start3A_163] : memref<10240xf32, #tpu.memory_space<vmem_shared>> -> memref<10240xf32, #tpu.memory_space<vmem_shared>>
    tpu.enqueue_indirect_dma source(%arg9 : memref<80xf32, #tpu.memory_space<vmem>>) target(%dma_start3A_164 : memref<10240xf32, #tpu.memory_space<vmem_shared>>) offsets(%dma_start3A_162 : memref<80xi32, #tpu.memory_space<vmem>>) semaphore(%arg11 : memref<!tpu.dma_semaphore, #tpu.memory_space<semaphore_mem>>) {add = true}
    %scan3A = arith.constant 0 : i32
    %scan3A_165 = arith.constant 1 : i32
    %scan3A_166 = arith.constant 61 : i32
    %scan3A_167 = arith.addi %scan3A_165, %scan3A_166 : i32
    %scan3A_168 = arith.constant 1 : i32
    scf.for %scan3A_234 = %scan3A_165 to %scan3A_167 step %scan3A_168  : i32 {
      %dma_wait3A_235 = arith.constant 0 : i32
      %dma_wait3A_236 = arith.constant 0 : i32
      %dma_wait3A_237 = tpu.memref_slice %arg6[%dma_wait3A_235, %dma_wait3A_236] : memref<125x80xi32, #tpu.memory_space<vmem>> -> memref<1x80xi32, #tpu.memory_space<vmem>>
      %dma_wait3A_238 = tpu.memref_squeeze %dma_wait3A_237 : memref<1x80xi32, #tpu.memory_space<vmem>> -> memref<80xi32, #tpu.memory_space<vmem>>
      %dma_wait3A_239 = arith.constant 0 : i32
      %dma_wait3A_240 = tpu.memref_slice %arg12[%dma_wait3A_239] : memref<10240xf32, #tpu.memory_space<vmem_shared>> -> memref<10240xf32, #tpu.memory_space<vmem_shared>>
      tpu.wait_indirect_dma semaphore(%arg10 : memref<!tpu.dma_semaphore, #tpu.memory_space<semaphore_mem>>) src(%arg8 : memref<80xf32, #tpu.memory_space<vmem>>) dst(%dma_wait3A_240 : memref<10240xf32, #tpu.memory_space<vmem_shared>>)
      %mul3A_241 = arith.constant 2 : i32
      %mul3A_242 = arith.muli %mul3A_241, %scan3A_234 : i32
      %get3A_243 = arith.index_cast %mul3A_242 : i32 to index
      %get3A_244 = arith.constant 0 : index
      %get3A_245 = tpu.vector_load %arg5[%get3A_243, %get3A_244] {strides = array<i32>} : memref<125x80xi32, #tpu.memory_space<vmem>>, vector<16xi32>,
      %gather3A_246 = tpu.vector_load_idx %arg7[%get3A_245] : memref<10000xf32, #tpu.memory_space<vmem>>[vector<16xi32>], vector<16xf32>,
      %swap3A_247 = arith.constant 0 : index
      %swap3A_248 = tpu.vector_load %arg8[%swap3A_247] {strides = array<i32>} : memref<80xf32, #tpu.memory_space<vmem>>, vector<16xf32>,
      tpu.vector_store %arg8[%swap3A_247], %gather3A_246 {strides = array<i32>} : memref<80xf32, #tpu.memory_space<vmem>>, vector<16xf32>,
      %get3A_249 = arith.index_cast %mul3A_242 : i32 to index
      %get3A_250 = arith.constant 16 : index
      %get3A_251 = tpu.vector_load %arg5[%get3A_249, %get3A_250] {strides = array<i32>} : memref<125x80xi32, #tpu.memory_space<vmem>>, vector<16xi32>,
      %gather3A_252 = tpu.vector_load_idx %arg7[%get3A_251] : memref<10000xf32, #tpu.memory_space<vmem>>[vector<16xi32>], vector<16xf32>,
      %swap3A_253 = arith.constant 16 : index
      %swap3A_254 = tpu.vector_load %arg8[%swap3A_253] {strides = array<i32>} : memref<80xf32, #tpu.memory_space<vmem>>, vector<16xf32>,
      tpu.vector_store %arg8[%swap3A_253], %gather3A_252 {strides = array<i32>} : memref<80xf32, #tpu.memory_space<vmem>>, vector<16xf32>,
      %get3A_255 = arith.index_cast %mul3A_242 : i32 to index
      %get3A_256 = arith.constant 32 : index
      %get3A_257 = tpu.vector_load %arg5[%get3A_255, %get3A_256] {strides = array<i32>} : memref<125x80xi32, #tpu.memory_space<vmem>>, vector<16xi32>,
      %gather3A_258 = tpu.vector_load_idx %arg7[%get3A_257] : memref<10000xf32, #tpu.memory_space<vmem>>[vector<16xi32>], vector<16xf32>,
      %swap3A_259 = arith.constant 32 : index
      %swap3A_260 = tpu.vector_load %arg8[%swap3A_259] {strides = array<i32>} : memref<80xf32, #tpu.memory_space<vmem>>, vector<16xf32>,
      tpu.vector_store %arg8[%swap3A_259], %gather3A_258 {strides = array<i32>} : memref<80xf32, #tpu.memory_space<vmem>>, vector<16xf32>,
      %get3A_261 = arith.index_cast %mul3A_242 : i32 to index
      %get3A_262 = arith.constant 48 : index
      %get3A_263 = tpu.vector_load %arg5[%get3A_261, %get3A_262] {strides = array<i32>} : memref<125x80xi32, #tpu.memory_space<vmem>>, vector<16xi32>,
      %gather3A_264 = tpu.vector_load_idx %arg7[%get3A_263] : memref<10000xf32, #tpu.memory_space<vmem>>[vector<16xi32>], vector<16xf32>,
      %swap3A_265 = arith.constant 48 : index
      %swap3A_266 = tpu.vector_load %arg8[%swap3A_265] {strides = array<i32>} : memref<80xf32, #tpu.memory_space<vmem>>, vector<16xf32>,
      tpu.vector_store %arg8[%swap3A_265], %gather3A_264 {strides = array<i32>} : memref<80xf32, #tpu.memory_space<vmem>>, vector<16xf32>,
      %get3A_267 = arith.index_cast %mul3A_242 : i32 to index
      %get3A_268 = arith.constant 64 : index
      %get3A_269 = tpu.vector_load %arg5[%get3A_267, %get3A_268] {strides = array<i32>} : memref<125x80xi32, #tpu.memory_space<vmem>>, vector<16xi32>,
      %gather3A_270 = tpu.vector_load_idx %arg7[%get3A_269] : memref<10000xf32, #tpu.memory_space<vmem>>[vector<16xi32>], vector<16xf32>,
      %swap3A_271 = arith.constant 64 : index
      %swap3A_272 = tpu.vector_load %arg8[%swap3A_271] {strides = array<i32>} : memref<80xf32, #tpu.memory_space<vmem>>, vector<16xf32>,
      tpu.vector_store %arg8[%swap3A_271], %gather3A_270 {strides = array<i32>} : memref<80xf32, #tpu.memory_space<vmem>>, vector<16xf32>,
      %mul3A_273 = arith.constant 2 : i32
      %mul3A_274 = arith.muli %mul3A_273, %scan3A_234 : i32
      %dma_start3A_275 = arith.constant 0 : i32
      %dma_start3A_276 = tpu.memref_slice %arg6[%mul3A_274, %dma_start3A_275] : memref<125x80xi32, #tpu.memory_space<vmem>> -> memref<1x80xi32, #tpu.memory_space<vmem>>
      %dma_start3A_277 = tpu.memref_squeeze %dma_start3A_276 : memref<1x80xi32, #tpu.memory_space<vmem>> -> memref<80xi32, #tpu.memory_space<vmem>>
      %dma_start3A_278 = arith.constant 0 : i32
      %dma_start3A_279 = tpu.memref_slice %arg12[%dma_start3A_278] : memref<10240xf32, #tpu.memory_space<vmem_shared>> -> memref<10240xf32, #tpu.memory_space<vmem_shared>>
      tpu.enqueue_indirect_dma source(%arg8 : memref<80xf32, #tpu.memory_space<vmem>>) target(%dma_start3A_279 : memref<10240xf32, #tpu.memory_space<vmem_shared>>) offsets(%dma_start3A_277 : memref<80xi32, #tpu.memory_space<vmem>>) semaphore(%arg10 : memref<!tpu.dma_semaphore, #tpu.memory_space<semaphore_mem>>) {add = true}
      %dma_wait3A_280 = arith.constant 0 : i32
      %dma_wait3A_281 = arith.constant 0 : i32
      %dma_wait3A_282 = tpu.memref_slice %arg6[%dma_wait3A_280, %dma_wait3A_281] : memref<125x80xi32, #tpu.memory_space<vmem>> -> memref<1x80xi32, #tpu.memory_space<vmem>>
      %dma_wait3A_283 = tpu.memref_squeeze %dma_wait3A_282 : memref<1x80xi32, #tpu.memory_space<vmem>> -> memref<80xi32, #tpu.memory_space<vmem>>
      %dma_wait3A_284 = arith.constant 0 : i32
      %dma_wait3A_285 = tpu.memref_slice %arg12[%dma_wait3A_284] : memref<10240xf32, #tpu.memory_space<vmem_shared>> -> memref<10240xf32, #tpu.memory_space<vmem_shared>>
      tpu.wait_indirect_dma semaphore(%arg11 : memref<!tpu.dma_semaphore, #tpu.memory_space<semaphore_mem>>) src(%arg9 : memref<80xf32, #tpu.memory_space<vmem>>) dst(%dma_wait3A_285 : memref<10240xf32, #tpu.memory_space<vmem_shared>>)
      %mul3A_286 = arith.constant 2 : i32
      %mul3A_287 = arith.muli %mul3A_286, %scan3A_234 : i32
      %add3A_288 = arith.constant 1 : i32
      %add3A_289 = arith.addi %mul3A_287, %add3A_288 : i32
      %get3A_290 = arith.index_cast %add3A_289 : i32 to index
      %get3A_291 = arith.constant 0 : index
      %get3A_292 = tpu.vector_load %arg5[%get3A_290, %get3A_291] {strides = array<i32>} : memref<125x80xi32, #tpu.memory_space<vmem>>, vector<16xi32>,
      %gather3A_293 = tpu.vector_load_idx %arg7[%get3A_292] : memref<10000xf32, #tpu.memory_space<vmem>>[vector<16xi32>], vector<16xf32>,
      %swap3A_294 = arith.constant 0 : index
      %swap3A_295 = tpu.vector_load %arg9[%swap3A_294] {strides = array<i32>} : memref<80xf32, #tpu.memory_space<vmem>>, vector<16xf32>,
      tpu.vector_store %arg9[%swap3A_294], %gather3A_293 {strides = array<i32>} : memref<80xf32, #tpu.memory_space<vmem>>, vector<16xf32>,
      %get3A_296 = arith.index_cast %add3A_289 : i32 to index
      %get3A_297 = arith.constant 16 : index
      %get3A_298 = tpu.vector_load %arg5[%get3A_296, %get3A_297] {strides = array<i32>} : memref<125x80xi32, #tpu.memory_space<vmem>>, vector<16xi32>,
      %gather3A_299 = tpu.vector_load_idx %arg7[%get3A_298] : memref<10000xf32, #tpu.memory_space<vmem>>[vector<16xi32>], vector<16xf32>,
      %swap3A_300 = arith.constant 16 : index
      %swap3A_301 = tpu.vector_load %arg9[%swap3A_300] {strides = array<i32>} : memref<80xf32, #tpu.memory_space<vmem>>, vector<16xf32>,
      tpu.vector_store %arg9[%swap3A_300], %gather3A_299 {strides = array<i32>} : memref<80xf32, #tpu.memory_space<vmem>>, vector<16xf32>,
      %get3A_302 = arith.index_cast %add3A_289 : i32 to index
      %get3A_303 = arith.constant 32 : index
      %get3A_304 = tpu.vector_load %arg5[%get3A_302, %get3A_303] {strides = array<i32>} : memref<125x80xi32, #tpu.memory_space<vmem>>, vector<16xi32>,
      %gather3A_305 = tpu.vector_load_idx %arg7[%get3A_304] : memref<10000xf32, #tpu.memory_space<vmem>>[vector<16xi32>], vector<16xf32>,
      %swap3A_306 = arith.constant 32 : index
      %swap3A_307 = tpu.vector_load %arg9[%swap3A_306] {strides = array<i32>} : memref<80xf32, #tpu.memory_space<vmem>>, vector<16xf32>,
      tpu.vector_store %arg9[%swap3A_306], %gather3A_305 {strides = array<i32>} : memref<80xf32, #tpu.memory_space<vmem>>, vector<16xf32>,
      %get3A_308 = arith.index_cast %add3A_289 : i32 to index
      %get3A_309 = arith.constant 48 : index
      %get3A_310 = tpu.vector_load %arg5[%get3A_308, %get3A_309] {strides = array<i32>} : memref<125x80xi32, #tpu.memory_space<vmem>>, vector<16xi32>,
      %gather3A_311 = tpu.vector_load_idx %arg7[%get3A_310] : memref<10000xf32, #tpu.memory_space<vmem>>[vector<16xi32>], vector<16xf32>,
      %swap3A_312 = arith.constant 48 : index
      %swap3A_313 = tpu.vector_load %arg9[%swap3A_312] {strides = array<i32>} : memref<80xf32, #tpu.memory_space<vmem>>, vector<16xf32>,
      tpu.vector_store %arg9[%swap3A_312], %gather3A_311 {strides = array<i32>} : memref<80xf32, #tpu.memory_space<vmem>>, vector<16xf32>,
      %get3A_314 = arith.index_cast %add3A_289 : i32 to index
      %get3A_315 = arith.constant 64 : index
      %get3A_316 = tpu.vector_load %arg5[%get3A_314, %get3A_315] {strides = array<i32>} : memref<125x80xi32, #tpu.memory_space<vmem>>, vector<16xi32>,
      %gather3A_317 = tpu.vector_load_idx %arg7[%get3A_316] : memref<10000xf32, #tpu.memory_space<vmem>>[vector<16xi32>], vector<16xf32>,
      %swap3A_318 = arith.constant 64 : index
      %swap3A_319 = tpu.vector_load %arg9[%swap3A_318] {strides = array<i32>} : memref<80xf32, #tpu.memory_space<vmem>>, vector<16xf32>,
      tpu.vector_store %arg9[%swap3A_318], %gather3A_317 {strides = array<i32>} : memref<80xf32, #tpu.memory_space<vmem>>, vector<16xf32>,
      %mul3A_320 = arith.constant 2 : i32
      %mul3A_321 = arith.muli %mul3A_320, %scan3A_234 : i32
      %add3A_322 = arith.constant 1 : i32
      %add3A_323 = arith.addi %mul3A_321, %add3A_322 : i32
      %dma_start3A_324 = arith.constant 0 : i32
      %dma_start3A_325 = tpu.memref_slice %arg6[%add3A_323, %dma_start3A_324] : memref<125x80xi32, #tpu.memory_space<vmem>> -> memref<1x80xi32, #tpu.memory_space<vmem>>
      %dma_start3A_326 = tpu.memref_squeeze %dma_start3A_325 : memref<1x80xi32, #tpu.memory_space<vmem>> -> memref<80xi32, #tpu.memory_space<vmem>>
      %dma_start3A_327 = arith.constant 0 : i32
      %dma_start3A_328 = tpu.memref_slice %arg12[%dma_start3A_327] : memref<10240xf32, #tpu.memory_space<vmem_shared>> -> memref<10240xf32, #tpu.memory_space<vmem_shared>>
      tpu.enqueue_indirect_dma source(%arg9 : memref<80xf32, #tpu.memory_space<vmem>>) target(%dma_start3A_328 : memref<10240xf32, #tpu.memory_space<vmem_shared>>) offsets(%dma_start3A_326 : memref<80xi32, #tpu.memory_space<vmem>>) semaphore(%arg11 : memref<!tpu.dma_semaphore, #tpu.memory_space<semaphore_mem>>) {add = true}
    }
    %scan3A_169 = arith.constant 61 : i32
    %dma_wait3A_170 = arith.constant 0 : i32
    %dma_wait3A_171 = arith.constant 0 : i32
    %dma_wait3A_172 = tpu.memref_slice %arg6[%dma_wait3A_170, %dma_wait3A_171] : memref<125x80xi32, #tpu.memory_space<vmem>> -> memref<1x80xi32, #tpu.memory_space<vmem>>
    %dma_wait3A_173 = tpu.memref_squeeze %dma_wait3A_172 : memref<1x80xi32, #tpu.memory_space<vmem>> -> memref<80xi32, #tpu.memory_space<vmem>>
    %dma_wait3A_174 = arith.constant 0 : i32
    %dma_wait3A_175 = tpu.memref_slice %arg12[%dma_wait3A_174] : memref<10240xf32, #tpu.memory_space<vmem_shared>> -> memref<10240xf32, #tpu.memory_space<vmem_shared>>
    tpu.wait_indirect_dma semaphore(%arg10 : memref<!tpu.dma_semaphore, #tpu.memory_space<semaphore_mem>>) src(%arg8 : memref<80xf32, #tpu.memory_space<vmem>>) dst(%dma_wait3A_175 : memref<10240xf32, #tpu.memory_space<vmem_shared>>)
    %get3A_176 = arith.constant 124 : i32
    %get3A_177 = arith.index_cast %get3A_176 : i32 to index
    %get3A_178 = arith.constant 0 : index
    %get3A_179 = tpu.vector_load %arg5[%get3A_177, %get3A_178] {strides = array<i32>} : memref<125x80xi32, #tpu.memory_space<vmem>>, vector<16xi32>,
    %gather3A_180 = tpu.vector_load_idx %arg7[%get3A_179] : memref<10000xf32, #tpu.memory_space<vmem>>[vector<16xi32>], vector<16xf32>,
    %swap3A_181 = arith.constant 0 : index
    %swap3A_182 = tpu.vector_load %arg8[%swap3A_181] {strides = array<i32>} : memref<80xf32, #tpu.memory_space<vmem>>, vector<16xf32>,
    tpu.vector_store %arg8[%swap3A_181], %gather3A_180 {strides = array<i32>} : memref<80xf32, #tpu.memory_space<vmem>>, vector<16xf32>,
    %get3A_183 = arith.constant 124 : i32
    %get3A_184 = arith.index_cast %get3A_183 : i32 to index
    %get3A_185 = arith.constant 16 : index
    %get3A_186 = tpu.vector_load %arg5[%get3A_184, %get3A_185] {strides = array<i32>} : memref<125x80xi32, #tpu.memory_space<vmem>>, vector<16xi32>,
    %gather3A_187 = tpu.vector_load_idx %arg7[%get3A_186] : memref<10000xf32, #tpu.memory_space<vmem>>[vector<16xi32>], vector<16xf32>,
    %swap3A_188 = arith.constant 16 : index
    %swap3A_189 = tpu.vector_load %arg8[%swap3A_188] {strides = array<i32>} : memref<80xf32, #tpu.memory_space<vmem>>, vector<16xf32>,
    tpu.vector_store %arg8[%swap3A_188], %gather3A_187 {strides = array<i32>} : memref<80xf32, #tpu.memory_space<vmem>>, vector<16xf32>,
    %get3A_190 = arith.constant 124 : i32
    %get3A_191 = arith.index_cast %get3A_190 : i32 to index
    %get3A_192 = arith.constant 32 : index
    %get3A_193 = tpu.vector_load %arg5[%get3A_191, %get3A_192] {strides = array<i32>} : memref<125x80xi32, #tpu.memory_space<vmem>>, vector<16xi32>,
    %gather3A_194 = tpu.vector_load_idx %arg7[%get3A_193] : memref<10000xf32, #tpu.memory_space<vmem>>[vector<16xi32>], vector<16xf32>,
    %swap3A_195 = arith.constant 32 : index
    %swap3A_196 = tpu.vector_load %arg8[%swap3A_195] {strides = array<i32>} : memref<80xf32, #tpu.memory_space<vmem>>, vector<16xf32>,
    tpu.vector_store %arg8[%swap3A_195], %gather3A_194 {strides = array<i32>} : memref<80xf32, #tpu.memory_space<vmem>>, vector<16xf32>,
    %get3A_197 = arith.constant 124 : i32
    %get3A_198 = arith.index_cast %get3A_197 : i32 to index
    %get3A_199 = arith.constant 48 : index
    %get3A_200 = tpu.vector_load %arg5[%get3A_198, %get3A_199] {strides = array<i32>} : memref<125x80xi32, #tpu.memory_space<vmem>>, vector<16xi32>,
    %gather3A_201 = tpu.vector_load_idx %arg7[%get3A_200] : memref<10000xf32, #tpu.memory_space<vmem>>[vector<16xi32>], vector<16xf32>,
    %swap3A_202 = arith.constant 48 : index
    %swap3A_203 = tpu.vector_load %arg8[%swap3A_202] {strides = array<i32>} : memref<80xf32, #tpu.memory_space<vmem>>, vector<16xf32>,
    tpu.vector_store %arg8[%swap3A_202], %gather3A_201 {strides = array<i32>} : memref<80xf32, #tpu.memory_space<vmem>>, vector<16xf32>,
    %get3A_204 = arith.constant 124 : i32
    %get3A_205 = arith.index_cast %get3A_204 : i32 to index
    %get3A_206 = arith.constant 64 : index
    %get3A_207 = tpu.vector_load %arg5[%get3A_205, %get3A_206] {strides = array<i32>} : memref<125x80xi32, #tpu.memory_space<vmem>>, vector<16xi32>,
    %gather3A_208 = tpu.vector_load_idx %arg7[%get3A_207] : memref<10000xf32, #tpu.memory_space<vmem>>[vector<16xi32>], vector<16xf32>,
    %swap3A_209 = arith.constant 64 : index
    %swap3A_210 = tpu.vector_load %arg8[%swap3A_209] {strides = array<i32>} : memref<80xf32, #tpu.memory_space<vmem>>, vector<16xf32>,
    tpu.vector_store %arg8[%swap3A_209], %gather3A_208 {strides = array<i32>} : memref<80xf32, #tpu.memory_space<vmem>>, vector<16xf32>,
    %dma_start3A_211 = arith.constant 124 : i32
    %dma_start3A_212 = arith.constant 0 : i32
    %dma_start3A_213 = tpu.memref_slice %arg6[%dma_start3A_211, %dma_start3A_212] : memref<125x80xi32, #tpu.memory_space<vmem>> -> memref<1x80xi32, #tpu.memory_space<vmem>>
    %dma_start3A_214 = tpu.memref_squeeze %dma_start3A_213 : memref<1x80xi32, #tpu.memory_space<vmem>> -> memref<80xi32, #tpu.memory_space<vmem>>
    %dma_start3A_215 = arith.constant 0 : i32
    %dma_start3A_216 = tpu.memref_slice %arg12[%dma_start3A_215] : memref<10240xf32, #tpu.memory_space<vmem_shared>> -> memref<10240xf32, #tpu.memory_space<vmem_shared>>
    tpu.enqueue_indirect_dma source(%arg8 : memref<80xf32, #tpu.memory_space<vmem>>) target(%dma_start3A_216 : memref<10240xf32, #tpu.memory_space<vmem_shared>>) offsets(%dma_start3A_214 : memref<80xi32, #tpu.memory_space<vmem>>) semaphore(%arg10 : memref<!tpu.dma_semaphore, #tpu.memory_space<semaphore_mem>>) {add = true}
    %dma_wait3A_217 = arith.constant 0 : i32
    %dma_wait3A_218 = arith.constant 0 : i32
    %dma_wait3A_219 = tpu.memref_slice %arg6[%dma_wait3A_217, %dma_wait3A_218] : memref<125x80xi32, #tpu.memory_space<vmem>> -> memref<1x80xi32, #tpu.memory_space<vmem>>
    %dma_wait3A_220 = tpu.memref_squeeze %dma_wait3A_219 : memref<1x80xi32, #tpu.memory_space<vmem>> -> memref<80xi32, #tpu.memory_space<vmem>>
    %dma_wait3A_221 = arith.constant 0 : i32
    %dma_wait3A_222 = tpu.memref_slice %arg12[%dma_wait3A_221] : memref<10240xf32, #tpu.memory_space<vmem_shared>> -> memref<10240xf32, #tpu.memory_space<vmem_shared>>
    tpu.wait_indirect_dma semaphore(%arg11 : memref<!tpu.dma_semaphore, #tpu.memory_space<semaphore_mem>>) src(%arg9 : memref<80xf32, #tpu.memory_space<vmem>>) dst(%dma_wait3A_222 : memref<10240xf32, #tpu.memory_space<vmem_shared>>)
    %dma_wait3A_223 = arith.constant 0 : i32
    %dma_wait3A_224 = arith.constant 0 : i32
    %dma_wait3A_225 = tpu.memref_slice %arg6[%dma_wait3A_223, %dma_wait3A_224] : memref<125x80xi32, #tpu.memory_space<vmem>> -> memref<1x80xi32, #tpu.memory_space<vmem>>
    %dma_wait3A_226 = tpu.memref_squeeze %dma_wait3A_225 : memref<1x80xi32, #tpu.memory_space<vmem>> -> memref<80xi32, #tpu.memory_space<vmem>>
    %dma_wait3A_227 = arith.constant 0 : i32
    %dma_wait3A_228 = tpu.memref_slice %arg12[%dma_wait3A_227] : memref<10240xf32, #tpu.memory_space<vmem_shared>> -> memref<10240xf32, #tpu.memory_space<vmem_shared>>
    tpu.wait_indirect_dma semaphore(%arg10 : memref<!tpu.dma_semaphore, #tpu.memory_space<semaphore_mem>>) src(%arg8 : memref<80xf32, #tpu.memory_space<vmem>>) dst(%dma_wait3A_228 : memref<10240xf32, #tpu.memory_space<vmem_shared>>)
    %barrier3A_229 = arith.constant 0 : index
    tpu.barrier barrier_id(%barrier3A_229)
    %mul3A_230 = arith.constant 640 : i32
    %mul3A_231 = arith.muli %arg1, %mul3A_230 : i32
    %mul3A_232 = arith.constant 640 : i32
    %mul3A_233 = arith.muli %arg1, %mul3A_232 : i32
    "tpu.region"() ({
      %run_scoped3A = tpu.sem_alloc : memref<!tpu.dma_semaphore, #tpu.memory_space<semaphore_mem>>
      %dma_start3A_234 = tpu.memref_slice %arg4[%arg0, %mul3A_233] : memref<2x10240xf32, #tpu.memory_space<hbm>> -> memref<1x640xf32, #tpu.memory_space<hbm>>
      %dma_start3A_235 = tpu.memref_squeeze %dma_start3A_234 : memref<1x640xf32, #tpu.memory_space<hbm>> -> memref<640xf32, #tpu.memory_space<hbm>>
      %dma_start3A_236 = tpu.memref_slice %arg12[%mul3A_231] : memref<10240xf32, #tpu.memory_space<vmem_shared>> -> memref<640xf32, #tpu.memory_space<vmem_shared>>
      tpu.enqueue_dma source(%dma_start3A_236 : memref<640xf32, #tpu.memory_space<vmem_shared>>) target(%dma_start3A_235 : memref<640xf32, #tpu.memory_space<hbm>>) target_semaphore(%run_scoped3A : memref<!tpu.dma_semaphore, #tpu.memory_space<semaphore_mem>>)
      %dma_wait3A_237 = tpu.memref_slice %arg4[%arg0, %mul3A_233] : memref<2x10240xf32, #tpu.memory_space<hbm>> -> memref<1x640xf32, #tpu.memory_space<hbm>>
      %dma_wait3A_238 = tpu.memref_squeeze %dma_wait3A_237 : memref<1x640xf32, #tpu.memory_space<hbm>> -> memref<640xf32, #tpu.memory_space<hbm>>
      %dma_wait3A_239 = tpu.memref_slice %arg12[%mul3A_231] : memref<10240xf32, #tpu.memory_space<vmem_shared>> -> memref<640xf32, #tpu.memory_space<vmem_shared>>
      tpu.wait_dma2 semaphore(%run_scoped3A : memref<!tpu.dma_semaphore, #tpu.memory_space<semaphore_mem>>) src(%dma_wait3A_239 : memref<640xf32, #tpu.memory_space<vmem_shared>>) dst(%dma_wait3A_238 : memref<640xf32, #tpu.memory_space<hbm>>)
      tpu.yield
    }) : () -> ()
    return
  }
}

#map = affine_map<(d0, d1) -> (0, 0, 0, 0)>
#map1 = affine_map<(d0, d1) -> (0, 0)>
module attributes {stable_mosaic.version = 14 : i64} {
  func.func @_sc_degree(%arg0: i32, %arg1: i32, %arg2: memref<2x32x125x80xi32, #tpu.memory_space<hbm>>, %arg3: memref<2x10240xf32, #tpu.memory_space<hbm>>, %arg4: memref<125x80xi32, #tpu.memory_space<vmem>>, %arg5: memref<80xf32, #tpu.memory_space<vmem>>, %arg6: memref<10240xf32, #tpu.memory_space<vmem_shared>>, %arg7: memref<!tpu.dma_semaphore, #tpu.memory_space<semaphore_mem>>) attributes {dimension_semantics = [#tpu.dimension_semantics<core_parallel>, #tpu.dimension_semantics<subcore_parallel>], iteration_bounds = array<i64: 2, 16>, scalar_prefetch = 0 : i64, scratch_operands = 4 : i64, tpu.core_type = #tpu.core_type<sc_vector_subcore>, window_params = [{transform_indices = #map}, {transform_indices = #map1}]} {
    %mul3A = arith.constant 2 : i32
    %mul3A_0 = arith.muli %arg1, %mul3A : i32
    %add3A = arith.addi %mul3A_0, %arg0 : i32
    %run_scoped3A = arith.constant 1 : i32
    "tpu.region"() ({
      %run_scoped3A_139 = tpu.sem_alloc : memref<!tpu.dma_semaphore, #tpu.memory_space<semaphore_mem>>
      %dma_start3A_140 = arith.constant 0 : i32
      %dma_start3A_141 = arith.constant 0 : i32
      %dma_start3A_142 = tpu.memref_slice %arg2[%run_scoped3A, %add3A, %dma_start3A_140, %dma_start3A_141] : memref<2x32x125x80xi32, #tpu.memory_space<hbm>> -> memref<1x1x125x80xi32, #tpu.memory_space<hbm>>
      %dma_start3A_143 = tpu.memref_squeeze %dma_start3A_142 : memref<1x1x125x80xi32, #tpu.memory_space<hbm>> -> memref<125x80xi32, #tpu.memory_space<hbm>>
      %dma_start3A_144 = arith.constant 0 : i32
      %dma_start3A_145 = arith.constant 0 : i32
      %dma_start3A_146 = tpu.memref_slice %arg2[%run_scoped3A, %add3A, %dma_start3A_144, %dma_start3A_145] : memref<2x32x125x80xi32, #tpu.memory_space<hbm>> -> memref<1x1x125x80xi32, #tpu.memory_space<hbm>>
      %dma_start3A_147 = tpu.memref_squeeze %dma_start3A_146 : memref<1x1x125x80xi32, #tpu.memory_space<hbm>> -> memref<125x80xi32, #tpu.memory_space<hbm>>
      tpu.enqueue_dma source(%dma_start3A_147 : memref<125x80xi32, #tpu.memory_space<hbm>>) target(%arg4 : memref<125x80xi32, #tpu.memory_space<vmem>>) target_semaphore(%run_scoped3A_139 : memref<!tpu.dma_semaphore, #tpu.memory_space<semaphore_mem>>)
      %dma_wait3A_148 = arith.constant 0 : i32
      %dma_wait3A_149 = arith.constant 0 : i32
      %dma_wait3A_150 = tpu.memref_slice %arg2[%run_scoped3A, %add3A, %dma_wait3A_148, %dma_wait3A_149] : memref<2x32x125x80xi32, #tpu.memory_space<hbm>> -> memref<1x1x125x80xi32, #tpu.memory_space<hbm>>
      %dma_wait3A_151 = tpu.memref_squeeze %dma_wait3A_150 : memref<1x1x125x80xi32, #tpu.memory_space<hbm>> -> memref<125x80xi32, #tpu.memory_space<hbm>>
      %dma_wait3A_152 = arith.constant 0 : i32
      %dma_wait3A_153 = arith.constant 0 : i32
      %dma_wait3A_154 = tpu.memref_slice %arg2[%run_scoped3A, %add3A, %dma_wait3A_152, %dma_wait3A_153] : memref<2x32x125x80xi32, #tpu.memory_space<hbm>> -> memref<1x1x125x80xi32, #tpu.memory_space<hbm>>
      %dma_wait3A_155 = tpu.memref_squeeze %dma_wait3A_154 : memref<1x1x125x80xi32, #tpu.memory_space<hbm>> -> memref<125x80xi32, #tpu.memory_space<hbm>>
      tpu.wait_dma2 semaphore(%run_scoped3A_139 : memref<!tpu.dma_semaphore, #tpu.memory_space<semaphore_mem>>) src(%dma_wait3A_155 : memref<125x80xi32, #tpu.memory_space<hbm>>) dst(%arg4 : memref<125x80xi32, #tpu.memory_space<vmem>>)
      tpu.yield
    }) : () -> ()
    %broadcast_in_dim3A = arith.constant 0.000000e+00 : f32
    %broadcast_in_dim3A_1 = vector.broadcast %broadcast_in_dim3A : f32 to vector<16xf32>
    %swap3A = arith.constant 0 : index
    %swap3A_2 = tpu.vector_load %arg5[%swap3A] {strides = array<i32>} : memref<80xf32, #tpu.memory_space<vmem>>, vector<16xf32>,
    tpu.vector_store %arg5[%swap3A], %broadcast_in_dim3A_1 {strides = array<i32>} : memref<80xf32, #tpu.memory_space<vmem>>, vector<16xf32>,
    %broadcast_in_dim3A_3 = arith.constant 0.000000e+00 : f32
    %broadcast_in_dim3A_4 = vector.broadcast %broadcast_in_dim3A_3 : f32 to vector<16xf32>
    %swap3A_5 = arith.constant 16 : index
    %swap3A_6 = tpu.vector_load %arg5[%swap3A_5] {strides = array<i32>} : memref<80xf32, #tpu.memory_space<vmem>>, vector<16xf32>,
    tpu.vector_store %arg5[%swap3A_5], %broadcast_in_dim3A_4 {strides = array<i32>} : memref<80xf32, #tpu.memory_space<vmem>>, vector<16xf32>,
    %broadcast_in_dim3A_7 = arith.constant 0.000000e+00 : f32
    %broadcast_in_dim3A_8 = vector.broadcast %broadcast_in_dim3A_7 : f32 to vector<16xf32>
    %swap3A_9 = arith.constant 32 : index
    %swap3A_10 = tpu.vector_load %arg5[%swap3A_9] {strides = array<i32>} : memref<80xf32, #tpu.memory_space<vmem>>, vector<16xf32>,
    tpu.vector_store %arg5[%swap3A_9], %broadcast_in_dim3A_8 {strides = array<i32>} : memref<80xf32, #tpu.memory_space<vmem>>, vector<16xf32>,
    %broadcast_in_dim3A_11 = arith.constant 0.000000e+00 : f32
    %broadcast_in_dim3A_12 = vector.broadcast %broadcast_in_dim3A_11 : f32 to vector<16xf32>
    %swap3A_13 = arith.constant 48 : index
    %swap3A_14 = tpu.vector_load %arg5[%swap3A_13] {strides = array<i32>} : memref<80xf32, #tpu.memory_space<vmem>>, vector<16xf32>,
    tpu.vector_store %arg5[%swap3A_13], %broadcast_in_dim3A_12 {strides = array<i32>} : memref<80xf32, #tpu.memory_space<vmem>>, vector<16xf32>,
    %broadcast_in_dim3A_15 = arith.constant 0.000000e+00 : f32
    %broadcast_in_dim3A_16 = vector.broadcast %broadcast_in_dim3A_15 : f32 to vector<16xf32>
    %swap3A_17 = arith.constant 64 : index
    %swap3A_18 = tpu.vector_load %arg5[%swap3A_17] {strides = array<i32>} : memref<80xf32, #tpu.memory_space<vmem>>, vector<16xf32>,
    tpu.vector_store %arg5[%swap3A_17], %broadcast_in_dim3A_16 {strides = array<i32>} : memref<80xf32, #tpu.memory_space<vmem>>, vector<16xf32>,
    %mul3A_19 = arith.constant 640 : i32
    %mul3A_20 = arith.muli %arg1, %mul3A_19 : i32
    %add3A_21 = arith.constant 0 : i32
    %add3A_22 = arith.addi %mul3A_20, %add3A_21 : i32
    "tpu.region"() ({
      %run_scoped3A_139 = tpu.sem_alloc : memref<!tpu.dma_semaphore, #tpu.memory_space<semaphore_mem>>
      %dma_start3A_140 = tpu.memref_slice %arg6[%add3A_22] : memref<10240xf32, #tpu.memory_space<vmem_shared>> -> memref<80xf32, #tpu.memory_space<vmem_shared>>
      %dma_start3A_141 = tpu.memref_slice %arg6[%add3A_22] : memref<10240xf32, #tpu.memory_space<vmem_shared>> -> memref<80xf32, #tpu.memory_space<vmem_shared>>
      tpu.enqueue_dma source(%arg5 : memref<80xf32, #tpu.memory_space<vmem>>) target(%dma_start3A_141 : memref<80xf32, #tpu.memory_space<vmem_shared>>) target_semaphore(%run_scoped3A_139 : memref<!tpu.dma_semaphore, #tpu.memory_space<semaphore_mem>>)
      %dma_wait3A_142 = tpu.memref_slice %arg6[%add3A_22] : memref<10240xf32, #tpu.memory_space<vmem_shared>> -> memref<80xf32, #tpu.memory_space<vmem_shared>>
      %dma_wait3A_143 = tpu.memref_slice %arg6[%add3A_22] : memref<10240xf32, #tpu.memory_space<vmem_shared>> -> memref<80xf32, #tpu.memory_space<vmem_shared>>
      tpu.wait_dma2 semaphore(%run_scoped3A_139 : memref<!tpu.dma_semaphore, #tpu.memory_space<semaphore_mem>>) src(%arg5 : memref<80xf32, #tpu.memory_space<vmem>>) dst(%dma_wait3A_143 : memref<80xf32, #tpu.memory_space<vmem_shared>>)
      tpu.yield
    }) : () -> ()
    %mul3A_23 = arith.constant 640 : i32
    %mul3A_24 = arith.muli %arg1, %mul3A_23 : i32
    %add3A_25 = arith.constant 80 : i32
    %add3A_26 = arith.addi %mul3A_24, %add3A_25 : i32
    "tpu.region"() ({
      %run_scoped3A_139 = tpu.sem_alloc : memref<!tpu.dma_semaphore, #tpu.memory_space<semaphore_mem>>
      %dma_start3A_140 = tpu.memref_slice %arg6[%add3A_26] : memref<10240xf32, #tpu.memory_space<vmem_shared>> -> memref<80xf32, #tpu.memory_space<vmem_shared>>
      %dma_start3A_141 = tpu.memref_slice %arg6[%add3A_26] : memref<10240xf32, #tpu.memory_space<vmem_shared>> -> memref<80xf32, #tpu.memory_space<vmem_shared>>
      tpu.enqueue_dma source(%arg5 : memref<80xf32, #tpu.memory_space<vmem>>) target(%dma_start3A_141 : memref<80xf32, #tpu.memory_space<vmem_shared>>) target_semaphore(%run_scoped3A_139 : memref<!tpu.dma_semaphore, #tpu.memory_space<semaphore_mem>>)
      %dma_wait3A_142 = tpu.memref_slice %arg6[%add3A_26] : memref<10240xf32, #tpu.memory_space<vmem_shared>> -> memref<80xf32, #tpu.memory_space<vmem_shared>>
      %dma_wait3A_143 = tpu.memref_slice %arg6[%add3A_26] : memref<10240xf32, #tpu.memory_space<vmem_shared>> -> memref<80xf32, #tpu.memory_space<vmem_shared>>
      tpu.wait_dma2 semaphore(%run_scoped3A_139 : memref<!tpu.dma_semaphore, #tpu.memory_space<semaphore_mem>>) src(%arg5 : memref<80xf32, #tpu.memory_space<vmem>>) dst(%dma_wait3A_143 : memref<80xf32, #tpu.memory_space<vmem_shared>>)
      tpu.yield
    }) : () -> ()
    %mul3A_27 = arith.constant 640 : i32
    %mul3A_28 = arith.muli %arg1, %mul3A_27 : i32
    %add3A_29 = arith.constant 160 : i32
    %add3A_30 = arith.addi %mul3A_28, %add3A_29 : i32
    "tpu.region"() ({
      %run_scoped3A_139 = tpu.sem_alloc : memref<!tpu.dma_semaphore, #tpu.memory_space<semaphore_mem>>
      %dma_start3A_140 = tpu.memref_slice %arg6[%add3A_30] : memref<10240xf32, #tpu.memory_space<vmem_shared>> -> memref<80xf32, #tpu.memory_space<vmem_shared>>
      %dma_start3A_141 = tpu.memref_slice %arg6[%add3A_30] : memref<10240xf32, #tpu.memory_space<vmem_shared>> -> memref<80xf32, #tpu.memory_space<vmem_shared>>
      tpu.enqueue_dma source(%arg5 : memref<80xf32, #tpu.memory_space<vmem>>) target(%dma_start3A_141 : memref<80xf32, #tpu.memory_space<vmem_shared>>) target_semaphore(%run_scoped3A_139 : memref<!tpu.dma_semaphore, #tpu.memory_space<semaphore_mem>>)
      %dma_wait3A_142 = tpu.memref_slice %arg6[%add3A_30] : memref<10240xf32, #tpu.memory_space<vmem_shared>> -> memref<80xf32, #tpu.memory_space<vmem_shared>>
      %dma_wait3A_143 = tpu.memref_slice %arg6[%add3A_30] : memref<10240xf32, #tpu.memory_space<vmem_shared>> -> memref<80xf32, #tpu.memory_space<vmem_shared>>
      tpu.wait_dma2 semaphore(%run_scoped3A_139 : memref<!tpu.dma_semaphore, #tpu.memory_space<semaphore_mem>>) src(%arg5 : memref<80xf32, #tpu.memory_space<vmem>>) dst(%dma_wait3A_143 : memref<80xf32, #tpu.memory_space<vmem_shared>>)
      tpu.yield
    }) : () -> ()
    %mul3A_31 = arith.constant 640 : i32
    %mul3A_32 = arith.muli %arg1, %mul3A_31 : i32
    %add3A_33 = arith.constant 240 : i32
    %add3A_34 = arith.addi %mul3A_32, %add3A_33 : i32
    "tpu.region"() ({
      %run_scoped3A_139 = tpu.sem_alloc : memref<!tpu.dma_semaphore, #tpu.memory_space<semaphore_mem>>
      %dma_start3A_140 = tpu.memref_slice %arg6[%add3A_34] : memref<10240xf32, #tpu.memory_space<vmem_shared>> -> memref<80xf32, #tpu.memory_space<vmem_shared>>
      %dma_start3A_141 = tpu.memref_slice %arg6[%add3A_34] : memref<10240xf32, #tpu.memory_space<vmem_shared>> -> memref<80xf32, #tpu.memory_space<vmem_shared>>
      tpu.enqueue_dma source(%arg5 : memref<80xf32, #tpu.memory_space<vmem>>) target(%dma_start3A_141 : memref<80xf32, #tpu.memory_space<vmem_shared>>) target_semaphore(%run_scoped3A_139 : memref<!tpu.dma_semaphore, #tpu.memory_space<semaphore_mem>>)
      %dma_wait3A_142 = tpu.memref_slice %arg6[%add3A_34] : memref<10240xf32, #tpu.memory_space<vmem_shared>> -> memref<80xf32, #tpu.memory_space<vmem_shared>>
      %dma_wait3A_143 = tpu.memref_slice %arg6[%add3A_34] : memref<10240xf32, #tpu.memory_space<vmem_shared>> -> memref<80xf32, #tpu.memory_space<vmem_shared>>
      tpu.wait_dma2 semaphore(%run_scoped3A_139 : memref<!tpu.dma_semaphore, #tpu.memory_space<semaphore_mem>>) src(%arg5 : memref<80xf32, #tpu.memory_space<vmem>>) dst(%dma_wait3A_143 : memref<80xf32, #tpu.memory_space<vmem_shared>>)
      tpu.yield
    }) : () -> ()
    %mul3A_35 = arith.constant 640 : i32
    %mul3A_36 = arith.muli %arg1, %mul3A_35 : i32
    %add3A_37 = arith.constant 320 : i32
    %add3A_38 = arith.addi %mul3A_36, %add3A_37 : i32
    "tpu.region"() ({
      %run_scoped3A_139 = tpu.sem_alloc : memref<!tpu.dma_semaphore, #tpu.memory_space<semaphore_mem>>
      %dma_start3A_140 = tpu.memref_slice %arg6[%add3A_38] : memref<10240xf32, #tpu.memory_space<vmem_shared>> -> memref<80xf32, #tpu.memory_space<vmem_shared>>
      %dma_start3A_141 = tpu.memref_slice %arg6[%add3A_38] : memref<10240xf32, #tpu.memory_space<vmem_shared>> -> memref<80xf32, #tpu.memory_space<vmem_shared>>
      tpu.enqueue_dma source(%arg5 : memref<80xf32, #tpu.memory_space<vmem>>) target(%dma_start3A_141 : memref<80xf32, #tpu.memory_space<vmem_shared>>) target_semaphore(%run_scoped3A_139 : memref<!tpu.dma_semaphore, #tpu.memory_space<semaphore_mem>>)
      %dma_wait3A_142 = tpu.memref_slice %arg6[%add3A_38] : memref<10240xf32, #tpu.memory_space<vmem_shared>> -> memref<80xf32, #tpu.memory_space<vmem_shared>>
      %dma_wait3A_143 = tpu.memref_slice %arg6[%add3A_38] : memref<10240xf32, #tpu.memory_space<vmem_shared>> -> memref<80xf32, #tpu.memory_space<vmem_shared>>
      tpu.wait_dma2 semaphore(%run_scoped3A_139 : memref<!tpu.dma_semaphore, #tpu.memory_space<semaphore_mem>>) src(%arg5 : memref<80xf32, #tpu.memory_space<vmem>>) dst(%dma_wait3A_143 : memref<80xf32, #tpu.memory_space<vmem_shared>>)
      tpu.yield
    }) : () -> ()
    %mul3A_39 = arith.constant 640 : i32
    %mul3A_40 = arith.muli %arg1, %mul3A_39 : i32
    %add3A_41 = arith.constant 400 : i32
    %add3A_42 = arith.addi %mul3A_40, %add3A_41 : i32
    "tpu.region"() ({
      %run_scoped3A_139 = tpu.sem_alloc : memref<!tpu.dma_semaphore, #tpu.memory_space<semaphore_mem>>
      %dma_start3A_140 = tpu.memref_slice %arg6[%add3A_42] : memref<10240xf32, #tpu.memory_space<vmem_shared>> -> memref<80xf32, #tpu.memory_space<vmem_shared>>
      %dma_start3A_141 = tpu.memref_slice %arg6[%add3A_42] : memref<10240xf32, #tpu.memory_space<vmem_shared>> -> memref<80xf32, #tpu.memory_space<vmem_shared>>
      tpu.enqueue_dma source(%arg5 : memref<80xf32, #tpu.memory_space<vmem>>) target(%dma_start3A_141 : memref<80xf32, #tpu.memory_space<vmem_shared>>) target_semaphore(%run_scoped3A_139 : memref<!tpu.dma_semaphore, #tpu.memory_space<semaphore_mem>>)
      %dma_wait3A_142 = tpu.memref_slice %arg6[%add3A_42] : memref<10240xf32, #tpu.memory_space<vmem_shared>> -> memref<80xf32, #tpu.memory_space<vmem_shared>>
      %dma_wait3A_143 = tpu.memref_slice %arg6[%add3A_42] : memref<10240xf32, #tpu.memory_space<vmem_shared>> -> memref<80xf32, #tpu.memory_space<vmem_shared>>
      tpu.wait_dma2 semaphore(%run_scoped3A_139 : memref<!tpu.dma_semaphore, #tpu.memory_space<semaphore_mem>>) src(%arg5 : memref<80xf32, #tpu.memory_space<vmem>>) dst(%dma_wait3A_143 : memref<80xf32, #tpu.memory_space<vmem_shared>>)
      tpu.yield
    }) : () -> ()
    %mul3A_43 = arith.constant 640 : i32
    %mul3A_44 = arith.muli %arg1, %mul3A_43 : i32
    %add3A_45 = arith.constant 480 : i32
    %add3A_46 = arith.addi %mul3A_44, %add3A_45 : i32
    "tpu.region"() ({
      %run_scoped3A_139 = tpu.sem_alloc : memref<!tpu.dma_semaphore, #tpu.memory_space<semaphore_mem>>
      %dma_start3A_140 = tpu.memref_slice %arg6[%add3A_46] : memref<10240xf32, #tpu.memory_space<vmem_shared>> -> memref<80xf32, #tpu.memory_space<vmem_shared>>
      %dma_start3A_141 = tpu.memref_slice %arg6[%add3A_46] : memref<10240xf32, #tpu.memory_space<vmem_shared>> -> memref<80xf32, #tpu.memory_space<vmem_shared>>
      tpu.enqueue_dma source(%arg5 : memref<80xf32, #tpu.memory_space<vmem>>) target(%dma_start3A_141 : memref<80xf32, #tpu.memory_space<vmem_shared>>) target_semaphore(%run_scoped3A_139 : memref<!tpu.dma_semaphore, #tpu.memory_space<semaphore_mem>>)
      %dma_wait3A_142 = tpu.memref_slice %arg6[%add3A_46] : memref<10240xf32, #tpu.memory_space<vmem_shared>> -> memref<80xf32, #tpu.memory_space<vmem_shared>>
      %dma_wait3A_143 = tpu.memref_slice %arg6[%add3A_46] : memref<10240xf32, #tpu.memory_space<vmem_shared>> -> memref<80xf32, #tpu.memory_space<vmem_shared>>
      tpu.wait_dma2 semaphore(%run_scoped3A_139 : memref<!tpu.dma_semaphore, #tpu.memory_space<semaphore_mem>>) src(%arg5 : memref<80xf32, #tpu.memory_space<vmem>>) dst(%dma_wait3A_143 : memref<80xf32, #tpu.memory_space<vmem_shared>>)
      tpu.yield
    }) : () -> ()
    %mul3A_47 = arith.constant 640 : i32
    %mul3A_48 = arith.muli %arg1, %mul3A_47 : i32
    %add3A_49 = arith.constant 560 : i32
    %add3A_50 = arith.addi %mul3A_48, %add3A_49 : i32
    "tpu.region"() ({
      %run_scoped3A_139 = tpu.sem_alloc : memref<!tpu.dma_semaphore, #tpu.memory_space<semaphore_mem>>
      %dma_start3A_140 = tpu.memref_slice %arg6[%add3A_50] : memref<10240xf32, #tpu.memory_space<vmem_shared>> -> memref<80xf32, #tpu.memory_space<vmem_shared>>
      %dma_start3A_141 = tpu.memref_slice %arg6[%add3A_50] : memref<10240xf32, #tpu.memory_space<vmem_shared>> -> memref<80xf32, #tpu.memory_space<vmem_shared>>
      tpu.enqueue_dma source(%arg5 : memref<80xf32, #tpu.memory_space<vmem>>) target(%dma_start3A_141 : memref<80xf32, #tpu.memory_space<vmem_shared>>) target_semaphore(%run_scoped3A_139 : memref<!tpu.dma_semaphore, #tpu.memory_space<semaphore_mem>>)
      %dma_wait3A_142 = tpu.memref_slice %arg6[%add3A_50] : memref<10240xf32, #tpu.memory_space<vmem_shared>> -> memref<80xf32, #tpu.memory_space<vmem_shared>>
      %dma_wait3A_143 = tpu.memref_slice %arg6[%add3A_50] : memref<10240xf32, #tpu.memory_space<vmem_shared>> -> memref<80xf32, #tpu.memory_space<vmem_shared>>
      tpu.wait_dma2 semaphore(%run_scoped3A_139 : memref<!tpu.dma_semaphore, #tpu.memory_space<semaphore_mem>>) src(%arg5 : memref<80xf32, #tpu.memory_space<vmem>>) dst(%dma_wait3A_143 : memref<80xf32, #tpu.memory_space<vmem_shared>>)
      tpu.yield
    }) : () -> ()
    %broadcast_in_dim3A_51 = arith.constant 1.000000e+00 : f32
    %broadcast_in_dim3A_52 = vector.broadcast %broadcast_in_dim3A_51 : f32 to vector<16xf32>
    %swap3A_53 = arith.constant 0 : index
    %swap3A_54 = tpu.vector_load %arg5[%swap3A_53] {strides = array<i32>} : memref<80xf32, #tpu.memory_space<vmem>>, vector<16xf32>,
    tpu.vector_store %arg5[%swap3A_53], %broadcast_in_dim3A_52 {strides = array<i32>} : memref<80xf32, #tpu.memory_space<vmem>>, vector<16xf32>,
    %broadcast_in_dim3A_55 = arith.constant 1.000000e+00 : f32
    %broadcast_in_dim3A_56 = vector.broadcast %broadcast_in_dim3A_55 : f32 to vector<16xf32>
    %swap3A_57 = arith.constant 16 : index
    %swap3A_58 = tpu.vector_load %arg5[%swap3A_57] {strides = array<i32>} : memref<80xf32, #tpu.memory_space<vmem>>, vector<16xf32>,
    tpu.vector_store %arg5[%swap3A_57], %broadcast_in_dim3A_56 {strides = array<i32>} : memref<80xf32, #tpu.memory_space<vmem>>, vector<16xf32>,
    %broadcast_in_dim3A_59 = arith.constant 1.000000e+00 : f32
    %broadcast_in_dim3A_60 = vector.broadcast %broadcast_in_dim3A_59 : f32 to vector<16xf32>
    %swap3A_61 = arith.constant 32 : index
    %swap3A_62 = tpu.vector_load %arg5[%swap3A_61] {strides = array<i32>} : memref<80xf32, #tpu.memory_space<vmem>>, vector<16xf32>,
    tpu.vector_store %arg5[%swap3A_61], %broadcast_in_dim3A_60 {strides = array<i32>} : memref<80xf32, #tpu.memory_space<vmem>>, vector<16xf32>,
    %broadcast_in_dim3A_63 = arith.constant 1.000000e+00 : f32
    %broadcast_in_dim3A_64 = vector.broadcast %broadcast_in_dim3A_63 : f32 to vector<16xf32>
    %swap3A_65 = arith.constant 48 : index
    %swap3A_66 = tpu.vector_load %arg5[%swap3A_65] {strides = array<i32>} : memref<80xf32, #tpu.memory_space<vmem>>, vector<16xf32>,
    tpu.vector_store %arg5[%swap3A_65], %broadcast_in_dim3A_64 {strides = array<i32>} : memref<80xf32, #tpu.memory_space<vmem>>, vector<16xf32>,
    %broadcast_in_dim3A_67 = arith.constant 1.000000e+00 : f32
    %broadcast_in_dim3A_68 = vector.broadcast %broadcast_in_dim3A_67 : f32 to vector<16xf32>
    %swap3A_69 = arith.constant 64 : index
    %swap3A_70 = tpu.vector_load %arg5[%swap3A_69] {strides = array<i32>} : memref<80xf32, #tpu.memory_space<vmem>>, vector<16xf32>,
    tpu.vector_store %arg5[%swap3A_69], %broadcast_in_dim3A_68 {strides = array<i32>} : memref<80xf32, #tpu.memory_space<vmem>>, vector<16xf32>,
    %barrier3A = arith.constant 0 : index
    tpu.barrier barrier_id(%barrier3A)
    %dma_start3A = arith.constant 0 : i32
    %dma_start3A_71 = arith.constant 0 : i32
    %dma_start3A_72 = tpu.memref_slice %arg4[%dma_start3A, %dma_start3A_71] : memref<125x80xi32, #tpu.memory_space<vmem>> -> memref<1x80xi32, #tpu.memory_space<vmem>>
    %dma_start3A_73 = tpu.memref_squeeze %dma_start3A_72 : memref<1x80xi32, #tpu.memory_space<vmem>> -> memref<80xi32, #tpu.memory_space<vmem>>
    %dma_start3A_74 = arith.constant 0 : i32
    %dma_start3A_75 = tpu.memref_slice %arg6[%dma_start3A_74] : memref<10240xf32, #tpu.memory_space<vmem_shared>> -> memref<10240xf32, #tpu.memory_space<vmem_shared>>
    tpu.enqueue_indirect_dma source(%arg5 : memref<80xf32, #tpu.memory_space<vmem>>) target(%dma_start3A_75 : memref<10240xf32, #tpu.memory_space<vmem_shared>>) offsets(%dma_start3A_73 : memref<80xi32, #tpu.memory_space<vmem>>) semaphore(%arg7 : memref<!tpu.dma_semaphore, #tpu.memory_space<semaphore_mem>>) {add = true}
    %dma_start3A_76 = arith.constant 1 : i32
    %dma_start3A_77 = arith.constant 0 : i32
    %dma_start3A_78 = tpu.memref_slice %arg4[%dma_start3A_76, %dma_start3A_77] : memref<125x80xi32, #tpu.memory_space<vmem>> -> memref<1x80xi32, #tpu.memory_space<vmem>>
    %dma_start3A_79 = tpu.memref_squeeze %dma_start3A_78 : memref<1x80xi32, #tpu.memory_space<vmem>> -> memref<80xi32, #tpu.memory_space<vmem>>
    %dma_start3A_80 = arith.constant 0 : i32
    %dma_start3A_81 = tpu.memref_slice %arg6[%dma_start3A_80] : memref<10240xf32, #tpu.memory_space<vmem_shared>> -> memref<10240xf32, #tpu.memory_space<vmem_shared>>
    tpu.enqueue_indirect_dma source(%arg5 : memref<80xf32, #tpu.memory_space<vmem>>) target(%dma_start3A_81 : memref<10240xf32, #tpu.memory_space<vmem_shared>>) offsets(%dma_start3A_79 : memref<80xi32, #tpu.memory_space<vmem>>) semaphore(%arg7 : memref<!tpu.dma_semaphore, #tpu.memory_space<semaphore_mem>>) {add = true}
    %dma_start3A_82 = arith.constant 2 : i32
    %dma_start3A_83 = arith.constant 0 : i32
    %dma_start3A_84 = tpu.memref_slice %arg4[%dma_start3A_82, %dma_start3A_83] : memref<125x80xi32, #tpu.memory_space<vmem>> -> memref<1x80xi32, #tpu.memory_space<vmem>>
    %dma_start3A_85 = tpu.memref_squeeze %dma_start3A_84 : memref<1x80xi32, #tpu.memory_space<vmem>> -> memref<80xi32, #tpu.memory_space<vmem>>
    %dma_start3A_86 = arith.constant 0 : i32
    %dma_start3A_87 = tpu.memref_slice %arg6[%dma_start3A_86] : memref<10240xf32, #tpu.memory_space<vmem_shared>> -> memref<10240xf32, #tpu.memory_space<vmem_shared>>
    tpu.enqueue_indirect_dma source(%arg5 : memref<80xf32, #tpu.memory_space<vmem>>) target(%dma_start3A_87 : memref<10240xf32, #tpu.memory_space<vmem_shared>>) offsets(%dma_start3A_85 : memref<80xi32, #tpu.memory_space<vmem>>) semaphore(%arg7 : memref<!tpu.dma_semaphore, #tpu.memory_space<semaphore_mem>>) {add = true}
    %dma_start3A_88 = arith.constant 3 : i32
    %dma_start3A_89 = arith.constant 0 : i32
    %dma_start3A_90 = tpu.memref_slice %arg4[%dma_start3A_88, %dma_start3A_89] : memref<125x80xi32, #tpu.memory_space<vmem>> -> memref<1x80xi32, #tpu.memory_space<vmem>>
    %dma_start3A_91 = tpu.memref_squeeze %dma_start3A_90 : memref<1x80xi32, #tpu.memory_space<vmem>> -> memref<80xi32, #tpu.memory_space<vmem>>
    %dma_start3A_92 = arith.constant 0 : i32
    %dma_start3A_93 = tpu.memref_slice %arg6[%dma_start3A_92] : memref<10240xf32, #tpu.memory_space<vmem_shared>> -> memref<10240xf32, #tpu.memory_space<vmem_shared>>
    tpu.enqueue_indirect_dma source(%arg5 : memref<80xf32, #tpu.memory_space<vmem>>) target(%dma_start3A_93 : memref<10240xf32, #tpu.memory_space<vmem_shared>>) offsets(%dma_start3A_91 : memref<80xi32, #tpu.memory_space<vmem>>) semaphore(%arg7 : memref<!tpu.dma_semaphore, #tpu.memory_space<semaphore_mem>>) {add = true}
    %dma_start3A_94 = arith.constant 4 : i32
    %dma_start3A_95 = arith.constant 0 : i32
    %dma_start3A_96 = tpu.memref_slice %arg4[%dma_start3A_94, %dma_start3A_95] : memref<125x80xi32, #tpu.memory_space<vmem>> -> memref<1x80xi32, #tpu.memory_space<vmem>>
    %dma_start3A_97 = tpu.memref_squeeze %dma_start3A_96 : memref<1x80xi32, #tpu.memory_space<vmem>> -> memref<80xi32, #tpu.memory_space<vmem>>
    %dma_start3A_98 = arith.constant 0 : i32
    %dma_start3A_99 = tpu.memref_slice %arg6[%dma_start3A_98] : memref<10240xf32, #tpu.memory_space<vmem_shared>> -> memref<10240xf32, #tpu.memory_space<vmem_shared>>
    tpu.enqueue_indirect_dma source(%arg5 : memref<80xf32, #tpu.memory_space<vmem>>) target(%dma_start3A_99 : memref<10240xf32, #tpu.memory_space<vmem_shared>>) offsets(%dma_start3A_97 : memref<80xi32, #tpu.memory_space<vmem>>) semaphore(%arg7 : memref<!tpu.dma_semaphore, #tpu.memory_space<semaphore_mem>>) {add = true}
    %scan3A = arith.constant 0 : i32
    %scan3A_100 = arith.constant 1 : i32
    %scan3A_101 = arith.constant 24 : i32
    %scan3A_102 = arith.addi %scan3A_100, %scan3A_101 : i32
    %scan3A_103 = arith.constant 1 : i32
    scf.for %scan3A_139 = %scan3A_100 to %scan3A_102 step %scan3A_103  : i32 {
      %mul3A_140 = arith.constant 5 : i32
      %mul3A_141 = arith.muli %scan3A_139, %mul3A_140 : i32
      %add3A_142 = arith.constant 0 : i32
      %add3A_143 = arith.addi %mul3A_141, %add3A_142 : i32
      %dma_start3A_144 = arith.constant 0 : i32
      %dma_start3A_145 = tpu.memref_slice %arg4[%add3A_143, %dma_start3A_144] : memref<125x80xi32, #tpu.memory_space<vmem>> -> memref<1x80xi32, #tpu.memory_space<vmem>>
      %dma_start3A_146 = tpu.memref_squeeze %dma_start3A_145 : memref<1x80xi32, #tpu.memory_space<vmem>> -> memref<80xi32, #tpu.memory_space<vmem>>
      %dma_start3A_147 = arith.constant 0 : i32
      %dma_start3A_148 = tpu.memref_slice %arg6[%dma_start3A_147] : memref<10240xf32, #tpu.memory_space<vmem_shared>> -> memref<10240xf32, #tpu.memory_space<vmem_shared>>
      tpu.enqueue_indirect_dma source(%arg5 : memref<80xf32, #tpu.memory_space<vmem>>) target(%dma_start3A_148 : memref<10240xf32, #tpu.memory_space<vmem_shared>>) offsets(%dma_start3A_146 : memref<80xi32, #tpu.memory_space<vmem>>) semaphore(%arg7 : memref<!tpu.dma_semaphore, #tpu.memory_space<semaphore_mem>>) {add = true}
      %mul3A_149 = arith.constant 5 : i32
      %mul3A_150 = arith.muli %scan3A_139, %mul3A_149 : i32
      %add3A_151 = arith.constant 1 : i32
      %add3A_152 = arith.addi %mul3A_150, %add3A_151 : i32
      %dma_start3A_153 = arith.constant 0 : i32
      %dma_start3A_154 = tpu.memref_slice %arg4[%add3A_152, %dma_start3A_153] : memref<125x80xi32, #tpu.memory_space<vmem>> -> memref<1x80xi32, #tpu.memory_space<vmem>>
      %dma_start3A_155 = tpu.memref_squeeze %dma_start3A_154 : memref<1x80xi32, #tpu.memory_space<vmem>> -> memref<80xi32, #tpu.memory_space<vmem>>
      %dma_start3A_156 = arith.constant 0 : i32
      %dma_start3A_157 = tpu.memref_slice %arg6[%dma_start3A_156] : memref<10240xf32, #tpu.memory_space<vmem_shared>> -> memref<10240xf32, #tpu.memory_space<vmem_shared>>
      tpu.enqueue_indirect_dma source(%arg5 : memref<80xf32, #tpu.memory_space<vmem>>) target(%dma_start3A_157 : memref<10240xf32, #tpu.memory_space<vmem_shared>>) offsets(%dma_start3A_155 : memref<80xi32, #tpu.memory_space<vmem>>) semaphore(%arg7 : memref<!tpu.dma_semaphore, #tpu.memory_space<semaphore_mem>>) {add = true}
      %mul3A_158 = arith.constant 5 : i32
      %mul3A_159 = arith.muli %scan3A_139, %mul3A_158 : i32
      %add3A_160 = arith.constant 2 : i32
      %add3A_161 = arith.addi %mul3A_159, %add3A_160 : i32
      %dma_start3A_162 = arith.constant 0 : i32
      %dma_start3A_163 = tpu.memref_slice %arg4[%add3A_161, %dma_start3A_162] : memref<125x80xi32, #tpu.memory_space<vmem>> -> memref<1x80xi32, #tpu.memory_space<vmem>>
      %dma_start3A_164 = tpu.memref_squeeze %dma_start3A_163 : memref<1x80xi32, #tpu.memory_space<vmem>> -> memref<80xi32, #tpu.memory_space<vmem>>
      %dma_start3A_165 = arith.constant 0 : i32
      %dma_start3A_166 = tpu.memref_slice %arg6[%dma_start3A_165] : memref<10240xf32, #tpu.memory_space<vmem_shared>> -> memref<10240xf32, #tpu.memory_space<vmem_shared>>
      tpu.enqueue_indirect_dma source(%arg5 : memref<80xf32, #tpu.memory_space<vmem>>) target(%dma_start3A_166 : memref<10240xf32, #tpu.memory_space<vmem_shared>>) offsets(%dma_start3A_164 : memref<80xi32, #tpu.memory_space<vmem>>) semaphore(%arg7 : memref<!tpu.dma_semaphore, #tpu.memory_space<semaphore_mem>>) {add = true}
      %mul3A_167 = arith.constant 5 : i32
      %mul3A_168 = arith.muli %scan3A_139, %mul3A_167 : i32
      %add3A_169 = arith.constant 3 : i32
      %add3A_170 = arith.addi %mul3A_168, %add3A_169 : i32
      %dma_start3A_171 = arith.constant 0 : i32
      %dma_start3A_172 = tpu.memref_slice %arg4[%add3A_170, %dma_start3A_171] : memref<125x80xi32, #tpu.memory_space<vmem>> -> memref<1x80xi32, #tpu.memory_space<vmem>>
      %dma_start3A_173 = tpu.memref_squeeze %dma_start3A_172 : memref<1x80xi32, #tpu.memory_space<vmem>> -> memref<80xi32, #tpu.memory_space<vmem>>
      %dma_start3A_174 = arith.constant 0 : i32
      %dma_start3A_175 = tpu.memref_slice %arg6[%dma_start3A_174] : memref<10240xf32, #tpu.memory_space<vmem_shared>> -> memref<10240xf32, #tpu.memory_space<vmem_shared>>
      tpu.enqueue_indirect_dma source(%arg5 : memref<80xf32, #tpu.memory_space<vmem>>) target(%dma_start3A_175 : memref<10240xf32, #tpu.memory_space<vmem_shared>>) offsets(%dma_start3A_173 : memref<80xi32, #tpu.memory_space<vmem>>) semaphore(%arg7 : memref<!tpu.dma_semaphore, #tpu.memory_space<semaphore_mem>>) {add = true}
      %mul3A_176 = arith.constant 5 : i32
      %mul3A_177 = arith.muli %scan3A_139, %mul3A_176 : i32
      %add3A_178 = arith.constant 4 : i32
      %add3A_179 = arith.addi %mul3A_177, %add3A_178 : i32
      %dma_start3A_180 = arith.constant 0 : i32
      %dma_start3A_181 = tpu.memref_slice %arg4[%add3A_179, %dma_start3A_180] : memref<125x80xi32, #tpu.memory_space<vmem>> -> memref<1x80xi32, #tpu.memory_space<vmem>>
      %dma_start3A_182 = tpu.memref_squeeze %dma_start3A_181 : memref<1x80xi32, #tpu.memory_space<vmem>> -> memref<80xi32, #tpu.memory_space<vmem>>
      %dma_start3A_183 = arith.constant 0 : i32
      %dma_start3A_184 = tpu.memref_slice %arg6[%dma_start3A_183] : memref<10240xf32, #tpu.memory_space<vmem_shared>> -> memref<10240xf32, #tpu.memory_space<vmem_shared>>
      tpu.enqueue_indirect_dma source(%arg5 : memref<80xf32, #tpu.memory_space<vmem>>) target(%dma_start3A_184 : memref<10240xf32, #tpu.memory_space<vmem_shared>>) offsets(%dma_start3A_182 : memref<80xi32, #tpu.memory_space<vmem>>) semaphore(%arg7 : memref<!tpu.dma_semaphore, #tpu.memory_space<semaphore_mem>>) {add = true}
      %dma_wait3A_185 = arith.constant 0 : i32
      %dma_wait3A_186 = arith.constant 0 : i32
      %dma_wait3A_187 = tpu.memref_slice %arg4[%dma_wait3A_185, %dma_wait3A_186] : memref<125x80xi32, #tpu.memory_space<vmem>> -> memref<1x80xi32, #tpu.memory_space<vmem>>
      %dma_wait3A_188 = tpu.memref_squeeze %dma_wait3A_187 : memref<1x80xi32, #tpu.memory_space<vmem>> -> memref<80xi32, #tpu.memory_space<vmem>>
      %dma_wait3A_189 = arith.constant 0 : i32
      %dma_wait3A_190 = tpu.memref_slice %arg6[%dma_wait3A_189] : memref<10240xf32, #tpu.memory_space<vmem_shared>> -> memref<10240xf32, #tpu.memory_space<vmem_shared>>
      tpu.wait_indirect_dma semaphore(%arg7 : memref<!tpu.dma_semaphore, #tpu.memory_space<semaphore_mem>>) src(%arg5 : memref<80xf32, #tpu.memory_space<vmem>>) dst(%dma_wait3A_190 : memref<10240xf32, #tpu.memory_space<vmem_shared>>)
      %dma_wait3A_191 = arith.constant 0 : i32
      %dma_wait3A_192 = arith.constant 0 : i32
      %dma_wait3A_193 = tpu.memref_slice %arg4[%dma_wait3A_191, %dma_wait3A_192] : memref<125x80xi32, #tpu.memory_space<vmem>> -> memref<1x80xi32, #tpu.memory_space<vmem>>
      %dma_wait3A_194 = tpu.memref_squeeze %dma_wait3A_193 : memref<1x80xi32, #tpu.memory_space<vmem>> -> memref<80xi32, #tpu.memory_space<vmem>>
      %dma_wait3A_195 = arith.constant 0 : i32
      %dma_wait3A_196 = tpu.memref_slice %arg6[%dma_wait3A_195] : memref<10240xf32, #tpu.memory_space<vmem_shared>> -> memref<10240xf32, #tpu.memory_space<vmem_shared>>
      tpu.wait_indirect_dma semaphore(%arg7 : memref<!tpu.dma_semaphore, #tpu.memory_space<semaphore_mem>>) src(%arg5 : memref<80xf32, #tpu.memory_space<vmem>>) dst(%dma_wait3A_196 : memref<10240xf32, #tpu.memory_space<vmem_shared>>)
      %dma_wait3A_197 = arith.constant 0 : i32
      %dma_wait3A_198 = arith.constant 0 : i32
      %dma_wait3A_199 = tpu.memref_slice %arg4[%dma_wait3A_197, %dma_wait3A_198] : memref<125x80xi32, #tpu.memory_space<vmem>> -> memref<1x80xi32, #tpu.memory_space<vmem>>
      %dma_wait3A_200 = tpu.memref_squeeze %dma_wait3A_199 : memref<1x80xi32, #tpu.memory_space<vmem>> -> memref<80xi32, #tpu.memory_space<vmem>>
      %dma_wait3A_201 = arith.constant 0 : i32
      %dma_wait3A_202 = tpu.memref_slice %arg6[%dma_wait3A_201] : memref<10240xf32, #tpu.memory_space<vmem_shared>> -> memref<10240xf32, #tpu.memory_space<vmem_shared>>
      tpu.wait_indirect_dma semaphore(%arg7 : memref<!tpu.dma_semaphore, #tpu.memory_space<semaphore_mem>>) src(%arg5 : memref<80xf32, #tpu.memory_space<vmem>>) dst(%dma_wait3A_202 : memref<10240xf32, #tpu.memory_space<vmem_shared>>)
      %dma_wait3A_203 = arith.constant 0 : i32
      %dma_wait3A_204 = arith.constant 0 : i32
      %dma_wait3A_205 = tpu.memref_slice %arg4[%dma_wait3A_203, %dma_wait3A_204] : memref<125x80xi32, #tpu.memory_space<vmem>> -> memref<1x80xi32, #tpu.memory_space<vmem>>
      %dma_wait3A_206 = tpu.memref_squeeze %dma_wait3A_205 : memref<1x80xi32, #tpu.memory_space<vmem>> -> memref<80xi32, #tpu.memory_space<vmem>>
      %dma_wait3A_207 = arith.constant 0 : i32
      %dma_wait3A_208 = tpu.memref_slice %arg6[%dma_wait3A_207] : memref<10240xf32, #tpu.memory_space<vmem_shared>> -> memref<10240xf32, #tpu.memory_space<vmem_shared>>
      tpu.wait_indirect_dma semaphore(%arg7 : memref<!tpu.dma_semaphore, #tpu.memory_space<semaphore_mem>>) src(%arg5 : memref<80xf32, #tpu.memory_space<vmem>>) dst(%dma_wait3A_208 : memref<10240xf32, #tpu.memory_space<vmem_shared>>)
      %dma_wait3A_209 = arith.constant 0 : i32
      %dma_wait3A_210 = arith.constant 0 : i32
      %dma_wait3A_211 = tpu.memref_slice %arg4[%dma_wait3A_209, %dma_wait3A_210] : memref<125x80xi32, #tpu.memory_space<vmem>> -> memref<1x80xi32, #tpu.memory_space<vmem>>
      %dma_wait3A_212 = tpu.memref_squeeze %dma_wait3A_211 : memref<1x80xi32, #tpu.memory_space<vmem>> -> memref<80xi32, #tpu.memory_space<vmem>>
      %dma_wait3A_213 = arith.constant 0 : i32
      %dma_wait3A_214 = tpu.memref_slice %arg6[%dma_wait3A_213] : memref<10240xf32, #tpu.memory_space<vmem_shared>> -> memref<10240xf32, #tpu.memory_space<vmem_shared>>
      tpu.wait_indirect_dma semaphore(%arg7 : memref<!tpu.dma_semaphore, #tpu.memory_space<semaphore_mem>>) src(%arg5 : memref<80xf32, #tpu.memory_space<vmem>>) dst(%dma_wait3A_214 : memref<10240xf32, #tpu.memory_space<vmem_shared>>)
    }
    %scan3A_104 = arith.constant 24 : i32
    %dma_wait3A = arith.constant 0 : i32
    %dma_wait3A_105 = arith.constant 0 : i32
    %dma_wait3A_106 = tpu.memref_slice %arg4[%dma_wait3A, %dma_wait3A_105] : memref<125x80xi32, #tpu.memory_space<vmem>> -> memref<1x80xi32, #tpu.memory_space<vmem>>
    %dma_wait3A_107 = tpu.memref_squeeze %dma_wait3A_106 : memref<1x80xi32, #tpu.memory_space<vmem>> -> memref<80xi32, #tpu.memory_space<vmem>>
    %dma_wait3A_108 = arith.constant 0 : i32
    %dma_wait3A_109 = tpu.memref_slice %arg6[%dma_wait3A_108] : memref<10240xf32, #tpu.memory_space<vmem_shared>> -> memref<10240xf32, #tpu.memory_space<vmem_shared>>
    tpu.wait_indirect_dma semaphore(%arg7 : memref<!tpu.dma_semaphore, #tpu.memory_space<semaphore_mem>>) src(%arg5 : memref<80xf32, #tpu.memory_space<vmem>>) dst(%dma_wait3A_109 : memref<10240xf32, #tpu.memory_space<vmem_shared>>)
    %dma_wait3A_110 = arith.constant 0 : i32
    %dma_wait3A_111 = arith.constant 0 : i32
    %dma_wait3A_112 = tpu.memref_slice %arg4[%dma_wait3A_110, %dma_wait3A_111] : memref<125x80xi32, #tpu.memory_space<vmem>> -> memref<1x80xi32, #tpu.memory_space<vmem>>
    %dma_wait3A_113 = tpu.memref_squeeze %dma_wait3A_112 : memref<1x80xi32, #tpu.memory_space<vmem>> -> memref<80xi32, #tpu.memory_space<vmem>>
    %dma_wait3A_114 = arith.constant 0 : i32
    %dma_wait3A_115 = tpu.memref_slice %arg6[%dma_wait3A_114] : memref<10240xf32, #tpu.memory_space<vmem_shared>> -> memref<10240xf32, #tpu.memory_space<vmem_shared>>
    tpu.wait_indirect_dma semaphore(%arg7 : memref<!tpu.dma_semaphore, #tpu.memory_space<semaphore_mem>>) src(%arg5 : memref<80xf32, #tpu.memory_space<vmem>>) dst(%dma_wait3A_115 : memref<10240xf32, #tpu.memory_space<vmem_shared>>)
    %dma_wait3A_116 = arith.constant 0 : i32
    %dma_wait3A_117 = arith.constant 0 : i32
    %dma_wait3A_118 = tpu.memref_slice %arg4[%dma_wait3A_116, %dma_wait3A_117] : memref<125x80xi32, #tpu.memory_space<vmem>> -> memref<1x80xi32, #tpu.memory_space<vmem>>
    %dma_wait3A_119 = tpu.memref_squeeze %dma_wait3A_118 : memref<1x80xi32, #tpu.memory_space<vmem>> -> memref<80xi32, #tpu.memory_space<vmem>>
    %dma_wait3A_120 = arith.constant 0 : i32
    %dma_wait3A_121 = tpu.memref_slice %arg6[%dma_wait3A_120] : memref<10240xf32, #tpu.memory_space<vmem_shared>> -> memref<10240xf32, #tpu.memory_space<vmem_shared>>
    tpu.wait_indirect_dma semaphore(%arg7 : memref<!tpu.dma_semaphore, #tpu.memory_space<semaphore_mem>>) src(%arg5 : memref<80xf32, #tpu.memory_space<vmem>>) dst(%dma_wait3A_121 : memref<10240xf32, #tpu.memory_space<vmem_shared>>)
    %dma_wait3A_122 = arith.constant 0 : i32
    %dma_wait3A_123 = arith.constant 0 : i32
    %dma_wait3A_124 = tpu.memref_slice %arg4[%dma_wait3A_122, %dma_wait3A_123] : memref<125x80xi32, #tpu.memory_space<vmem>> -> memref<1x80xi32, #tpu.memory_space<vmem>>
    %dma_wait3A_125 = tpu.memref_squeeze %dma_wait3A_124 : memref<1x80xi32, #tpu.memory_space<vmem>> -> memref<80xi32, #tpu.memory_space<vmem>>
    %dma_wait3A_126 = arith.constant 0 : i32
    %dma_wait3A_127 = tpu.memref_slice %arg6[%dma_wait3A_126] : memref<10240xf32, #tpu.memory_space<vmem_shared>> -> memref<10240xf32, #tpu.memory_space<vmem_shared>>
    tpu.wait_indirect_dma semaphore(%arg7 : memref<!tpu.dma_semaphore, #tpu.memory_space<semaphore_mem>>) src(%arg5 : memref<80xf32, #tpu.memory_space<vmem>>) dst(%dma_wait3A_127 : memref<10240xf32, #tpu.memory_space<vmem_shared>>)
    %dma_wait3A_128 = arith.constant 0 : i32
    %dma_wait3A_129 = arith.constant 0 : i32
    %dma_wait3A_130 = tpu.memref_slice %arg4[%dma_wait3A_128, %dma_wait3A_129] : memref<125x80xi32, #tpu.memory_space<vmem>> -> memref<1x80xi32, #tpu.memory_space<vmem>>
    %dma_wait3A_131 = tpu.memref_squeeze %dma_wait3A_130 : memref<1x80xi32, #tpu.memory_space<vmem>> -> memref<80xi32, #tpu.memory_space<vmem>>
    %dma_wait3A_132 = arith.constant 0 : i32
    %dma_wait3A_133 = tpu.memref_slice %arg6[%dma_wait3A_132] : memref<10240xf32, #tpu.memory_space<vmem_shared>> -> memref<10240xf32, #tpu.memory_space<vmem_shared>>
    tpu.wait_indirect_dma semaphore(%arg7 : memref<!tpu.dma_semaphore, #tpu.memory_space<semaphore_mem>>) src(%arg5 : memref<80xf32, #tpu.memory_space<vmem>>) dst(%dma_wait3A_133 : memref<10240xf32, #tpu.memory_space<vmem_shared>>)
    %barrier3A_134 = arith.constant 0 : index
    tpu.barrier barrier_id(%barrier3A_134)
    %mul3A_135 = arith.constant 640 : i32
    %mul3A_136 = arith.muli %arg1, %mul3A_135 : i32
    %mul3A_137 = arith.constant 640 : i32
    %mul3A_138 = arith.muli %arg1, %mul3A_137 : i32
    "tpu.region"() ({
      %run_scoped3A_139 = tpu.sem_alloc : memref<!tpu.dma_semaphore, #tpu.memory_space<semaphore_mem>>
      %dma_start3A_140 = tpu.memref_slice %arg3[%arg0, %mul3A_138] : memref<2x10240xf32, #tpu.memory_space<hbm>> -> memref<1x640xf32, #tpu.memory_space<hbm>>
      %dma_start3A_141 = tpu.memref_squeeze %dma_start3A_140 : memref<1x640xf32, #tpu.memory_space<hbm>> -> memref<640xf32, #tpu.memory_space<hbm>>
      %dma_start3A_142 = tpu.memref_slice %arg6[%mul3A_136] : memref<10240xf32, #tpu.memory_space<vmem_shared>> -> memref<640xf32, #tpu.memory_space<vmem_shared>>
      tpu.enqueue_dma source(%dma_start3A_142 : memref<640xf32, #tpu.memory_space<vmem_shared>>) target(%dma_start3A_141 : memref<640xf32, #tpu.memory_space<hbm>>) target_semaphore(%run_scoped3A_139 : memref<!tpu.dma_semaphore, #tpu.memory_space<semaphore_mem>>)
      %dma_wait3A_143 = tpu.memref_slice %arg3[%arg0, %mul3A_138] : memref<2x10240xf32, #tpu.memory_space<hbm>> -> memref<1x640xf32, #tpu.memory_space<hbm>>
      %dma_wait3A_144 = tpu.memref_squeeze %dma_wait3A_143 : memref<1x640xf32, #tpu.memory_space<hbm>> -> memref<640xf32, #tpu.memory_space<hbm>>
      %dma_wait3A_145 = tpu.memref_slice %arg6[%mul3A_136] : memref<10240xf32, #tpu.memory_space<vmem_shared>> -> memref<640xf32, #tpu.memory_space<vmem_shared>>
      tpu.wait_dma2 semaphore(%run_scoped3A_139 : memref<!tpu.dma_semaphore, #tpu.memory_space<semaphore_mem>>) src(%dma_wait3A_145 : memref<640xf32, #tpu.memory_space<vmem_shared>>) dst(%dma_wait3A_144 : memref<640xf32, #tpu.memory_space<hbm>>)
      tpu.yield
    }) : () -> ()
    return
  }
}

#map = affine_map<(d0, d1) -> (0, 0)>
#map1 = affine_map<(d0, d1) -> (0, 0, 0, 0)>
#map2 = affine_map<(d0, d1) -> (0, 0, 0)>
module attributes {stable_mosaic.version = 14 : i64} {
  func.func @_sc_msg64(%arg0: i32, %arg1: i32, %arg2: memref<10000x64xf32, #tpu.memory_space<hbm>>, %arg3: memref<2x32x125x80xi32, #tpu.memory_space<hbm>>, %arg4: memref<10240x64xf32, #tpu.memory_space<hbm>>, %arg5: memref<2x10240x64xf32, #tpu.memory_space<hbm>>, %arg6: memref<125x80xi32, #tpu.memory_space<vmem>>, %arg7: memref<125x80xi32, #tpu.memory_space<vmem>>, %arg8: memref<80x64xf32, #tpu.memory_space<vmem>>, %arg9: memref<80x64xf32, #tpu.memory_space<vmem>>, %arg10: memref<80x64xf32, #tpu.memory_space<vmem>>, %arg11: memref<80x64xf32, #tpu.memory_space<vmem>>, %arg12: memref<!tpu.dma_semaphore, #tpu.memory_space<semaphore_mem>>, %arg13: memref<!tpu.dma_semaphore, #tpu.memory_space<semaphore_mem>>, %arg14: memref<!tpu.dma_semaphore, #tpu.memory_space<semaphore_mem>>, %arg15: memref<!tpu.dma_semaphore, #tpu.memory_space<semaphore_mem>>, %arg16: memref<!tpu.dma_semaphore, #tpu.memory_space<semaphore_mem>>, %arg17: memref<!tpu.dma_semaphore, #tpu.memory_space<semaphore_mem>>, %arg18: memref<!tpu.dma_semaphore, #tpu.memory_space<semaphore_mem>>, %arg19: memref<!tpu.dma_semaphore, #tpu.memory_space<semaphore_mem>>, %arg20: memref<10240x64xf32, #tpu.memory_space<vmem_shared>>) attributes {dimension_semantics = [#tpu.dimension_semantics<core_parallel>, #tpu.dimension_semantics<subcore_parallel>], iteration_bounds = array<i64: 2, 16>, scalar_prefetch = 0 : i64, scratch_operands = 15 : i64, tpu.core_type = #tpu.core_type<sc_vector_subcore>, window_params = [{transform_indices = #map}, {transform_indices = #map1}, {transform_indices = #map}, {transform_indices = #map2}]} {
    %mul3A = arith.constant 2 : i32
    %mul3A_0 = arith.muli %arg1, %mul3A : i32
    %add3A = arith.addi %mul3A_0, %arg0 : i32
    %dma_start3A = arith.constant 0 : i32
    %dma_start3A_1 = arith.constant 0 : i32
    %dma_start3A_2 = arith.constant 0 : i32
    %dma_start3A_3 = tpu.memref_slice %arg3[%dma_start3A, %add3A, %dma_start3A_1, %dma_start3A_2] : memref<2x32x125x80xi32, #tpu.memory_space<hbm>> -> memref<1x1x125x80xi32, #tpu.memory_space<hbm>>
    %dma_start3A_4 = tpu.memref_squeeze %dma_start3A_3 : memref<1x1x125x80xi32, #tpu.memory_space<hbm>> -> memref<125x80xi32, #tpu.memory_space<hbm>>
    %dma_start3A_5 = arith.constant 0 : i32
    %dma_start3A_6 = arith.constant 0 : i32
    %dma_start3A_7 = tpu.memref_slice %arg3[%dma_start3A, %add3A, %dma_start3A_5, %dma_start3A_6] : memref<2x32x125x80xi32, #tpu.memory_space<hbm>> -> memref<1x1x125x80xi32, #tpu.memory_space<hbm>>
    %dma_start3A_8 = tpu.memref_squeeze %dma_start3A_7 : memref<1x1x125x80xi32, #tpu.memory_space<hbm>> -> memref<125x80xi32, #tpu.memory_space<hbm>>
    tpu.enqueue_dma source(%dma_start3A_8 : memref<125x80xi32, #tpu.memory_space<hbm>>) target(%arg6 : memref<125x80xi32, #tpu.memory_space<vmem>>) target_semaphore(%arg12 : memref<!tpu.dma_semaphore, #tpu.memory_space<semaphore_mem>>)
    %dma_start3A_9 = arith.constant 1 : i32
    %dma_start3A_10 = arith.constant 0 : i32
    %dma_start3A_11 = arith.constant 0 : i32
    %dma_start3A_12 = tpu.memref_slice %arg3[%dma_start3A_9, %add3A, %dma_start3A_10, %dma_start3A_11] : memref<2x32x125x80xi32, #tpu.memory_space<hbm>> -> memref<1x1x125x80xi32, #tpu.memory_space<hbm>>
    %dma_start3A_13 = tpu.memref_squeeze %dma_start3A_12 : memref<1x1x125x80xi32, #tpu.memory_space<hbm>> -> memref<125x80xi32, #tpu.memory_space<hbm>>
    %dma_start3A_14 = arith.constant 0 : i32
    %dma_start3A_15 = arith.constant 0 : i32
    %dma_start3A_16 = tpu.memref_slice %arg3[%dma_start3A_9, %add3A, %dma_start3A_14, %dma_start3A_15] : memref<2x32x125x80xi32, #tpu.memory_space<hbm>> -> memref<1x1x125x80xi32, #tpu.memory_space<hbm>>
    %dma_start3A_17 = tpu.memref_squeeze %dma_start3A_16 : memref<1x1x125x80xi32, #tpu.memory_space<hbm>> -> memref<125x80xi32, #tpu.memory_space<hbm>>
    tpu.enqueue_dma source(%dma_start3A_17 : memref<125x80xi32, #tpu.memory_space<hbm>>) target(%arg7 : memref<125x80xi32, #tpu.memory_space<vmem>>) target_semaphore(%arg13 : memref<!tpu.dma_semaphore, #tpu.memory_space<semaphore_mem>>)
    %mul3A_18 = arith.constant 640 : i32
    %mul3A_19 = arith.muli %arg1, %mul3A_18 : i32
    %mul3A_20 = arith.constant 640 : i32
    %mul3A_21 = arith.muli %arg1, %mul3A_20 : i32
    %dma_start3A_22 = arith.constant 0 : i32
    %dma_start3A_23 = tpu.memref_slice %arg20[%mul3A_21, %dma_start3A_22] : memref<10240x64xf32, #tpu.memory_space<vmem_shared>> -> memref<640x64xf32, #tpu.memory_space<vmem_shared>>
    %dma_start3A_24 = arith.constant 0 : i32
    %dma_start3A_25 = tpu.memref_slice %arg4[%mul3A_19, %dma_start3A_24] : memref<10240x64xf32, #tpu.memory_space<hbm>> -> memref<640x64xf32, #tpu.memory_space<hbm>>
    tpu.enqueue_dma source(%dma_start3A_25 : memref<640x64xf32, #tpu.memory_space<hbm>>) target(%dma_start3A_23 : memref<640x64xf32, #tpu.memory_space<vmem_shared>>) target_semaphore(%arg14 : memref<!tpu.dma_semaphore, #tpu.memory_space<semaphore_mem>>)
    %dma_wait3A = arith.constant 0 : i32
    %dma_wait3A_26 = arith.constant 0 : i32
    %dma_wait3A_27 = arith.constant 0 : i32
    %dma_wait3A_28 = tpu.memref_slice %arg3[%dma_wait3A, %add3A, %dma_wait3A_26, %dma_wait3A_27] : memref<2x32x125x80xi32, #tpu.memory_space<hbm>> -> memref<1x1x125x80xi32, #tpu.memory_space<hbm>>
    %dma_wait3A_29 = tpu.memref_squeeze %dma_wait3A_28 : memref<1x1x125x80xi32, #tpu.memory_space<hbm>> -> memref<125x80xi32, #tpu.memory_space<hbm>>
    %dma_wait3A_30 = arith.constant 0 : i32
    %dma_wait3A_31 = arith.constant 0 : i32
    %dma_wait3A_32 = tpu.memref_slice %arg3[%dma_wait3A, %add3A, %dma_wait3A_30, %dma_wait3A_31] : memref<2x32x125x80xi32, #tpu.memory_space<hbm>> -> memref<1x1x125x80xi32, #tpu.memory_space<hbm>>
    %dma_wait3A_33 = tpu.memref_squeeze %dma_wait3A_32 : memref<1x1x125x80xi32, #tpu.memory_space<hbm>> -> memref<125x80xi32, #tpu.memory_space<hbm>>
    tpu.wait_dma2 semaphore(%arg12 : memref<!tpu.dma_semaphore, #tpu.memory_space<semaphore_mem>>) src(%dma_wait3A_33 : memref<125x80xi32, #tpu.memory_space<hbm>>) dst(%arg6 : memref<125x80xi32, #tpu.memory_space<vmem>>)
    %dma_wait3A_34 = arith.constant 1 : i32
    %dma_wait3A_35 = arith.constant 0 : i32
    %dma_wait3A_36 = arith.constant 0 : i32
    %dma_wait3A_37 = tpu.memref_slice %arg3[%dma_wait3A_34, %add3A, %dma_wait3A_35, %dma_wait3A_36] : memref<2x32x125x80xi32, #tpu.memory_space<hbm>> -> memref<1x1x125x80xi32, #tpu.memory_space<hbm>>
    %dma_wait3A_38 = tpu.memref_squeeze %dma_wait3A_37 : memref<1x1x125x80xi32, #tpu.memory_space<hbm>> -> memref<125x80xi32, #tpu.memory_space<hbm>>
    %dma_wait3A_39 = arith.constant 0 : i32
    %dma_wait3A_40 = arith.constant 0 : i32
    %dma_wait3A_41 = tpu.memref_slice %arg3[%dma_wait3A_34, %add3A, %dma_wait3A_39, %dma_wait3A_40] : memref<2x32x125x80xi32, #tpu.memory_space<hbm>> -> memref<1x1x125x80xi32, #tpu.memory_space<hbm>>
    %dma_wait3A_42 = tpu.memref_squeeze %dma_wait3A_41 : memref<1x1x125x80xi32, #tpu.memory_space<hbm>> -> memref<125x80xi32, #tpu.memory_space<hbm>>
    tpu.wait_dma2 semaphore(%arg13 : memref<!tpu.dma_semaphore, #tpu.memory_space<semaphore_mem>>) src(%dma_wait3A_42 : memref<125x80xi32, #tpu.memory_space<hbm>>) dst(%arg7 : memref<125x80xi32, #tpu.memory_space<vmem>>)
    %dma_wait3A_43 = arith.constant 0 : i32
    %dma_wait3A_44 = tpu.memref_slice %arg20[%mul3A_21, %dma_wait3A_43] : memref<10240x64xf32, #tpu.memory_space<vmem_shared>> -> memref<640x64xf32, #tpu.memory_space<vmem_shared>>
    %dma_wait3A_45 = arith.constant 0 : i32
    %dma_wait3A_46 = tpu.memref_slice %arg4[%mul3A_19, %dma_wait3A_45] : memref<10240x64xf32, #tpu.memory_space<hbm>> -> memref<640x64xf32, #tpu.memory_space<hbm>>
    tpu.wait_dma2 semaphore(%arg14 : memref<!tpu.dma_semaphore, #tpu.memory_space<semaphore_mem>>) src(%dma_wait3A_46 : memref<640x64xf32, #tpu.memory_space<hbm>>) dst(%dma_wait3A_44 : memref<640x64xf32, #tpu.memory_space<vmem_shared>>)
    %barrier3A = arith.constant 0 : index
    tpu.barrier barrier_id(%barrier3A)
    %dma_start3A_47 = arith.constant 0 : i32
    %dma_start3A_48 = arith.constant 0 : i32
    %dma_start3A_49 = tpu.memref_slice %arg6[%dma_start3A_47, %dma_start3A_48] : memref<125x80xi32, #tpu.memory_space<vmem>> -> memref<1x80xi32, #tpu.memory_space<vmem>>
    %dma_start3A_50 = tpu.memref_squeeze %dma_start3A_49 : memref<1x80xi32, #tpu.memory_space<vmem>> -> memref<80xi32, #tpu.memory_space<vmem>>
    %dma_start3A_51 = arith.constant 0 : i32
    %dma_start3A_52 = arith.constant 0 : i32
    %dma_start3A_53 = tpu.memref_slice %arg2[%dma_start3A_51, %dma_start3A_52] : memref<10000x64xf32, #tpu.memory_space<hbm>> -> memref<10000x64xf32, #tpu.memory_space<hbm>>
    tpu.enqueue_indirect_dma source(%dma_start3A_53 : memref<10000x64xf32, #tpu.memory_space<hbm>>) target(%arg8 : memref<80x64xf32, #tpu.memory_space<vmem>>) offsets(%dma_start3A_50 : memref<80xi32, #tpu.memory_space<vmem>>) semaphore(%arg12 : memref<!tpu.dma_semaphore, #tpu.memory_space<semaphore_mem>>)
    %dma_start3A_54 = arith.constant 1 : i32
    %dma_start3A_55 = arith.constant 0 : i32
    %dma_start3A_56 = tpu.memref_slice %arg6[%dma_start3A_54, %dma_start3A_55] : memref<125x80xi32, #tpu.memory_space<vmem>> -> memref<1x80xi32, #tpu.memory_space<vmem>>
    %dma_start3A_57 = tpu.memref_squeeze %dma_start3A_56 : memref<1x80xi32, #tpu.memory_space<vmem>> -> memref<80xi32, #tpu.memory_space<vmem>>
    %dma_start3A_58 = arith.constant 0 : i32
    %dma_start3A_59 = arith.constant 0 : i32
    %dma_start3A_60 = tpu.memref_slice %arg2[%dma_start3A_58, %dma_start3A_59] : memref<10000x64xf32, #tpu.memory_space<hbm>> -> memref<10000x64xf32, #tpu.memory_space<hbm>>
    tpu.enqueue_indirect_dma source(%dma_start3A_60 : memref<10000x64xf32, #tpu.memory_space<hbm>>) target(%arg9 : memref<80x64xf32, #tpu.memory_space<vmem>>) offsets(%dma_start3A_57 : memref<80xi32, #tpu.memory_space<vmem>>) semaphore(%arg13 : memref<!tpu.dma_semaphore, #tpu.memory_space<semaphore_mem>>)
    %dma_start3A_61 = arith.constant 2 : i32
    %dma_start3A_62 = arith.constant 0 : i32
    %dma_start3A_63 = tpu.memref_slice %arg6[%dma_start3A_61, %dma_start3A_62] : memref<125x80xi32, #tpu.memory_space<vmem>> -> memref<1x80xi32, #tpu.memory_space<vmem>>
    %dma_start3A_64 = tpu.memref_squeeze %dma_start3A_63 : memref<1x80xi32, #tpu.memory_space<vmem>> -> memref<80xi32, #tpu.memory_space<vmem>>
    %dma_start3A_65 = arith.constant 0 : i32
    %dma_start3A_66 = arith.constant 0 : i32
    %dma_start3A_67 = tpu.memref_slice %arg2[%dma_start3A_65, %dma_start3A_66] : memref<10000x64xf32, #tpu.memory_space<hbm>> -> memref<10000x64xf32, #tpu.memory_space<hbm>>
    tpu.enqueue_indirect_dma source(%dma_start3A_67 : memref<10000x64xf32, #tpu.memory_space<hbm>>) target(%arg10 : memref<80x64xf32, #tpu.memory_space<vmem>>) offsets(%dma_start3A_64 : memref<80xi32, #tpu.memory_space<vmem>>) semaphore(%arg14 : memref<!tpu.dma_semaphore, #tpu.memory_space<semaphore_mem>>)
    %dma_wait3A_68 = arith.constant 0 : i32
    %dma_wait3A_69 = arith.constant 0 : i32
    %dma_wait3A_70 = tpu.memref_slice %arg6[%dma_wait3A_68, %dma_wait3A_69] : memref<125x80xi32, #tpu.memory_space<vmem>> -> memref<1x80xi32, #tpu.memory_space<vmem>>
    %dma_wait3A_71 = tpu.memref_squeeze %dma_wait3A_70 : memref<1x80xi32, #tpu.memory_space<vmem>> -> memref<80xi32, #tpu.memory_space<vmem>>
    %dma_wait3A_72 = arith.constant 0 : i32
    %dma_wait3A_73 = arith.constant 0 : i32
    %dma_wait3A_74 = tpu.memref_slice %arg2[%dma_wait3A_72, %dma_wait3A_73] : memref<10000x64xf32, #tpu.memory_space<hbm>> -> memref<10000x64xf32, #tpu.memory_space<hbm>>
    tpu.wait_indirect_dma semaphore(%arg12 : memref<!tpu.dma_semaphore, #tpu.memory_space<semaphore_mem>>) src(%dma_wait3A_74 : memref<10000x64xf32, #tpu.memory_space<hbm>>) dst(%arg8 : memref<80x64xf32, #tpu.memory_space<vmem>>)
    %dma_start3A_75 = arith.constant 0 : i32
    %dma_start3A_76 = arith.constant 0 : i32
    %dma_start3A_77 = tpu.memref_slice %arg7[%dma_start3A_75, %dma_start3A_76] : memref<125x80xi32, #tpu.memory_space<vmem>> -> memref<1x80xi32, #tpu.memory_space<vmem>>
    %dma_start3A_78 = tpu.memref_squeeze %dma_start3A_77 : memref<1x80xi32, #tpu.memory_space<vmem>> -> memref<80xi32, #tpu.memory_space<vmem>>
    %dma_start3A_79 = arith.constant 0 : i32
    %dma_start3A_80 = arith.constant 0 : i32
    %dma_start3A_81 = tpu.memref_slice %arg20[%dma_start3A_79, %dma_start3A_80] : memref<10240x64xf32, #tpu.memory_space<vmem_shared>> -> memref<10240x64xf32, #tpu.memory_space<vmem_shared>>
    tpu.enqueue_indirect_dma source(%arg8 : memref<80x64xf32, #tpu.memory_space<vmem>>) target(%dma_start3A_81 : memref<10240x64xf32, #tpu.memory_space<vmem_shared>>) offsets(%dma_start3A_78 : memref<80xi32, #tpu.memory_space<vmem>>) semaphore(%arg16 : memref<!tpu.dma_semaphore, #tpu.memory_space<semaphore_mem>>) {add = true}
    %dma_start3A_82 = arith.constant 3 : i32
    %dma_start3A_83 = arith.constant 0 : i32
    %dma_start3A_84 = tpu.memref_slice %arg6[%dma_start3A_82, %dma_start3A_83] : memref<125x80xi32, #tpu.memory_space<vmem>> -> memref<1x80xi32, #tpu.memory_space<vmem>>
    %dma_start3A_85 = tpu.memref_squeeze %dma_start3A_84 : memref<1x80xi32, #tpu.memory_space<vmem>> -> memref<80xi32, #tpu.memory_space<vmem>>
    %dma_start3A_86 = arith.constant 0 : i32
    %dma_start3A_87 = arith.constant 0 : i32
    %dma_start3A_88 = tpu.memref_slice %arg2[%dma_start3A_86, %dma_start3A_87] : memref<10000x64xf32, #tpu.memory_space<hbm>> -> memref<10000x64xf32, #tpu.memory_space<hbm>>
    tpu.enqueue_indirect_dma source(%dma_start3A_88 : memref<10000x64xf32, #tpu.memory_space<hbm>>) target(%arg11 : memref<80x64xf32, #tpu.memory_space<vmem>>) offsets(%dma_start3A_85 : memref<80xi32, #tpu.memory_space<vmem>>) semaphore(%arg15 : memref<!tpu.dma_semaphore, #tpu.memory_space<semaphore_mem>>)
    %dma_wait3A_89 = arith.constant 1 : i32
    %dma_wait3A_90 = arith.constant 0 : i32
    %dma_wait3A_91 = tpu.memref_slice %arg6[%dma_wait3A_89, %dma_wait3A_90] : memref<125x80xi32, #tpu.memory_space<vmem>> -> memref<1x80xi32, #tpu.memory_space<vmem>>
    %dma_wait3A_92 = tpu.memref_squeeze %dma_wait3A_91 : memref<1x80xi32, #tpu.memory_space<vmem>> -> memref<80xi32, #tpu.memory_space<vmem>>
    %dma_wait3A_93 = arith.constant 0 : i32
    %dma_wait3A_94 = arith.constant 0 : i32
    %dma_wait3A_95 = tpu.memref_slice %arg2[%dma_wait3A_93, %dma_wait3A_94] : memref<10000x64xf32, #tpu.memory_space<hbm>> -> memref<10000x64xf32, #tpu.memory_space<hbm>>
    tpu.wait_indirect_dma semaphore(%arg13 : memref<!tpu.dma_semaphore, #tpu.memory_space<semaphore_mem>>) src(%dma_wait3A_95 : memref<10000x64xf32, #tpu.memory_space<hbm>>) dst(%arg9 : memref<80x64xf32, #tpu.memory_space<vmem>>)
    %dma_start3A_96 = arith.constant 1 : i32
    %dma_start3A_97 = arith.constant 0 : i32
    %dma_start3A_98 = tpu.memref_slice %arg7[%dma_start3A_96, %dma_start3A_97] : memref<125x80xi32, #tpu.memory_space<vmem>> -> memref<1x80xi32, #tpu.memory_space<vmem>>
    %dma_start3A_99 = tpu.memref_squeeze %dma_start3A_98 : memref<1x80xi32, #tpu.memory_space<vmem>> -> memref<80xi32, #tpu.memory_space<vmem>>
    %dma_start3A_100 = arith.constant 0 : i32
    %dma_start3A_101 = arith.constant 0 : i32
    %dma_start3A_102 = tpu.memref_slice %arg20[%dma_start3A_100, %dma_start3A_101] : memref<10240x64xf32, #tpu.memory_space<vmem_shared>> -> memref<10240x64xf32, #tpu.memory_space<vmem_shared>>
    tpu.enqueue_indirect_dma source(%arg9 : memref<80x64xf32, #tpu.memory_space<vmem>>) target(%dma_start3A_102 : memref<10240x64xf32, #tpu.memory_space<vmem_shared>>) offsets(%dma_start3A_99 : memref<80xi32, #tpu.memory_space<vmem>>) semaphore(%arg17 : memref<!tpu.dma_semaphore, #tpu.memory_space<semaphore_mem>>) {add = true}
    %scan3A = arith.constant 0 : i32
    %scan3A_103 = arith.constant 0 : i32
    %scan3A_104 = arith.constant 30 : i32
    %scan3A_105 = arith.addi %scan3A_103, %scan3A_104 : i32
    %scan3A_106 = arith.constant 1 : i32
    scf.for %scan3A_197 = %scan3A_103 to %scan3A_105 step %scan3A_106  : i32 {
      %mul3A_198 = arith.constant 4 : i32
      %mul3A_199 = arith.muli %mul3A_198, %scan3A_197 : i32
      %dma_wait3A_200 = arith.constant 0 : i32
      %dma_wait3A_201 = arith.constant 0 : i32
      %dma_wait3A_202 = tpu.memref_slice %arg7[%dma_wait3A_200, %dma_wait3A_201] : memref<125x80xi32, #tpu.memory_space<vmem>> -> memref<1x80xi32, #tpu.memory_space<vmem>>
      %dma_wait3A_203 = tpu.memref_squeeze %dma_wait3A_202 : memref<1x80xi32, #tpu.memory_space<vmem>> -> memref<80xi32, #tpu.memory_space<vmem>>
      %dma_wait3A_204 = arith.constant 0 : i32
      %dma_wait3A_205 = arith.constant 0 : i32
      %dma_wait3A_206 = tpu.memref_slice %arg20[%dma_wait3A_204, %dma_wait3A_205] : memref<10240x64xf32, #tpu.memory_space<vmem_shared>> -> memref<10240x64xf32, #tpu.memory_space<vmem_shared>>
      tpu.wait_indirect_dma semaphore(%arg16 : memref<!tpu.dma_semaphore, #tpu.memory_space<semaphore_mem>>) src(%arg8 : memref<80x64xf32, #tpu.memory_space<vmem>>) dst(%dma_wait3A_206 : memref<10240x64xf32, #tpu.memory_space<vmem_shared>>)
      %add3A_207 = arith.constant 4 : i32
      %add3A_208 = arith.addi %mul3A_199, %add3A_207 : i32
      %dma_start3A_209 = arith.constant 0 : i32
      %dma_start3A_210 = tpu.memref_slice %arg6[%add3A_208, %dma_start3A_209] : memref<125x80xi32, #tpu.memory_space<vmem>> -> memref<1x80xi32, #tpu.memory_space<vmem>>
      %dma_start3A_211 = tpu.memref_squeeze %dma_start3A_210 : memref<1x80xi32, #tpu.memory_space<vmem>> -> memref<80xi32, #tpu.memory_space<vmem>>
      %dma_start3A_212 = arith.constant 0 : i32
      %dma_start3A_213 = arith.constant 0 : i32
      %dma_start3A_214 = tpu.memref_slice %arg2[%dma_start3A_212, %dma_start3A_213] : memref<10000x64xf32, #tpu.memory_space<hbm>> -> memref<10000x64xf32, #tpu.memory_space<hbm>>
      tpu.enqueue_indirect_dma source(%dma_start3A_214 : memref<10000x64xf32, #tpu.memory_space<hbm>>) target(%arg8 : memref<80x64xf32, #tpu.memory_space<vmem>>) offsets(%dma_start3A_211 : memref<80xi32, #tpu.memory_space<vmem>>) semaphore(%arg12 : memref<!tpu.dma_semaphore, #tpu.memory_space<semaphore_mem>>)
      %add3A_215 = arith.constant 2 : i32
      %add3A_216 = arith.addi %mul3A_199, %add3A_215 : i32
      %dma_wait3A_217 = arith.constant 0 : i32
      %dma_wait3A_218 = tpu.memref_slice %arg6[%add3A_216, %dma_wait3A_217] : memref<125x80xi32, #tpu.memory_space<vmem>> -> memref<1x80xi32, #tpu.memory_space<vmem>>
      %dma_wait3A_219 = tpu.memref_squeeze %dma_wait3A_218 : memref<1x80xi32, #tpu.memory_space<vmem>> -> memref<80xi32, #tpu.memory_space<vmem>>
      %dma_wait3A_220 = arith.constant 0 : i32
      %dma_wait3A_221 = arith.constant 0 : i32
      %dma_wait3A_222 = tpu.memref_slice %arg2[%dma_wait3A_220, %dma_wait3A_221] : memref<10000x64xf32, #tpu.memory_space<hbm>> -> memref<10000x64xf32, #tpu.memory_space<hbm>>
      tpu.wait_indirect_dma semaphore(%arg14 : memref<!tpu.dma_semaphore, #tpu.memory_space<semaphore_mem>>) src(%dma_wait3A_222 : memref<10000x64xf32, #tpu.memory_space<hbm>>) dst(%arg10 : memref<80x64xf32, #tpu.memory_space<vmem>>)
      %add3A_223 = arith.constant 2 : i32
      %add3A_224 = arith.addi %mul3A_199, %add3A_223 : i32
      %dma_start3A_225 = arith.constant 0 : i32
      %dma_start3A_226 = tpu.memref_slice %arg7[%add3A_224, %dma_start3A_225] : memref<125x80xi32, #tpu.memory_space<vmem>> -> memref<1x80xi32, #tpu.memory_space<vmem>>
      %dma_start3A_227 = tpu.memref_squeeze %dma_start3A_226 : memref<1x80xi32, #tpu.memory_space<vmem>> -> memref<80xi32, #tpu.memory_space<vmem>>
      %dma_start3A_228 = arith.constant 0 : i32
      %dma_start3A_229 = arith.constant 0 : i32
      %dma_start3A_230 = tpu.memref_slice %arg20[%dma_start3A_228, %dma_start3A_229] : memref<10240x64xf32, #tpu.memory_space<vmem_shared>> -> memref<10240x64xf32, #tpu.memory_space<vmem_shared>>
      tpu.enqueue_indirect_dma source(%arg10 : memref<80x64xf32, #tpu.memory_space<vmem>>) target(%dma_start3A_230 : memref<10240x64xf32, #tpu.memory_space<vmem_shared>>) offsets(%dma_start3A_227 : memref<80xi32, #tpu.memory_space<vmem>>) semaphore(%arg18 : memref<!tpu.dma_semaphore, #tpu.memory_space<semaphore_mem>>) {add = true}
      %dma_wait3A_231 = arith.constant 0 : i32
      %dma_wait3A_232 = arith.constant 0 : i32
      %dma_wait3A_233 = tpu.memref_slice %arg7[%dma_wait3A_231, %dma_wait3A_232] : memref<125x80xi32, #tpu.memory_space<vmem>> -> memref<1x80xi32, #tpu.memory_space<vmem>>
      %dma_wait3A_234 = tpu.memref_squeeze %dma_wait3A_233 : memref<1x80xi32, #tpu.memory_space<vmem>> -> memref<80xi32, #tpu.memory_space<vmem>>
      %dma_wait3A_235 = arith.constant 0 : i32
      %dma_wait3A_236 = arith.constant 0 : i32
      %dma_wait3A_237 = tpu.memref_slice %arg20[%dma_wait3A_235, %dma_wait3A_236] : memref<10240x64xf32, #tpu.memory_space<vmem_shared>> -> memref<10240x64xf32, #tpu.memory_space<vmem_shared>>
      tpu.wait_indirect_dma semaphore(%arg17 : memref<!tpu.dma_semaphore, #tpu.memory_space<semaphore_mem>>) src(%arg9 : memref<80x64xf32, #tpu.memory_space<vmem>>) dst(%dma_wait3A_237 : memref<10240x64xf32, #tpu.memory_space<vmem_shared>>)
      %add3A_238 = arith.constant 5 : i32
      %add3A_239 = arith.addi %mul3A_199, %add3A_238 : i32
      %dma_start3A_240 = arith.constant 0 : i32
      %dma_start3A_241 = tpu.memref_slice %arg6[%add3A_239, %dma_start3A_240] : memref<125x80xi32, #tpu.memory_space<vmem>> -> memref<1x80xi32, #tpu.memory_space<vmem>>
      %dma_start3A_242 = tpu.memref_squeeze %dma_start3A_241 : memref<1x80xi32, #tpu.memory_space<vmem>> -> memref<80xi32, #tpu.memory_space<vmem>>
      %dma_start3A_243 = arith.constant 0 : i32
      %dma_start3A_244 = arith.constant 0 : i32
      %dma_start3A_245 = tpu.memref_slice %arg2[%dma_start3A_243, %dma_start3A_244] : memref<10000x64xf32, #tpu.memory_space<hbm>> -> memref<10000x64xf32, #tpu.memory_space<hbm>>
      tpu.enqueue_indirect_dma source(%dma_start3A_245 : memref<10000x64xf32, #tpu.memory_space<hbm>>) target(%arg9 : memref<80x64xf32, #tpu.memory_space<vmem>>) offsets(%dma_start3A_242 : memref<80xi32, #tpu.memory_space<vmem>>) semaphore(%arg13 : memref<!tpu.dma_semaphore, #tpu.memory_space<semaphore_mem>>)
      %add3A_246 = arith.constant 3 : i32
      %add3A_247 = arith.addi %mul3A_199, %add3A_246 : i32
      %dma_wait3A_248 = arith.constant 0 : i32
      %dma_wait3A_249 = tpu.memref_slice %arg6[%add3A_247, %dma_wait3A_248] : memref<125x80xi32, #tpu.memory_space<vmem>> -> memref<1x80xi32, #tpu.memory_space<vmem>>
      %dma_wait3A_250 = tpu.memref_squeeze %dma_wait3A_249 : memref<1x80xi32, #tpu.memory_space<vmem>> -> memref<80xi32, #tpu.memory_space<vmem>>
      %dma_wait3A_251 = arith.constant 0 : i32
      %dma_wait3A_252 = arith.constant 0 : i32
      %dma_wait3A_253 = tpu.memref_slice %arg2[%dma_wait3A_251, %dma_wait3A_252] : memref<10000x64xf32, #tpu.memory_space<hbm>> -> memref<10000x64xf32, #tpu.memory_space<hbm>>
      tpu.wait_indirect_dma semaphore(%arg15 : memref<!tpu.dma_semaphore, #tpu.memory_space<semaphore_mem>>) src(%dma_wait3A_253 : memref<10000x64xf32, #tpu.memory_space<hbm>>) dst(%arg11 : memref<80x64xf32, #tpu.memory_space<vmem>>)
      %add3A_254 = arith.constant 3 : i32
      %add3A_255 = arith.addi %mul3A_199, %add3A_254 : i32
      %dma_start3A_256 = arith.constant 0 : i32
      %dma_start3A_257 = tpu.memref_slice %arg7[%add3A_255, %dma_start3A_256] : memref<125x80xi32, #tpu.memory_space<vmem>> -> memref<1x80xi32, #tpu.memory_space<vmem>>
      %dma_start3A_258 = tpu.memref_squeeze %dma_start3A_257 : memref<1x80xi32, #tpu.memory_space<vmem>> -> memref<80xi32, #tpu.memory_space<vmem>>
      %dma_start3A_259 = arith.constant 0 : i32
      %dma_start3A_260 = arith.constant 0 : i32
      %dma_start3A_261 = tpu.memref_slice %arg20[%dma_start3A_259, %dma_start3A_260] : memref<10240x64xf32, #tpu.memory_space<vmem_shared>> -> memref<10240x64xf32, #tpu.memory_space<vmem_shared>>
      tpu.enqueue_indirect_dma source(%arg11 : memref<80x64xf32, #tpu.memory_space<vmem>>) target(%dma_start3A_261 : memref<10240x64xf32, #tpu.memory_space<vmem_shared>>) offsets(%dma_start3A_258 : memref<80xi32, #tpu.memory_space<vmem>>) semaphore(%arg19 : memref<!tpu.dma_semaphore, #tpu.memory_space<semaphore_mem>>) {add = true}
      %dma_wait3A_262 = arith.constant 0 : i32
      %dma_wait3A_263 = arith.constant 0 : i32
      %dma_wait3A_264 = tpu.memref_slice %arg7[%dma_wait3A_262, %dma_wait3A_263] : memref<125x80xi32, #tpu.memory_space<vmem>> -> memref<1x80xi32, #tpu.memory_space<vmem>>
      %dma_wait3A_265 = tpu.memref_squeeze %dma_wait3A_264 : memref<1x80xi32, #tpu.memory_space<vmem>> -> memref<80xi32, #tpu.memory_space<vmem>>
      %dma_wait3A_266 = arith.constant 0 : i32
      %dma_wait3A_267 = arith.constant 0 : i32
      %dma_wait3A_268 = tpu.memref_slice %arg20[%dma_wait3A_266, %dma_wait3A_267] : memref<10240x64xf32, #tpu.memory_space<vmem_shared>> -> memref<10240x64xf32, #tpu.memory_space<vmem_shared>>
      tpu.wait_indirect_dma semaphore(%arg18 : memref<!tpu.dma_semaphore, #tpu.memory_space<semaphore_mem>>) src(%arg10 : memref<80x64xf32, #tpu.memory_space<vmem>>) dst(%dma_wait3A_268 : memref<10240x64xf32, #tpu.memory_space<vmem_shared>>)
      %add3A_269 = arith.constant 6 : i32
      %add3A_270 = arith.addi %mul3A_199, %add3A_269 : i32
      %dma_start3A_271 = arith.constant 0 : i32
      %dma_start3A_272 = tpu.memref_slice %arg6[%add3A_270, %dma_start3A_271] : memref<125x80xi32, #tpu.memory_space<vmem>> -> memref<1x80xi32, #tpu.memory_space<vmem>>
      %dma_start3A_273 = tpu.memref_squeeze %dma_start3A_272 : memref<1x80xi32, #tpu.memory_space<vmem>> -> memref<80xi32, #tpu.memory_space<vmem>>
      %dma_start3A_274 = arith.constant 0 : i32
      %dma_start3A_275 = arith.constant 0 : i32
      %dma_start3A_276 = tpu.memref_slice %arg2[%dma_start3A_274, %dma_start3A_275] : memref<10000x64xf32, #tpu.memory_space<hbm>> -> memref<10000x64xf32, #tpu.memory_space<hbm>>
      tpu.enqueue_indirect_dma source(%dma_start3A_276 : memref<10000x64xf32, #tpu.memory_space<hbm>>) target(%arg10 : memref<80x64xf32, #tpu.memory_space<vmem>>) offsets(%dma_start3A_273 : memref<80xi32, #tpu.memory_space<vmem>>) semaphore(%arg14 : memref<!tpu.dma_semaphore, #tpu.memory_space<semaphore_mem>>)
      %add3A_277 = arith.constant 4 : i32
      %add3A_278 = arith.addi %mul3A_199, %add3A_277 : i32
      %dma_wait3A_279 = arith.constant 0 : i32
      %dma_wait3A_280 = tpu.memref_slice %arg6[%add3A_278, %dma_wait3A_279] : memref<125x80xi32, #tpu.memory_space<vmem>> -> memref<1x80xi32, #tpu.memory_space<vmem>>
      %dma_wait3A_281 = tpu.memref_squeeze %dma_wait3A_280 : memref<1x80xi32, #tpu.memory_space<vmem>> -> memref<80xi32, #tpu.memory_space<vmem>>
      %dma_wait3A_282 = arith.constant 0 : i32
      %dma_wait3A_283 = arith.constant 0 : i32
      %dma_wait3A_284 = tpu.memref_slice %arg2[%dma_wait3A_282, %dma_wait3A_283] : memref<10000x64xf32, #tpu.memory_space<hbm>> -> memref<10000x64xf32, #tpu.memory_space<hbm>>
      tpu.wait_indirect_dma semaphore(%arg12 : memref<!tpu.dma_semaphore, #tpu.memory_space<semaphore_mem>>) src(%dma_wait3A_284 : memref<10000x64xf32, #tpu.memory_space<hbm>>) dst(%arg8 : memref<80x64xf32, #tpu.memory_space<vmem>>)
      %add3A_285 = arith.constant 4 : i32
      %add3A_286 = arith.addi %mul3A_199, %add3A_285 : i32
      %dma_start3A_287 = arith.constant 0 : i32
      %dma_start3A_288 = tpu.memref_slice %arg7[%add3A_286, %dma_start3A_287] : memref<125x80xi32, #tpu.memory_space<vmem>> -> memref<1x80xi32, #tpu.memory_space<vmem>>
      %dma_start3A_289 = tpu.memref_squeeze %dma_start3A_288 : memref<1x80xi32, #tpu.memory_space<vmem>> -> memref<80xi32, #tpu.memory_space<vmem>>
      %dma_start3A_290 = arith.constant 0 : i32
      %dma_start3A_291 = arith.constant 0 : i32
      %dma_start3A_292 = tpu.memref_slice %arg20[%dma_start3A_290, %dma_start3A_291] : memref<10240x64xf32, #tpu.memory_space<vmem_shared>> -> memref<10240x64xf32, #tpu.memory_space<vmem_shared>>
      tpu.enqueue_indirect_dma source(%arg8 : memref<80x64xf32, #tpu.memory_space<vmem>>) target(%dma_start3A_292 : memref<10240x64xf32, #tpu.memory_space<vmem_shared>>) offsets(%dma_start3A_289 : memref<80xi32, #tpu.memory_space<vmem>>) semaphore(%arg16 : memref<!tpu.dma_semaphore, #tpu.memory_space<semaphore_mem>>) {add = true}
      %dma_wait3A_293 = arith.constant 0 : i32
      %dma_wait3A_294 = arith.constant 0 : i32
      %dma_wait3A_295 = tpu.memref_slice %arg7[%dma_wait3A_293, %dma_wait3A_294] : memref<125x80xi32, #tpu.memory_space<vmem>> -> memref<1x80xi32, #tpu.memory_space<vmem>>
      %dma_wait3A_296 = tpu.memref_squeeze %dma_wait3A_295 : memref<1x80xi32, #tpu.memory_space<vmem>> -> memref<80xi32, #tpu.memory_space<vmem>>
      %dma_wait3A_297 = arith.constant 0 : i32
      %dma_wait3A_298 = arith.constant 0 : i32
      %dma_wait3A_299 = tpu.memref_slice %arg20[%dma_wait3A_297, %dma_wait3A_298] : memref<10240x64xf32, #tpu.memory_space<vmem_shared>> -> memref<10240x64xf32, #tpu.memory_space<vmem_shared>>
      tpu.wait_indirect_dma semaphore(%arg19 : memref<!tpu.dma_semaphore, #tpu.memory_space<semaphore_mem>>) src(%arg11 : memref<80x64xf32, #tpu.memory_space<vmem>>) dst(%dma_wait3A_299 : memref<10240x64xf32, #tpu.memory_space<vmem_shared>>)
      %add3A_300 = arith.constant 7 : i32
      %add3A_301 = arith.addi %mul3A_199, %add3A_300 : i32
      %dma_start3A_302 = arith.constant 0 : i32
      %dma_start3A_303 = tpu.memref_slice %arg6[%add3A_301, %dma_start3A_302] : memref<125x80xi32, #tpu.memory_space<vmem>> -> memref<1x80xi32, #tpu.memory_space<vmem>>
      %dma_start3A_304 = tpu.memref_squeeze %dma_start3A_303 : memref<1x80xi32, #tpu.memory_space<vmem>> -> memref<80xi32, #tpu.memory_space<vmem>>
      %dma_start3A_305 = arith.constant 0 : i32
      %dma_start3A_306 = arith.constant 0 : i32
      %dma_start3A_307 = tpu.memref_slice %arg2[%dma_start3A_305, %dma_start3A_306] : memref<10000x64xf32, #tpu.memory_space<hbm>> -> memref<10000x64xf32, #tpu.memory_space<hbm>>
      tpu.enqueue_indirect_dma source(%dma_start3A_307 : memref<10000x64xf32, #tpu.memory_space<hbm>>) target(%arg11 : memref<80x64xf32, #tpu.memory_space<vmem>>) offsets(%dma_start3A_304 : memref<80xi32, #tpu.memory_space<vmem>>) semaphore(%arg15 : memref<!tpu.dma_semaphore, #tpu.memory_space<semaphore_mem>>)
      %add3A_308 = arith.constant 5 : i32
      %add3A_309 = arith.addi %mul3A_199, %add3A_308 : i32
      %dma_wait3A_310 = arith.constant 0 : i32
      %dma_wait3A_311 = tpu.memref_slice %arg6[%add3A_309, %dma_wait3A_310] : memref<125x80xi32, #tpu.memory_space<vmem>> -> memref<1x80xi32, #tpu.memory_space<vmem>>
      %dma_wait3A_312 = tpu.memref_squeeze %dma_wait3A_311 : memref<1x80xi32, #tpu.memory_space<vmem>> -> memref<80xi32, #tpu.memory_space<vmem>>
      %dma_wait3A_313 = arith.constant 0 : i32
      %dma_wait3A_314 = arith.constant 0 : i32
      %dma_wait3A_315 = tpu.memref_slice %arg2[%dma_wait3A_313, %dma_wait3A_314] : memref<10000x64xf32, #tpu.memory_space<hbm>> -> memref<10000x64xf32, #tpu.memory_space<hbm>>
      tpu.wait_indirect_dma semaphore(%arg13 : memref<!tpu.dma_semaphore, #tpu.memory_space<semaphore_mem>>) src(%dma_wait3A_315 : memref<10000x64xf32, #tpu.memory_space<hbm>>) dst(%arg9 : memref<80x64xf32, #tpu.memory_space<vmem>>)
      %add3A_316 = arith.constant 5 : i32
      %add3A_317 = arith.addi %mul3A_199, %add3A_316 : i32
      %dma_start3A_318 = arith.constant 0 : i32
      %dma_start3A_319 = tpu.memref_slice %arg7[%add3A_317, %dma_start3A_318] : memref<125x80xi32, #tpu.memory_space<vmem>> -> memref<1x80xi32, #tpu.memory_space<vmem>>
      %dma_start3A_320 = tpu.memref_squeeze %dma_start3A_319 : memref<1x80xi32, #tpu.memory_space<vmem>> -> memref<80xi32, #tpu.memory_space<vmem>>
      %dma_start3A_321 = arith.constant 0 : i32
      %dma_start3A_322 = arith.constant 0 : i32
      %dma_start3A_323 = tpu.memref_slice %arg20[%dma_start3A_321, %dma_start3A_322] : memref<10240x64xf32, #tpu.memory_space<vmem_shared>> -> memref<10240x64xf32, #tpu.memory_space<vmem_shared>>
      tpu.enqueue_indirect_dma source(%arg9 : memref<80x64xf32, #tpu.memory_space<vmem>>) target(%dma_start3A_323 : memref<10240x64xf32, #tpu.memory_space<vmem_shared>>) offsets(%dma_start3A_320 : memref<80xi32, #tpu.memory_space<vmem>>) semaphore(%arg17 : memref<!tpu.dma_semaphore, #tpu.memory_space<semaphore_mem>>) {add = true}
    }
    %scan3A_107 = arith.constant 30 : i32
    %dma_wait3A_108 = arith.constant 0 : i32
    %dma_wait3A_109 = arith.constant 0 : i32
    %dma_wait3A_110 = tpu.memref_slice %arg7[%dma_wait3A_108, %dma_wait3A_109] : memref<125x80xi32, #tpu.memory_space<vmem>> -> memref<1x80xi32, #tpu.memory_space<vmem>>
    %dma_wait3A_111 = tpu.memref_squeeze %dma_wait3A_110 : memref<1x80xi32, #tpu.memory_space<vmem>> -> memref<80xi32, #tpu.memory_space<vmem>>
    %dma_wait3A_112 = arith.constant 0 : i32
    %dma_wait3A_113 = arith.constant 0 : i32
    %dma_wait3A_114 = tpu.memref_slice %arg20[%dma_wait3A_112, %dma_wait3A_113] : memref<10240x64xf32, #tpu.memory_space<vmem_shared>> -> memref<10240x64xf32, #tpu.memory_space<vmem_shared>>
    tpu.wait_indirect_dma semaphore(%arg16 : memref<!tpu.dma_semaphore, #tpu.memory_space<semaphore_mem>>) src(%arg8 : memref<80x64xf32, #tpu.memory_space<vmem>>) dst(%dma_wait3A_114 : memref<10240x64xf32, #tpu.memory_space<vmem_shared>>)
    %dma_start3A_115 = arith.constant 124 : i32
    %dma_start3A_116 = arith.constant 0 : i32
    %dma_start3A_117 = tpu.memref_slice %arg6[%dma_start3A_115, %dma_start3A_116] : memref<125x80xi32, #tpu.memory_space<vmem>> -> memref<1x80xi32, #tpu.memory_space<vmem>>
    %dma_start3A_118 = tpu.memref_squeeze %dma_start3A_117 : memref<1x80xi32, #tpu.memory_space<vmem>> -> memref<80xi32, #tpu.memory_space<vmem>>
    %dma_start3A_119 = arith.constant 0 : i32
    %dma_start3A_120 = arith.constant 0 : i32
    %dma_start3A_121 = tpu.memref_slice %arg2[%dma_start3A_119, %dma_start3A_120] : memref<10000x64xf32, #tpu.memory_space<hbm>> -> memref<10000x64xf32, #tpu.memory_space<hbm>>
    tpu.enqueue_indirect_dma source(%dma_start3A_121 : memref<10000x64xf32, #tpu.memory_space<hbm>>) target(%arg8 : memref<80x64xf32, #tpu.memory_space<vmem>>) offsets(%dma_start3A_118 : memref<80xi32, #tpu.memory_space<vmem>>) semaphore(%arg12 : memref<!tpu.dma_semaphore, #tpu.memory_space<semaphore_mem>>)
    %dma_wait3A_122 = arith.constant 122 : i32
    %dma_wait3A_123 = arith.constant 0 : i32
    %dma_wait3A_124 = tpu.memref_slice %arg6[%dma_wait3A_122, %dma_wait3A_123] : memref<125x80xi32, #tpu.memory_space<vmem>> -> memref<1x80xi32, #tpu.memory_space<vmem>>
    %dma_wait3A_125 = tpu.memref_squeeze %dma_wait3A_124 : memref<1x80xi32, #tpu.memory_space<vmem>> -> memref<80xi32, #tpu.memory_space<vmem>>
    %dma_wait3A_126 = arith.constant 0 : i32
    %dma_wait3A_127 = arith.constant 0 : i32
    %dma_wait3A_128 = tpu.memref_slice %arg2[%dma_wait3A_126, %dma_wait3A_127] : memref<10000x64xf32, #tpu.memory_space<hbm>> -> memref<10000x64xf32, #tpu.memory_space<hbm>>
    tpu.wait_indirect_dma semaphore(%arg14 : memref<!tpu.dma_semaphore, #tpu.memory_space<semaphore_mem>>) src(%dma_wait3A_128 : memref<10000x64xf32, #tpu.memory_space<hbm>>) dst(%arg10 : memref<80x64xf32, #tpu.memory_space<vmem>>)
    %dma_start3A_129 = arith.constant 122 : i32
    %dma_start3A_130 = arith.constant 0 : i32
    %dma_start3A_131 = tpu.memref_slice %arg7[%dma_start3A_129, %dma_start3A_130] : memref<125x80xi32, #tpu.memory_space<vmem>> -> memref<1x80xi32, #tpu.memory_space<vmem>>
    %dma_start3A_132 = tpu.memref_squeeze %dma_start3A_131 : memref<1x80xi32, #tpu.memory_space<vmem>> -> memref<80xi32, #tpu.memory_space<vmem>>
    %dma_start3A_133 = arith.constant 0 : i32
    %dma_start3A_134 = arith.constant 0 : i32
    %dma_start3A_135 = tpu.memref_slice %arg20[%dma_start3A_133, %dma_start3A_134] : memref<10240x64xf32, #tpu.memory_space<vmem_shared>> -> memref<10240x64xf32, #tpu.memory_space<vmem_shared>>
    tpu.enqueue_indirect_dma source(%arg10 : memref<80x64xf32, #tpu.memory_space<vmem>>) target(%dma_start3A_135 : memref<10240x64xf32, #tpu.memory_space<vmem_shared>>) offsets(%dma_start3A_132 : memref<80xi32, #tpu.memory_space<vmem>>) semaphore(%arg18 : memref<!tpu.dma_semaphore, #tpu.memory_space<semaphore_mem>>) {add = true}
    %dma_wait3A_136 = arith.constant 0 : i32
    %dma_wait3A_137 = arith.constant 0 : i32
    %dma_wait3A_138 = tpu.memref_slice %arg7[%dma_wait3A_136, %dma_wait3A_137] : memref<125x80xi32, #tpu.memory_space<vmem>> -> memref<1x80xi32, #tpu.memory_space<vmem>>
    %dma_wait3A_139 = tpu.memref_squeeze %dma_wait3A_138 : memref<1x80xi32, #tpu.memory_space<vmem>> -> memref<80xi32, #tpu.memory_space<vmem>>
    %dma_wait3A_140 = arith.constant 0 : i32
    %dma_wait3A_141 = arith.constant 0 : i32
    %dma_wait3A_142 = tpu.memref_slice %arg20[%dma_wait3A_140, %dma_wait3A_141] : memref<10240x64xf32, #tpu.memory_space<vmem_shared>> -> memref<10240x64xf32, #tpu.memory_space<vmem_shared>>
    tpu.wait_indirect_dma semaphore(%arg17 : memref<!tpu.dma_semaphore, #tpu.memory_space<semaphore_mem>>) src(%arg9 : memref<80x64xf32, #tpu.memory_space<vmem>>) dst(%dma_wait3A_142 : memref<10240x64xf32, #tpu.memory_space<vmem_shared>>)
    %dma_wait3A_143 = arith.constant 123 : i32
    %dma_wait3A_144 = arith.constant 0 : i32
    %dma_wait3A_145 = tpu.memref_slice %arg6[%dma_wait3A_143, %dma_wait3A_144] : memref<125x80xi32, #tpu.memory_space<vmem>> -> memref<1x80xi32, #tpu.memory_space<vmem>>
    %dma_wait3A_146 = tpu.memref_squeeze %dma_wait3A_145 : memref<1x80xi32, #tpu.memory_space<vmem>> -> memref<80xi32, #tpu.memory_space<vmem>>
    %dma_wait3A_147 = arith.constant 0 : i32
    %dma_wait3A_148 = arith.constant 0 : i32
    %dma_wait3A_149 = tpu.memref_slice %arg2[%dma_wait3A_147, %dma_wait3A_148] : memref<10000x64xf32, #tpu.memory_space<hbm>> -> memref<10000x64xf32, #tpu.memory_space<hbm>>
    tpu.wait_indirect_dma semaphore(%arg15 : memref<!tpu.dma_semaphore, #tpu.memory_space<semaphore_mem>>) src(%dma_wait3A_149 : memref<10000x64xf32, #tpu.memory_space<hbm>>) dst(%arg11 : memref<80x64xf32, #tpu.memory_space<vmem>>)
    %dma_start3A_150 = arith.constant 123 : i32
    %dma_start3A_151 = arith.constant 0 : i32
    %dma_start3A_152 = tpu.memref_slice %arg7[%dma_start3A_150, %dma_start3A_151] : memref<125x80xi32, #tpu.memory_space<vmem>> -> memref<1x80xi32, #tpu.memory_space<vmem>>
    %dma_start3A_153 = tpu.memref_squeeze %dma_start3A_152 : memref<1x80xi32, #tpu.memory_space<vmem>> -> memref<80xi32, #tpu.memory_space<vmem>>
    %dma_start3A_154 = arith.constant 0 : i32
    %dma_start3A_155 = arith.constant 0 : i32
    %dma_start3A_156 = tpu.memref_slice %arg20[%dma_start3A_154, %dma_start3A_155] : memref<10240x64xf32, #tpu.memory_space<vmem_shared>> -> memref<10240x64xf32, #tpu.memory_space<vmem_shared>>
    tpu.enqueue_indirect_dma source(%arg11 : memref<80x64xf32, #tpu.memory_space<vmem>>) target(%dma_start3A_156 : memref<10240x64xf32, #tpu.memory_space<vmem_shared>>) offsets(%dma_start3A_153 : memref<80xi32, #tpu.memory_space<vmem>>) semaphore(%arg19 : memref<!tpu.dma_semaphore, #tpu.memory_space<semaphore_mem>>) {add = true}
    %dma_wait3A_157 = arith.constant 0 : i32
    %dma_wait3A_158 = arith.constant 0 : i32
    %dma_wait3A_159 = tpu.memref_slice %arg7[%dma_wait3A_157, %dma_wait3A_158] : memref<125x80xi32, #tpu.memory_space<vmem>> -> memref<1x80xi32, #tpu.memory_space<vmem>>
    %dma_wait3A_160 = tpu.memref_squeeze %dma_wait3A_159 : memref<1x80xi32, #tpu.memory_space<vmem>> -> memref<80xi32, #tpu.memory_space<vmem>>
    %dma_wait3A_161 = arith.constant 0 : i32
    %dma_wait3A_162 = arith.constant 0 : i32
    %dma_wait3A_163 = tpu.memref_slice %arg20[%dma_wait3A_161, %dma_wait3A_162] : memref<10240x64xf32, #tpu.memory_space<vmem_shared>> -> memref<10240x64xf32, #tpu.memory_space<vmem_shared>>
    tpu.wait_indirect_dma semaphore(%arg18 : memref<!tpu.dma_semaphore, #tpu.memory_space<semaphore_mem>>) src(%arg10 : memref<80x64xf32, #tpu.memory_space<vmem>>) dst(%dma_wait3A_163 : memref<10240x64xf32, #tpu.memory_space<vmem_shared>>)
    %dma_wait3A_164 = arith.constant 124 : i32
    %dma_wait3A_165 = arith.constant 0 : i32
    %dma_wait3A_166 = tpu.memref_slice %arg6[%dma_wait3A_164, %dma_wait3A_165] : memref<125x80xi32, #tpu.memory_space<vmem>> -> memref<1x80xi32, #tpu.memory_space<vmem>>
    %dma_wait3A_167 = tpu.memref_squeeze %dma_wait3A_166 : memref<1x80xi32, #tpu.memory_space<vmem>> -> memref<80xi32, #tpu.memory_space<vmem>>
    %dma_wait3A_168 = arith.constant 0 : i32
    %dma_wait3A_169 = arith.constant 0 : i32
    %dma_wait3A_170 = tpu.memref_slice %arg2[%dma_wait3A_168, %dma_wait3A_169] : memref<10000x64xf32, #tpu.memory_space<hbm>> -> memref<10000x64xf32, #tpu.memory_space<hbm>>
    tpu.wait_indirect_dma semaphore(%arg12 : memref<!tpu.dma_semaphore, #tpu.memory_space<semaphore_mem>>) src(%dma_wait3A_170 : memref<10000x64xf32, #tpu.memory_space<hbm>>) dst(%arg8 : memref<80x64xf32, #tpu.memory_space<vmem>>)
    %dma_start3A_171 = arith.constant 124 : i32
    %dma_start3A_172 = arith.constant 0 : i32
    %dma_start3A_173 = tpu.memref_slice %arg7[%dma_start3A_171, %dma_start3A_172] : memref<125x80xi32, #tpu.memory_space<vmem>> -> memref<1x80xi32, #tpu.memory_space<vmem>>
    %dma_start3A_174 = tpu.memref_squeeze %dma_start3A_173 : memref<1x80xi32, #tpu.memory_space<vmem>> -> memref<80xi32, #tpu.memory_space<vmem>>
    %dma_start3A_175 = arith.constant 0 : i32
    %dma_start3A_176 = arith.constant 0 : i32
    %dma_start3A_177 = tpu.memref_slice %arg20[%dma_start3A_175, %dma_start3A_176] : memref<10240x64xf32, #tpu.memory_space<vmem_shared>> -> memref<10240x64xf32, #tpu.memory_space<vmem_shared>>
    tpu.enqueue_indirect_dma source(%arg8 : memref<80x64xf32, #tpu.memory_space<vmem>>) target(%dma_start3A_177 : memref<10240x64xf32, #tpu.memory_space<vmem_shared>>) offsets(%dma_start3A_174 : memref<80xi32, #tpu.memory_space<vmem>>) semaphore(%arg16 : memref<!tpu.dma_semaphore, #tpu.memory_space<semaphore_mem>>) {add = true}
    %dma_wait3A_178 = arith.constant 0 : i32
    %dma_wait3A_179 = arith.constant 0 : i32
    %dma_wait3A_180 = tpu.memref_slice %arg7[%dma_wait3A_178, %dma_wait3A_179] : memref<125x80xi32, #tpu.memory_space<vmem>> -> memref<1x80xi32, #tpu.memory_space<vmem>>
    %dma_wait3A_181 = tpu.memref_squeeze %dma_wait3A_180 : memref<1x80xi32, #tpu.memory_space<vmem>> -> memref<80xi32, #tpu.memory_space<vmem>>
    %dma_wait3A_182 = arith.constant 0 : i32
    %dma_wait3A_183 = arith.constant 0 : i32
    %dma_wait3A_184 = tpu.memref_slice %arg20[%dma_wait3A_182, %dma_wait3A_183] : memref<10240x64xf32, #tpu.memory_space<vmem_shared>> -> memref<10240x64xf32, #tpu.memory_space<vmem_shared>>
    tpu.wait_indirect_dma semaphore(%arg19 : memref<!tpu.dma_semaphore, #tpu.memory_space<semaphore_mem>>) src(%arg11 : memref<80x64xf32, #tpu.memory_space<vmem>>) dst(%dma_wait3A_184 : memref<10240x64xf32, #tpu.memory_space<vmem_shared>>)
    %dma_wait3A_185 = arith.constant 0 : i32
    %dma_wait3A_186 = arith.constant 0 : i32
    %dma_wait3A_187 = tpu.memref_slice %arg7[%dma_wait3A_185, %dma_wait3A_186] : memref<125x80xi32, #tpu.memory_space<vmem>> -> memref<1x80xi32, #tpu.memory_space<vmem>>
    %dma_wait3A_188 = tpu.memref_squeeze %dma_wait3A_187 : memref<1x80xi32, #tpu.memory_space<vmem>> -> memref<80xi32, #tpu.memory_space<vmem>>
    %dma_wait3A_189 = arith.constant 0 : i32
    %dma_wait3A_190 = arith.constant 0 : i32
    %dma_wait3A_191 = tpu.memref_slice %arg20[%dma_wait3A_189, %dma_wait3A_190] : memref<10240x64xf32, #tpu.memory_space<vmem_shared>> -> memref<10240x64xf32, #tpu.memory_space<vmem_shared>>
    tpu.wait_indirect_dma semaphore(%arg16 : memref<!tpu.dma_semaphore, #tpu.memory_space<semaphore_mem>>) src(%arg8 : memref<80x64xf32, #tpu.memory_space<vmem>>) dst(%dma_wait3A_191 : memref<10240x64xf32, #tpu.memory_space<vmem_shared>>)
    %barrier3A_192 = arith.constant 0 : index
    tpu.barrier barrier_id(%barrier3A_192)
    %mul3A_193 = arith.constant 640 : i32
    %mul3A_194 = arith.muli %arg1, %mul3A_193 : i32
    %mul3A_195 = arith.constant 640 : i32
    %mul3A_196 = arith.muli %arg1, %mul3A_195 : i32
    "tpu.region"() ({
      %run_scoped3A = tpu.sem_alloc : memref<!tpu.dma_semaphore, #tpu.memory_space<semaphore_mem>>
      %dma_start3A_197 = arith.constant 0 : i32
      %dma_start3A_198 = tpu.memref_slice %arg5[%arg0, %mul3A_196, %dma_start3A_197] : memref<2x10240x64xf32, #tpu.memory_space<hbm>> -> memref<1x640x64xf32, #tpu.memory_space<hbm>>
      %dma_start3A_199 = tpu.memref_squeeze %dma_start3A_198 : memref<1x640x64xf32, #tpu.memory_space<hbm>> -> memref<640x64xf32, #tpu.memory_space<hbm>>
      %dma_start3A_200 = arith.constant 0 : i32
      %dma_start3A_201 = tpu.memref_slice %arg20[%mul3A_194, %dma_start3A_200] : memref<10240x64xf32, #tpu.memory_space<vmem_shared>> -> memref<640x64xf32, #tpu.memory_space<vmem_shared>>
      tpu.enqueue_dma source(%dma_start3A_201 : memref<640x64xf32, #tpu.memory_space<vmem_shared>>) target(%dma_start3A_199 : memref<640x64xf32, #tpu.memory_space<hbm>>) target_semaphore(%run_scoped3A : memref<!tpu.dma_semaphore, #tpu.memory_space<semaphore_mem>>)
      %dma_wait3A_202 = arith.constant 0 : i32
      %dma_wait3A_203 = tpu.memref_slice %arg5[%arg0, %mul3A_196, %dma_wait3A_202] : memref<2x10240x64xf32, #tpu.memory_space<hbm>> -> memref<1x640x64xf32, #tpu.memory_space<hbm>>
      %dma_wait3A_204 = tpu.memref_squeeze %dma_wait3A_203 : memref<1x640x64xf32, #tpu.memory_space<hbm>> -> memref<640x64xf32, #tpu.memory_space<hbm>>
      %dma_wait3A_205 = arith.constant 0 : i32
      %dma_wait3A_206 = tpu.memref_slice %arg20[%mul3A_194, %dma_wait3A_205] : memref<10240x64xf32, #tpu.memory_space<vmem_shared>> -> memref<640x64xf32, #tpu.memory_space<vmem_shared>>
      tpu.wait_dma2 semaphore(%run_scoped3A : memref<!tpu.dma_semaphore, #tpu.memory_space<semaphore_mem>>) src(%dma_wait3A_206 : memref<640x64xf32, #tpu.memory_space<vmem_shared>>) dst(%dma_wait3A_204 : memref<640x64xf32, #tpu.memory_space<hbm>>)
      tpu.yield
    }) : () -> ()
    return
  }
}

module attributes {stable_mosaic.version = 14 : i64} {
  func.func @_tc1a_body(%arg0: memref<10000x128xf32, #tpu.memory_space<vmem>>, %arg1: memref<128x64xf32, #tpu.memory_space<vmem>>, %arg2: memref<10000x64xf32, #tpu.memory_space<vmem>>) attributes {dimension_semantics = [], scalar_prefetch = 0 : i64, scratch_operands = 0 : i64, tpu.core_type = #tpu.core_type<tc>} {
    %get3A = arith.constant 0 : index
    %get3A_0 = arith.constant 0 : index
    %get3A_1 = vector.load %arg0[%get3A, %get3A_0] : memref<10000x128xf32, #tpu.memory_space<vmem>>, vector<10000x128xf32>
    %get3A_2 = arith.constant 0 : index
    %get3A_3 = arith.constant 0 : index
    %get3A_4 = vector.load %arg1[%get3A_2, %get3A_3] : memref<128x64xf32, #tpu.memory_space<vmem>>, vector<128x64xf32>
    %dot_general3A = arith.constant dense<0.000000e+00> : vector<10000x64xf32>
    %dot_general3A_5 = tpu.matmul %get3A_1, %get3A_4, %dot_general3A {dimension_numbers = #tpu.dot_dimension_numbers<[1], [0], [0], [1], [0, 0, 1, 1], [], []>, transpose_lhs_hint = false} : vector<10000x128xf32>, vector<128x64xf32>, vector<10000x64xf32> -> vector<10000x64xf32>
    %swap3A = arith.constant 0 : index
    %swap3A_6 = arith.constant 0 : index
    %swap3A_7 = vector.load %arg2[%swap3A, %swap3A_6] : memref<10000x64xf32, #tpu.memory_space<vmem>>, vector<10000x64xf32>
    tpu.vector_store %arg2[%swap3A, %swap3A_6], %dot_general3A_5 {strides = array<i32>} : memref<10000x64xf32, #tpu.memory_space<vmem>>, vector<10000x64xf32>,
    return
  }
}

module attributes {stable_mosaic.version = 14 : i64} {
  func.func @_tc1b_body(%arg0: memref<2x10240xf32, #tpu.memory_space<vmem>>, %arg1: memref<10000x64xf32, #tpu.memory_space<vmem>>, %arg2: memref<10000x64xf32, #tpu.memory_space<vmem>>, %arg3: memref<1x10000xf32, #tpu.memory_space<vmem>>) attributes {dimension_semantics = [], scalar_prefetch = 0 : i64, scratch_operands = 0 : i64, tpu.core_type = #tpu.core_type<tc>} {
    %get3A = arith.constant 0 : index
    %get3A_0 = arith.constant 0 : index
    %get3A_1 = vector.load %arg0[%get3A, %get3A_0] : memref<2x10240xf32, #tpu.memory_space<vmem>>, vector<1x10240xf32>
    %get3A_2 = arith.constant 1 : index
    %get3A_3 = arith.constant 0 : index
    %get3A_4 = vector.load %arg0[%get3A_2, %get3A_3] : memref<2x10240xf32, #tpu.memory_space<vmem>>, vector<1x10240xf32>
    %add3A = arith.addf %get3A_1, %get3A_4 : vector<1x10240xf32>
    %add3A_5 = arith.constant 1.000000e+00 : f32
    %add3A_6 = vector.broadcast %add3A_5 : f32 to vector<1x10240xf32>
    %add3A_7 = arith.addf %add3A, %add3A_6 : vector<1x10240xf32>
    %rsqrt3A = math.rsqrt %add3A_7 : vector<1x10240xf32>
    %reshape3A = vector.shape_cast %rsqrt3A : vector<1x10240xf32> to vector<10240x1xf32>
    %slice3A = vector.extract_strided_slice %reshape3A {offsets = [0, 0], sizes = [10000, 1], strides = [1, 1]} : vector<10240x1xf32> to vector<10000x1xf32>
    %get3A_8 = arith.constant 0 : index
    %get3A_9 = arith.constant 0 : index
    %get3A_10 = vector.load %arg1[%get3A_8, %get3A_9] : memref<10000x64xf32, #tpu.memory_space<vmem>>, vector<10000x64xf32>
    %mul3A = vector.broadcast %slice3A : vector<10000x1xf32> to vector<10000x64xf32>
    %mul3A_11 = arith.mulf %get3A_10, %mul3A : vector<10000x64xf32>
    %swap3A = arith.constant 0 : index
    %swap3A_12 = arith.constant 0 : index
    %swap3A_13 = vector.load %arg2[%swap3A, %swap3A_12] : memref<10000x64xf32, #tpu.memory_space<vmem>>, vector<10000x64xf32>
    tpu.vector_store %arg2[%swap3A, %swap3A_12], %mul3A_11 {strides = array<i32>} : memref<10000x64xf32, #tpu.memory_space<vmem>>, vector<10000x64xf32>,
    %slice3A_14 = vector.extract_strided_slice %rsqrt3A {offsets = [0, 0], sizes = [1, 10000], strides = [1, 1]} : vector<1x10240xf32> to vector<1x10000xf32>
    %swap3A_15 = arith.constant 0 : index
    %swap3A_16 = arith.constant 0 : index
    %swap3A_17 = vector.load %arg3[%swap3A_15, %swap3A_16] : memref<1x10000xf32, #tpu.memory_space<vmem>>, vector<1x10000xf32>
    tpu.vector_store %arg3[%swap3A_15, %swap3A_16], %slice3A_14 {strides = array<i32>} : memref<1x10000xf32, #tpu.memory_space<vmem>>, vector<1x10000xf32>,
    return
  }
}

module attributes {stable_mosaic.version = 14 : i64} {
  func.func @_tc2_body(%arg0: memref<2x10240x64xf32, #tpu.memory_space<vmem>>, %arg1: memref<10000x64xf32, #tpu.memory_space<vmem>>, %arg2: memref<1x10000xf32, #tpu.memory_space<vmem>>, %arg3: memref<1x64xf32, #tpu.memory_space<vmem>>, %arg4: memref<64x1xf32, #tpu.memory_space<vmem>>, %arg5: memref<1x10000xf32, #tpu.memory_space<vmem>>) attributes {dimension_semantics = [], scalar_prefetch = 0 : i64, scratch_operands = 0 : i64, tpu.core_type = #tpu.core_type<tc>} {
    %get3A = arith.constant 0 : index
    %get3A_0 = arith.constant 0 : index
    %get3A_1 = vector.load %arg2[%get3A, %get3A_0] : memref<1x10000xf32, #tpu.memory_space<vmem>>, vector<1x10000xf32>
    %reshape3A = vector.shape_cast %get3A_1 : vector<1x10000xf32> to vector<10000x1xf32>
    %get3A_2 = arith.constant 0 : index
    %get3A_3 = arith.constant 0 : index
    %get3A_4 = arith.constant 0 : index
    %get3A_5 = vector.load %arg0[%get3A_2, %get3A_3, %get3A_4] : memref<2x10240x64xf32, #tpu.memory_space<vmem>>, vector<1x10000x64xf32>
    %get3A_6 = vector.shape_cast %get3A_5 : vector<1x10000x64xf32> to vector<10000x64xf32>
    %get3A_7 = arith.constant 1 : index
    %get3A_8 = arith.constant 0 : index
    %get3A_9 = arith.constant 0 : index
    %get3A_10 = vector.load %arg0[%get3A_7, %get3A_8, %get3A_9] : memref<2x10240x64xf32, #tpu.memory_space<vmem>>, vector<1x10000x64xf32>
    %get3A_11 = vector.shape_cast %get3A_10 : vector<1x10000x64xf32> to vector<10000x64xf32>
    %add3A = arith.addf %get3A_6, %get3A_11 : vector<10000x64xf32>
    %get3A_12 = arith.constant 0 : index
    %get3A_13 = arith.constant 0 : index
    %get3A_14 = vector.load %arg1[%get3A_12, %get3A_13] : memref<10000x64xf32, #tpu.memory_space<vmem>>, vector<10000x64xf32>
    %add3A_15 = arith.addf %add3A, %get3A_14 : vector<10000x64xf32>
    %mul3A = vector.broadcast %reshape3A : vector<10000x1xf32> to vector<10000x64xf32>
    %mul3A_16 = arith.mulf %mul3A, %add3A_15 : vector<10000x64xf32>
    %get3A_17 = arith.constant 0 : index
    %get3A_18 = arith.constant 0 : index
    %get3A_19 = vector.load %arg3[%get3A_17, %get3A_18] : memref<1x64xf32, #tpu.memory_space<vmem>>, vector<1x64xf32>
    %add3A_20 = vector.broadcast %get3A_19 : vector<1x64xf32> to vector<10000x64xf32>
    %add3A_21 = arith.addf %mul3A_16, %add3A_20 : vector<10000x64xf32>
    %max3A = arith.constant 0.000000e+00 : f32
    %max3A_22 = vector.broadcast %max3A : f32 to vector<10000x64xf32>
    %max3A_23 = arith.maximumf %add3A_21, %max3A_22 : vector<10000x64xf32>
    %get3A_24 = arith.constant 0 : index
    %get3A_25 = arith.constant 0 : index
    %get3A_26 = vector.load %arg4[%get3A_24, %get3A_25] : memref<64x1xf32, #tpu.memory_space<vmem>>, vector<64x1xf32>
    %dot_general3A = arith.constant dense<0.000000e+00> : vector<10000x1xf32>
    %dot_general3A_27 = tpu.matmul %max3A_23, %get3A_26, %dot_general3A {dimension_numbers = #tpu.dot_dimension_numbers<[1], [0], [0], [1], [0, 0, 1, 1], [], []>, transpose_lhs_hint = false} : vector<10000x64xf32>, vector<64x1xf32>, vector<10000x1xf32> -> vector<10000x1xf32>
    %mul3A_28 = arith.mulf %reshape3A, %dot_general3A_27 : vector<10000x1xf32>
    %reshape3A_29 = vector.shape_cast %mul3A_28 : vector<10000x1xf32> to vector<1x10000xf32>
    %swap3A = arith.constant 0 : index
    %swap3A_30 = arith.constant 0 : index
    %swap3A_31 = vector.load %arg5[%swap3A, %swap3A_30] : memref<1x10000xf32, #tpu.memory_space<vmem>>, vector<1x10000xf32>
    tpu.vector_store %arg5[%swap3A, %swap3A_30], %reshape3A_29 {strides = array<i32>} : memref<1x10000xf32, #tpu.memory_space<vmem>>, vector<1x10000xf32>,
    return
  }
}

module attributes {stable_mosaic.version = 14 : i64} {
  func.func @_tc3_body(%arg0: memref<2x10240xf32, #tpu.memory_space<vmem>>, %arg1: memref<1x10000xf32, #tpu.memory_space<vmem>>, %arg2: memref<1x10000xf32, #tpu.memory_space<vmem>>, %arg3: memref<1x1xf32, #tpu.memory_space<vmem>>, %arg4: memref<1x10000xf32, #tpu.memory_space<vmem>>) attributes {dimension_semantics = [], scalar_prefetch = 0 : i64, scratch_operands = 0 : i64, tpu.core_type = #tpu.core_type<tc>} {
    %get3A = arith.constant 0 : index
    %get3A_0 = arith.constant 0 : index
    %get3A_1 = vector.load %arg0[%get3A, %get3A_0] : memref<2x10240xf32, #tpu.memory_space<vmem>>, vector<1x10000xf32>
    %get3A_2 = arith.constant 1 : index
    %get3A_3 = arith.constant 0 : index
    %get3A_4 = vector.load %arg0[%get3A_2, %get3A_3] : memref<2x10240xf32, #tpu.memory_space<vmem>>, vector<1x10000xf32>
    %add3A = arith.addf %get3A_1, %get3A_4 : vector<1x10000xf32>
    %get3A_5 = arith.constant 0 : index
    %get3A_6 = arith.constant 0 : index
    %get3A_7 = vector.load %arg1[%get3A_5, %get3A_6] : memref<1x10000xf32, #tpu.memory_space<vmem>>, vector<1x10000xf32>
    %add3A_8 = arith.addf %add3A, %get3A_7 : vector<1x10000xf32>
    %get3A_9 = arith.constant 0 : index
    %get3A_10 = arith.constant 0 : index
    %get3A_11 = vector.load %arg2[%get3A_9, %get3A_10] : memref<1x10000xf32, #tpu.memory_space<vmem>>, vector<1x10000xf32>
    %mul3A = arith.mulf %get3A_11, %add3A_8 : vector<1x10000xf32>
    %get3A_12 = arith.constant 0 : index
    %get3A_13 = arith.constant 0 : index
    %get3A_14 = vector.load %arg3[%get3A_12, %get3A_13] : memref<1x1xf32, #tpu.memory_space<vmem>>, vector<1x1xf32>
    %add3A_15 = vector.broadcast %get3A_14 : vector<1x1xf32> to vector<1x10000xf32>
    %add3A_16 = arith.addf %mul3A, %add3A_15 : vector<1x10000xf32>
    %logistic3A = arith.negf %add3A_16 : vector<1x10000xf32>
    %logistic3A_17 = math.exp %logistic3A : vector<1x10000xf32>
    %logistic3A_18 = arith.constant 1.000000e+00 : f32
    %logistic3A_19 = vector.broadcast %logistic3A_18 : f32 to vector<1x10000xf32>
    %logistic3A_20 = arith.addf %logistic3A_19, %logistic3A_17 : vector<1x10000xf32>
    %logistic3A_21 = arith.divf %logistic3A_19, %logistic3A_20 : vector<1x10000xf32>
    %swap3A = arith.constant 0 : index
    %swap3A_22 = arith.constant 0 : index
    %swap3A_23 = vector.load %arg4[%swap3A, %swap3A_22] : memref<1x10000xf32, #tpu.memory_space<vmem>>, vector<1x10000xf32>
    tpu.vector_store %arg4[%swap3A, %swap3A_22], %logistic3A_21 {strides = array<i32>} : memref<1x10000xf32, #tpu.memory_space<vmem>>, vector<1x10000xf32>,
    return
  }
}

</mosaic_0001>

<sc_bundles>
// kernel: kernel.12.cloned.1.call-start
scs
__scs_entry_jumppad:
0x0: {  	(pc) =	sbr.rel $0x88, $3  }
0x1: {  	(tag) =	ssettag $0x0;
	lr =	simm.s32 $0x1  }
0x2: {  	[smem:$0x3F9B] =	sst lr;
	_ =	strace $0xD0000000  }
0x3: {  	_ = 	snop  }
0x4: {  	_ = 	snop  }
0x5: {  	_ = 	snop  }
0x6: {  	_ = 	snop  }
0x7: {  	_ = 	snop  }
__scs_overlays_trampoline_lowered:
0x8: {  	[smem:$0x3FAA] =	sst s0  }
0x9: {  	[smem:$0x3FAB] =	sst s1  }
0xa: {  	[smem:$0x3FAC] =	sst s2  }
0xb: {  	[smem:$0x3FAD] =	sst s3  }
0xc: {  	[smem:$0x3FAE] =	sst s4  }
0xd: {  	[smem:$0x3FAF] =	sst s5  }
0xe: {  	[smem:$0x3FB0] =	sst s6  }
0xf: {  	[smem:$0x3FB1] =	sst s7  }
0x10: {  	[smem:$0x3FB2] =	sst s8  }
0x11: {  	[smem:$0x3FB3] =	sst s9;
	s0 =	simm.s32 @!p0 $0x0  }
0x12: {  	s1 =	sld [smem:$0x3F99];
	s0 =	simm.s32 @p0 $0x1  }
0x13: {  	[smem:$0x3FB4] =	sst s0;
	s0 =	simm.s32 @!p1 $0x0  }
0x14: {  	s2 =	sld [smem:$0x3F98];
	s0 =	simm.s32 @p1 $0x1  }
0x15: {  	[smem:$0x3FB5] =	sst s0;
	s0 =	simm.s32 @!p2 $0x0  }
0x16: {  	s3 =	sld [smem:$0x3FDB];
	s0 =	simm.s32 @p2 $0x1  }
0x17: {  	s4 =	simm.s32 $0x1BF5;
	[smem:$0x3FB7] =	sst s0  }
0x18: {  	s0 =	sld [smem:$0x3F9A];
	_ =	swait.ge [sflag:s4], $0x0  }
0x19: {  	s7 =	sld [smem:$0x3F9B]  }
0x1a: {  	s8 =	sadd.s32 $0xFFFFE003, lr  }
0x1b: {  	s9 =	sadd.s32 $0xFFFFFEF7, lr;
	s5 =	simm.s32 $0xFFFFFFFF;
	p2 =	slt.u32 s8, $0xFFFFF086  }
0x1c: {  	p1 =	slt.u32 s9, $0xF7A;
	s5 =	simm.s32 @!p2 $0x0  }
0x1d: {  	s5 =	simm.s32 @p1 $0x1;
	p0 =	seq.s32 s7, s2  }
0x1e: {  	s7 =	smul.u32 @!p0 $0xF7A, s2;
	p2 =	seq.s32 @!p0 s5, $0x0  }
0x1f: {  	s9 =	smul.u32 $0xF7A, s1;
	s8 =	simm.s32 @!p0 $0x1BF5;
	p2 =	por !p2, p0  }
0x20: {  	[sflag:s8] =	ssyncset.s32 @!p0 $0xFFFFF086;
	s6 =	sadd.s32 @!p0 s3, s7;
	s7 =	simm.s32 @!p0 $0x108  }
0x21: {  	s3 =	sadd.s32 s3, s9;
	s6 =	sadd.s32 @!p0 $0x88, s6;
	s7 =	simm.s32 @p2 $0x1082  }
0x22: {  	[simem:s7], [sflag:s8] =	dma.local @!p0 [hbm:s6], $0xF7A  }
0x23: {  	s9 =	sor.u32 $0xD0000000, s2;
	s6 =	simm.s32 $0x108;
	_ =	swait.ge @!p0 [sflag:s8], $0x0  }
0x24: {  	s3 =	sadd.s32 $0x88, s3;
	s6 =	simm.s32 @!p1 $0x1082;
	[sflag:s4] =	ssyncset.s32 $0xFFFFF086  }
0x25: {  	[simem:s6], [sflag:s4] =	dma.local [hbm:s3], $0xF7A  }
0x26: {  	[smem:$0x3F9B] =	sst s1;
	(tag) =	ssettag s2;
	_ =	strace s9  }
0x27: {  	s1 =	sld [smem:$0x3FAB]  }
0x28: {  	s2 =	sld [smem:$0x3FAC]  }
0x29: {  	s4 =	sld [smem:$0x3FAE]  }
0x2a: {  	p0 =	seq.s32 s5, $0x0;
	s5 =	sld [smem:$0x3FAF]  }
0x2b: {  	s6 =	sld [smem:$0x3FB0]  }
0x2c: {  	s7 =	sld [smem:$0x3FB1]  }
0x2d: {  	s3 =	simm.s32 $0x108;
	s8 =	sld [smem:$0x3FB2]  }
0x2e: {  	s3 =	simm.s32 @!p0 $0x1082;
	s9 =	sld [smem:$0x3FB3]  }
0x2f: {  	lr =	sadd.s32 s0, s3;
	s0 =	sld [smem:$0x3FAA]  }
0x30: {  	s3 =	sld [smem:$0x3FAD]  }
0x31: {  	[smem:$0x3FB6] =	sst s10  }
0x32: {  	s10 =	sld [smem:$0x3FB4];
	_ =	sdelay $0x3  }
0x33: {  	p0 =	seq.s32 s10, $0x1;
	s10 =	sld [smem:$0x3FB6];
	_ =	sdelay $0x3  }
0x34: {  	[smem:$0x3FB6] =	sst s10  }
0x35: {  	s10 =	sld [smem:$0x3FB5];
	_ =	sdelay $0x3  }
0x36: {  	p1 =	seq.s32 s10, $0x1;
	s10 =	sld [smem:$0x3FB6];
	_ =	sdelay $0x3  }
0x37: {  	[smem:$0x3FB6] =	sst s10  }
0x38: {  	s10 =	sld [smem:$0x3FB7]  }
0x39: {  	_ = 	snop;
	(pc) =	sbr.ind lr, $3  }
0x3a: {  	_ = 	snop  }
0x3b: {  	_ = 	snop  }
0x3c: {  	p2 =	seq.s32 s10, $0x1;
	s10 =	sld [smem:$0x3FB6]  }
0x3d: {  	_ =	shalt  }
0x3e: {  	_ =	shalt  }
0x3f: {  	_ =	shalt  }
0x40: {  	_ =	shalt  }
0x41: {  	_ =	shalt  }
0x42: {  	_ =	shalt  }
0x43: {  	_ =	shalt  }
0x44: {  	_ =	shalt  }
0x45: {  	_ =	shalt  }
0x46: {  	_ =	shalt  }
0x47: {  	_ =	shalt  }
0x48: {  	_ =	shalt  }
0x49: {  	_ =	shalt  }
0x4a: {  	_ =	shalt  }
0x4b: {  	_ =	shalt  }
0x4c: {  	_ =	shalt  }
0x4d: {  	_ =	shalt  }
0x4e: {  	_ =	shalt  }
0x4f: {  	_ =	shalt  }
0x50: {  	_ =	shalt  }
0x51: {  	_ =	shalt  }
0x52: {  	_ =	shalt  }
0x53: {  	_ =	shalt  }
0x54: {  	_ =	shalt  }
0x55: {  	_ =	shalt  }
0x56: {  	_ =	shalt  }
0x57: {  	_ =	shalt  }
0x58: {  	_ =	shalt  }
0x59: {  	_ =	shalt  }
0x5a: {  	_ =	shalt  }
0x5b: {  	_ =	shalt  }
0x5c: {  	_ =	shalt  }
0x5d: {  	_ =	shalt  }
0x5e: {  	_ =	shalt  }
0x5f: {  	_ =	shalt  }
0x60: {  	_ =	shalt  }
0x61: {  	_ =	shalt  }
0x62: {  	_ =	shalt  }
0x63: {  	_ =	shalt  }
0x64: {  	_ =	shalt  }
0x65: {  	_ =	shalt  }
0x66: {  	_ =	shalt  }
0x67: {  	_ =	shalt  }
0x68: {  	_ =	shalt  }
0x69: {  	_ =	shalt  }
0x6a: {  	_ =	shalt  }
0x6b: {  	_ =	shalt  }
0x6c: {  	_ =	shalt  }
0x6d: {  	_ =	shalt  }
0x6e: {  	_ =	shalt  }
0x6f: {  	_ =	shalt  }
0x70: {  	_ =	shalt  }
0x71: {  	_ =	shalt  }
0x72: {  	_ =	shalt  }
0x73: {  	_ =	shalt  }
0x74: {  	_ =	shalt  }
0x75: {  	_ =	shalt  }
0x76: {  	_ =	shalt  }
0x77: {  	_ =	shalt  }
0x78: {  	_ =	shalt  }
0x79: {  	_ =	shalt  }
0x7a: {  	_ =	shalt  }
0x7b: {  	_ =	shalt  }
0x7c: {  	_ =	shalt  }
0x7d: {  	_ =	shalt  }
0x7e: {  	_ =	shalt  }
0x7f: {  	_ =	shalt  }
0x80: {  	_ =	shalt  }
0x81: {  	_ =	shalt  }
0x82: {  	_ =	shalt  }
0x83: {  	_ =	shalt  }
0x84: {  	_ =	shalt  }
0x85: {  	_ =	shalt  }
0x86: {  	_ =	shalt  }
0x87: {  	_ =	shalt  }
.Lfunc_end0:
.L_simem_size_0:
called_computation.1_lowered:
.L_overlay_start_0:
0x88: {  	s2 =	sld [smem:$0x3FD9]  }
0x89: {  	s3 =	sld [smem:$0x3FFE];
	_ =	sdelay $0x1  }
0x8a: {  	s1 =	srdreg.scid  }
0x8b: {  	s0 =	sand.u32 $0x1, s1  }
0x8c: {  	s16 =	sshll.u32 s0, $0xA;
	s2 =	sadd.s32 s3, s2  }
0x8d: {  	s2 =	sadd.s32 s2, s16  }
0x8e: {  	[smem:$0x3FC2] =	sst s2  }
0x8f: {  	_ = 	snop  }
0x90: {  	(tm) =	ssettm $0x1  }
0x91: {  	s17 =	sld [smem:$0x3FFB];
	_ =	sdelay $0x3  }
0x92: {  	_ =	strace s17  }
0x93: {  	s2 =	sld [smem:$0x3FFC];
	_ =	sdelay $0x3  }
0x94: {  	_ =	strace s2  }
0x95: {  	s2 =	sld [smem:$0x3FFD];
	_ =	sdelay $0x3  }
0x96: {  	_ =	strace s2  }
0x97: {  	_ =	strace $0x8FFFFFFF  }
0x98: {  	s18 =	sld [smem:$0x3FDB];
	_ =	sdelay $0x1  }
0x99: {  	s19 =	simm.s32 $_scs_section_size  }
0x9a: {  	s4 =	simm.s32 $_size__tile_overlayer_lowered;
	s5 =	simm.s32 $_tile_overlayer_lowered  }
0x9b: {  	s22 =	simm.s32 $0x1BFF;
	s21 =	sshll.u32 s5, $0x1;
	s2 =	sadd.s32 s19, s18  }
0x9c: {  	s6 =	simm.s32 $0x0;
	s20 =	sshll.u32 s4, $0x1;
	s4 =	sadd.s32 s21, s2  }
0x9d: {  	[timem:s6], [sflag:s22] =	dma.local [hbm:s4], s20  }
0x9e: {  	_ =	swait.ge [sflag:s22], s20  }
0x9f: {  	s3 =	ssub.s32 $0x0, s20;
	[sflag:s22] =	ssyncset.done $0x0  }
0xa0: {  	[sflag:s22] =	ssyncadd.s32 s3;
	_ =	sdelay $0x1  }
0xa1: {  	s23 =	simm.s32 $0x1B8B  }
0xa2: {  	_ =	swait.ge [sflag:s23], $0x1  }
0xa3: {  	[sflag:s23] =	ssyncset.done $0x0  }
0xa4: {  	s25 =	simm.s32 $0x1B8E;
	s24 =	sld [smem:$0x3FFE];
	[sflag:s23] =	ssyncadd.s32 $0xFFFFFFFF  }
0xa5: {  	s26 =	simm.s32 $execute0_lowered;
	[smem:$0x3FD2] =	sst s25  }
0xa6: {  	s4 =	sshll.u32 s26, $0x1;
	_ =	strace $0x80000049;
	[dreg:$0x1] =	wrdreg $0xFFFFFFFF  }
0xa7: {  	s28 =	simm.s32 $_size_execute0_lowered;
	s2 =	sadd.s32 s2, s4;
	[dreg:$0x0] =	wrdreg $0x0  }
0xa8: {  	s4 =	sshll.u32 s28, $0x1;
	[dreg:$0x2] =	wrdreg s2  }
0xa9: {  	[dreg:$0x3] =	wrdreg s4  }
0xaa: {  	[dreg:$0x4] =	wrdreg $0xC0  }
0xab: {  	_ =	task [dreg:s6], $0x5FFFF  }
0xac: {  	[dreg:$0x1] =	wrdreg $0xFFFFFFFF  }
0xad: {  	[dreg:$0x0] =	wrdreg $0x60  }
0xae: {  	[dreg:$0x2] =	wrdreg s24  }
0xaf: {  	[dreg:$0x3] =	wrdreg $0x9E200  }
0xb0: {  	[dreg:$0x4] =	wrdreg $0x9  }
0xb1: {  	_ =	task.clear_ibuf [dreg:s6], $0x5FFFF;
	_ =	strace $0x90000049  }
0xb2: {  	s29 =	simm.s32 $0x9;
	_ =	strace $0x8000004B  }
0xb3: {  	_ =	swait.ge [sflag:s29], $0x1  }
0xb4: {  	[sflag:s29] =	ssyncadd.s32 $0xFFFFFFFF  }
0xb5: {  	_ =	strace $0x9000004B  }
0xb6: {  	_ =	sfence  }
0xb7: {  	s30 =	sld [smem:$0x0];
	_ =	sdelay $0x2  }
0xb8: {  	s31 =	sshll.u32 s1, $0xD;
	s1 =	sshrl.u32 s1, $0x2  }
0xb9: {  	s3 =	sand.u32 $0x4000, s31;
	s1 =	sadd.s32 s1, s30  }
0xba: {  	s0 =	sor.u32 s3, s0;
	s1 =	sshll.u32 s1, $0x11  }
0xbb: {  	s0 =	sor.u32 s1, s0  }
0xbc: {  	s0 =	sadd.s32 $0x8F2B, s0  }
0xbd: {  	[sflag:s0] =	ssyncadd.remote.s32 $0x1  }
0xbe: {  	_ =	sfence.sel $0xFFFF  }
0xbf: {  	[dreg:$0x0] =	wrdreg $0xFFFFFFFF;
	(pc) =	sbr.abs _section_cstart, $3  }
0xc0: {  	[dreg:$0x1] =	wrdreg $0xFFFFFFFF  }
0xc1: {  	_ =	task.clear_ibuf [dreg:s6], $0x2FFFF;
	_ =	strace $0x9FFFFFFF  }
0xc2: {  	(tm) =	ssettm $0x7FFFFFFF  }
0xc3: {  	_ =	shalt  }
tec
execute0_lowered:
.L_overlay_start_1:
0x0: {  	(tag) =	ssettag $0x1  }
0x1: {  	s0 =	srdreg.scid;
	s5 =	rddreg [dreg:$0x0]  }
0x2: {  	s9 =	stileid.u32;
	s2 =	rddreg [dreg:$0x1];
	s3 =	simm.s32 $0x0  }
0x3: {  	s12 =	simm.s32 $0x2710;
	s14 =	simm.s32 $0x1;
	s15 =	simm.s32 $0x2  }
0x4: {  	s16 =	simm.s32 $0x3;
	s17 =	simm.s32 $0x50;
	s18 =	simm.s32 $0x4E20  }
0x5: {  	s19 =	simm.s32 $0x6220;
	s21 =	simm.s32 $0x7620;
	s23 =	simm.s32 $0x8A20  }
0x6: {  	s25 =	simm.s32 $0x5;
	s28 =	simm.s32 $0x4;
	s29 =	simm.s32 $0x7  }
0x7: {  	s30 =	simm.s32 $0x8;
	s20 =	simm.s32 $0x4DD0;
	s22 =	simm.s32 $0x9  }
0x8: {  	s24 =	simm.s32 $0x0;
	s0 =	sand.u32 $0x1, s0;
	s1 =	sshll.u32 s9, $0x1  }
0x9: {  	s7 =	smul.u32 $0xA000, s9;
	[smem:$0x7FF] =	sst s3;
	s4 =	sadd.s32 $0x15200, s5  }
0xa: {  	s1 =	sor.u32 s0, s1;
	s6 =	smul.u32 $0xA0000, s0;
	_ =	strace $0x8000004A  }
0xb: {  	s0 =	ssub.s32 $0x2, s0;
	s1 =	smul.u32 $0x2710, s1;
	s8 =	sshrl.u32 s7, $0x3  }
0xc: {  	s26 =	sshrl.u32 s0, $0x1;
	s31 =	sadd.s32 s7, s2;
	s6 =	sadd.s32 s7, s6  }
0xd: {  	s8 =	sadd.s32 s8, s5;
	s0 =	ssub.s32 s0, s26;
	s13 =	sshrl.u32 s31, $0x3  }
0xe: {  	s26 =	simm.s32 $0x6;
	s1 =	sshrl.u32 s1, $0x3;
	s6 =	sshrl.u32 s6, $0x3  }
0xf: {  	s7 =	sadd.s32 $0x28C00, s8;
	s8 =	sshll.u32 s9, $0x6;
	s11 =	smax.u32 s0, $0x1  }
0x10: {  	s1 =	sadd.s32 s1, s5;
	s10 =	sadd.s32 s6, s5;
	s9 =	sor.u32 $0x1C03, s8  }
0x11: {  	s5 =	sadd.s32 $0x1800, s1;
	s6 =	sadd.s32 $0xB440, s1;
	s10 =	sadd.s32 $0x3CC00, s10  }
.LBB2_1:
0x12: {  	[tilespmem:s3], [sflag:$0x1] =	stream.linear.gather [hbm4b:s5+s3], $0x2710, $0x38;
	[tilespmem:$0x13E20] =	vst v63  }
0x13: {  	_ = 	snop  }
0x14: {  	[tilespmem:s12], [sflag:$0x2] =	stream.linear.gather [hbm4b:s6+s3], $0x2710, $0x38;
	[tilespmem:$0x13E20] =	vst v63  }
0x15: {  	[spmem:s13], [sflag:s9] =	dma.local [hbm:s7], $0x1400  }
0x16: {  	_ =	swait.ge [sflag:s14], $0x2710  }
0x17: {  	[sflag:s14] =	ssyncset.done $0x0  }
0x18: {  	[sflag:s14] =	ssyncadd.s32 $0xFFFFD8F0  }
0x19: {  	_ =	swait.ge [sflag:s15], $0x2710  }
0x1a: {  	[sflag:s15] =	ssyncset.done $0x0  }
0x1b: {  	[sflag:s15] =	ssyncadd.s32 $0xFFFFD8F0  }
0x1c: {  	_ =	swait.ge [sflag:s16], $0x1400  }
0x1d: {  	[sflag:s16] =	ssyncset.done $0x0  }
0x1e: {  	[sflag:s16] =	ssyncadd.s32 $0xFFFFEC00  }
0x1f: {  	[bflag:$0x0] =	sbarrier.arrive $0xFFFF  }
0x20: {  	[tilespmem:s18], [sflag:$0x1] =	stream.indirect.gather [hbm4b:s4+s17], $0x40, s3, s17, $0xb8;
	[tilespmem:$0x13E20] =	vst v63  }
0x21: {  	_ = 	snop  }
0x22: {  	[tilespmem:s19], [sflag:$0x2] =	stream.indirect.gather [hbm4b:s4+s17], $0x40, s17, s17, $0xb8;
	[tilespmem:$0x13E20] =	vst v63  }
0x23: {  	s0 =	simm.s32 $0xA0  }
0x24: {  	[tilespmem:s21], [sflag:$0x3] =	stream.indirect.gather [hbm4b:s4+s17], $0x40, s0, s17, $0xb8;
	[tilespmem:$0x13E20] =	vst v63  }
0x25: {  	_ =	swait.ge [sflag:s14], $0x1400  }
0x26: {  	[sflag:s14] =	ssyncset.done $0x0  }
0x27: {  	[sflag:s14] =	ssyncadd.s32 $0xFFFFEC00  }
0x28: {  	[spmem:s2] =	stream.indirect.scatter.add.f32 [tilespmem:s18], [sflag:$0x5], $0x40, s12, s17, $0xb8;
	[tilespmem:$0x13E20] =	vst v63  }
0x29: {  	s1 =	simm.s32 $0xF0  }
0x2a: {  	[tilespmem:s23], [sflag:$0x4] =	stream.indirect.gather [hbm4b:s4+s17], $0x40, s1, s17, $0xb8;
	[tilespmem:$0x13E20] =	vst v63  }
0x2b: {  	_ =	swait.ge [sflag:s15], $0x1400  }
0x2c: {  	[sflag:s15] =	ssyncset.done $0x0  }
0x2d: {  	s1 =	simm.s32 $0x2760;
	[sflag:s15] =	ssyncadd.s32 $0xFFFFEC00  }
0x2e: {  	[spmem:s2] =	stream.indirect.scatter.add.f32 [tilespmem:s19], [sflag:$0x6], $0x40, s1, s17, $0xb8;
	[tilespmem:$0x13E20] =	vst v63  }
0x2f: {  	_ =	swait.ge [sflag:s25], $0x1400  }
0x30: {  	[sflag:s25] =	ssyncset.done $0x0  }
0x31: {  	s1 =	simm.s32 $0x140;
	[sflag:s25] =	ssyncadd.s32 $0xFFFFEC00  }
0x32: {  	[tilespmem:s18], [sflag:$0x1] =	stream.indirect.gather [hbm4b:s4+s17], $0x40, s1, s17, $0xb8;
	[tilespmem:$0x13E20] =	vst v63  }
0x33: {  	_ =	swait.ge [sflag:s16], $0x1400  }
0x34: {  	[sflag:s16] =	ssyncset.done $0x0  }
0x35: {  	s0 =	simm.s32 $0x27B0;
	[sflag:s16] =	ssyncadd.s32 $0xFFFFEC00  }
0x36: {  	[spmem:s2] =	stream.indirect.scatter.add.f32 [tilespmem:s21], [sflag:$0x7], $0x40, s0, s17, $0xb8;
	[tilespmem:$0x13E20] =	vst v63  }
0x37: {  	_ =	swait.ge [sflag:s26], $0x1400  }
0x38: {  	[sflag:s26] =	ssyncset.done $0x0  }
0x39: {  	s0 =	simm.s32 $0x190;
	[sflag:s26] =	ssyncadd.s32 $0xFFFFEC00  }
0x3a: {  	[tilespmem:s19], [sflag:$0x2] =	stream.indirect.gather [hbm4b:s4+s17], $0x40, s0, s17, $0xb8;
	[tilespmem:$0x13E20] =	vst v63  }
0x3b: {  	_ =	swait.ge [sflag:s28], $0x1400  }
0x3c: {  	[sflag:s28] =	ssyncset.done $0x0  }
0x3d: {  	s0 =	simm.s32 $0x2800;
	[sflag:s28] =	ssyncadd.s32 $0xFFFFEC00  }
0x3e: {  	[spmem:s2] =	stream.indirect.scatter.add.f32 [tilespmem:s23], [sflag:$0x8], $0x40, s0, s17, $0xb8;
	[tilespmem:$0x13E20] =	vst v63  }
0x3f: {  	_ =	swait.ge [sflag:s29], $0x1400  }
0x40: {  	[sflag:s29] =	ssyncset.done $0x0  }
0x41: {  	s0 =	simm.s32 $0x1E0;
	[sflag:s29] =	ssyncadd.s32 $0xFFFFEC00  }
0x42: {  	[tilespmem:s21], [sflag:$0x3] =	stream.indirect.gather [hbm4b:s4+s17], $0x40, s0, s17, $0xb8;
	[tilespmem:$0x13E20] =	vst v63  }
0x43: {  	_ =	swait.ge [sflag:s14], $0x1400  }
0x44: {  	[sflag:s14] =	ssyncset.done $0x0  }
0x45: {  	s0 =	simm.s32 $0x2850;
	[sflag:s14] =	ssyncadd.s32 $0xFFFFEC00  }
0x46: {  	[spmem:s2] =	stream.indirect.scatter.add.f32 [tilespmem:s18], [sflag:$0x5], $0x40, s0, s17, $0xb8;
	[tilespmem:$0x13E20] =	vst v63  }
0x47: {  	_ =	swait.ge [sflag:s30], $0x1400  }
0x48: {  	[sflag:s30] =	ssyncset.done $0x0  }
0x49: {  	s0 =	simm.s32 $0x230;
	[sflag:s30] =	ssyncadd.s32 $0xFFFFEC00  }
0x4a: {  	[tilespmem:s23], [sflag:$0x4] =	stream.indirect.gather [hbm4b:s4+s17], $0x40, s0, s17, $0xb8;
	[tilespmem:$0x13E20] =	vst v63  }
0x4b: {  	_ =	swait.ge [sflag:s15], $0x1400  }
0x4c: {  	[sflag:s15] =	ssyncset.done $0x0  }
0x4d: {  	s31 =	simm.s32 $0x500;
	s1 =	simm.s32 $0x28A0;
	[sflag:s15] =	ssyncadd.s32 $0xFFFFEC00  }
.LBB2_2:
0x4e: {  	[spmem:s2] =	stream.indirect.scatter.add.f32 [tilespmem:s19], [sflag:$0x6], $0x40, s1, s17, $0xb8;
	[tilespmem:$0x13E20] =	vst v63  }
0x4f: {  	s1 =	smov.u32 s31  }
0x50: {  	p0 =	sne.s32 s31, $0x9100;
	s31 =	sadd.s32 $0x500, s31;
	_ =	swait.ge [sflag:s25], $0x1400  }
0x51: {  	s1 =	sshra.s32 s1, $0x2;
	[sflag:s25] =	ssyncset.done $0x0  }
0x52: {  	s0 =	sadd.s32 $0x140, s1;
	[sflag:s25] =	ssyncadd.s32 $0xFFFFEC00  }
0x53: {  	[tilespmem:s18], [sflag:$0x1] =	stream.indirect.gather [hbm4b:s4+s17], $0x40, s0, s17, $0xb8;
	[tilespmem:$0x13E20] =	vst v63  }
0x54: {  	_ =	swait.ge [sflag:s16], $0x1400  }
0x55: {  	[sflag:s16] =	ssyncset.done $0x0  }
0x56: {  	s0 =	sadd.s32 $0x27B0, s1;
	[sflag:s16] =	ssyncadd.s32 $0xFFFFEC00  }
0x57: {  	[spmem:s2] =	stream.indirect.scatter.add.f32 [tilespmem:s21], [sflag:$0x7], $0x40, s0, s17, $0xb8;
	[tilespmem:$0x13E20] =	vst v63  }
0x58: {  	_ =	swait.ge [sflag:s26], $0x1400  }
0x59: {  	[sflag:s26] =	ssyncset.done $0x0  }
0x5a: {  	s0 =	sadd.s32 $0x190, s1;
	[sflag:s26] =	ssyncadd.s32 $0xFFFFEC00  }
0x5b: {  	[tilespmem:s19], [sflag:$0x2] =	stream.indirect.gather [hbm4b:s4+s17], $0x40, s0, s17, $0xb8;
	[tilespmem:$0x13E20] =	vst v63  }
0x5c: {  	_ =	swait.ge [sflag:s28], $0x1400  }
0x5d: {  	[sflag:s28] =	ssyncset.done $0x0  }
0x5e: {  	s0 =	sadd.s32 $0x2800, s1;
	[sflag:s28] =	ssyncadd.s32 $0xFFFFEC00  }
0x5f: {  	[spmem:s2] =	stream.indirect.scatter.add.f32 [tilespmem:s23], [sflag:$0x8], $0x40, s0, s17, $0xb8;
	[tilespmem:$0x13E20] =	vst v63  }
0x60: {  	_ =	swait.ge [sflag:s29], $0x1400  }
0x61: {  	[sflag:s29] =	ssyncset.done $0x0  }
0x62: {  	s0 =	sadd.s32 $0x1E0, s1;
	[sflag:s29] =	ssyncadd.s32 $0xFFFFEC00  }
0x63: {  	[tilespmem:s21], [sflag:$0x3] =	stream.indirect.gather [hbm4b:s4+s17], $0x40, s0, s17, $0xb8;
	[tilespmem:$0x13E20] =	vst v63  }
0x64: {  	_ =	swait.ge [sflag:s14], $0x1400  }
0x65: {  	[sflag:s14] =	ssyncset.done $0x0  }
0x66: {  	s0 =	sadd.s32 $0x2850, s1;
	[sflag:s14] =	ssyncadd.s32 $0xFFFFEC00  }
0x67: {  	[spmem:s2] =	stream.indirect.scatter.add.f32 [tilespmem:s18], [sflag:$0x5], $0x40, s0, s17, $0xb8;
	[tilespmem:$0x13E20] =	vst v63  }
0x68: {  	_ =	swait.ge [sflag:s30], $0x1400  }
0x69: {  	[sflag:s30] =	ssyncset.done $0x0  }
.Ltmp0:
0x6a: {  	s0 =	sadd.s32 $0x230, s1;
	[sflag:s30] =	ssyncadd.s32 $0xFFFFEC00;
	(pc) =	sbr.rel @p0 .LBB2_2-.Ltmp0, $4  }
0x6b: {  	[tilespmem:s23], [sflag:$0x4] =	stream.indirect.gather [hbm4b:s4+s17], $0x40, s0, s17, $0xb8;
	[tilespmem:$0x13E20] =	vst v63  }
0x6c: {  	_ =	swait.ge [sflag:s15], $0x1400  }
0x6d: {  	[sflag:s15] =	ssyncset.done $0x0  }
0x6e: {  	s1 =	sadd.s32 $0x28A0, s1;
	[sflag:s15] =	ssyncadd.s32 $0xFFFFEC00  }
0x6f: {  	[spmem:s2] =	stream.indirect.scatter.add.f32 [tilespmem:s19], [sflag:$0x6], $0x40, s1, s17, $0xb8;
	[tilespmem:$0x13E20] =	vst v63  }
0x70: {  	_ =	swait.ge [sflag:s25], $0x1400  }
0x71: {  	[sflag:s25] =	ssyncset.done $0x0  }
0x72: {  	s0 =	simm.s32 $0x26C0;
	[sflag:s25] =	ssyncadd.s32 $0xFFFFEC00  }
0x73: {  	[tilespmem:s18], [sflag:$0x1] =	stream.indirect.gather [hbm4b:s4+s17], $0x40, s0, s17, $0xb8;
	[tilespmem:$0x13E20] =	vst v63  }
0x74: {  	_ =	swait.ge [sflag:s16], $0x1400  }
0x75: {  	[sflag:s16] =	ssyncset.done $0x0  }
0x76: {  	s31 =	simm.s32 $0x4D30;
	[sflag:s16] =	ssyncadd.s32 $0xFFFFEC00  }
0x77: {  	[spmem:s2] =	stream.indirect.scatter.add.f32 [tilespmem:s21], [sflag:$0x7], $0x40, s31, s17, $0xb8;
	[tilespmem:$0x13E20] =	vst v63  }
0x78: {  	_ =	swait.ge [sflag:s26], $0x1400  }
0x79: {  	[sflag:s26] =	ssyncset.done $0x0  }
0x7a: {  	[sflag:s26] =	ssyncadd.s32 $0xFFFFEC00  }
0x7b: {  	_ =	swait.ge [sflag:s28], $0x1400  }
0x7c: {  	[sflag:s28] =	ssyncset.done $0x0  }
0x7d: {  	s1 =	simm.s32 $0x4D80;
	[sflag:s28] =	ssyncadd.s32 $0xFFFFEC00  }
0x7e: {  	[spmem:s2] =	stream.indirect.scatter.add.f32 [tilespmem:s23], [sflag:$0x8], $0x40, s1, s17, $0xb8;
	[tilespmem:$0x13E20] =	vst v63  }
0x7f: {  	_ =	swait.ge [sflag:s29], $0x1400  }
0x80: {  	[sflag:s29] =	ssyncset.done $0x0  }
0x81: {  	[sflag:s29] =	ssyncadd.s32 $0xFFFFEC00  }
0x82: {  	_ =	swait.ge [sflag:s14], $0x1400  }
0x83: {  	[sflag:s14] =	ssyncset.done $0x0  }
0x84: {  	[sflag:s14] =	ssyncadd.s32 $0xFFFFEC00  }
0x85: {  	[spmem:s2] =	stream.indirect.scatter.add.f32 [tilespmem:s18], [sflag:$0x5], $0x40, s20, s17, $0xb8;
	[tilespmem:$0x13E20] =	vst v63  }
0x86: {  	_ =	swait.ge [sflag:s30], $0x1400  }
0x87: {  	[sflag:s30] =	ssyncset.done $0x0  }
0x88: {  	[sflag:s30] =	ssyncadd.s32 $0xFFFFEC00  }
0x89: {  	_ =	swait.ge [sflag:s25], $0x1400  }
0x8a: {  	s24 =	sadd.s32 $0x1, s24;
	[sflag:s25] =	ssyncset.done $0x0  }
0x8b: {  	p0 =	sne.s32 s24, s11;
	[sflag:s25] =	ssyncadd.s32 $0xFFFFEC00  }
.Ltmp1:
0x8c: {  	s31 =	sor.u32 $0x1C09, s8;
	[bflag:$0x0] =	sbarrier.arrive $0xFFFF;
	(pc) =	sbr.rel @p0 .LBB2_1-.Ltmp1, $4  }
0x8d: {  	[hbm:s10], [sflag:s31] =	dma.local [spmem:s13], $0x1400  }
0x8e: {  	_ =	swait.ge [sflag:s22], $0x1400  }
0x8f: {  	[sflag:s22] =	ssyncset.done $0x0  }
0x90: {  	[sflag:s22] =	ssyncadd.s32 $0xFFFFEC00  }
0x91: {  	_ =	sfence.sel $0x180000  }
0x92: {  	[bflag:$0x0] =	sbarrier.arrive $0xFFFF  }
0x93: {  	_ =	strace $0x9000004A  }
0x94: {  	s0 =	stileid.u32;
	[bflag:$0x2] =	sbarrier.arrive $0xFFFF  }
0x95: {  	p0 =	sne.s32 s0, $0x0;
	s0 =	rddreg [dreg:$0x2]  }
0x96: {  	s0 =	sadd.s32 @!p0 $0x100000, s0  }
0x97: {  	[sflag:s0] =	ssyncadd.tile.s32 @!p0 $0x1;
	_ =	shalt  }
.Lfunc_end2:
_tile_overlayer_lowered:
.L_overlay_start_2:
0x98: {  	(tag) =	ssettag $0x2  }
0x99: {  	s0 =	rddreg [dreg:$0x0];
	s2 =	stileid.u32  }
0x9a: {  	s1 =	rddreg [dreg:$0x1];
	p0 =	sne.s32 s2, $0x0  }
0x9b: {  	s3 =	rddreg [dreg:$0x2];
	[bflag:$0x3] =	sbarrier.arrive $0xFFFF;
	s2 =	simm.s32 @!p0 $0x1C09  }
0x9c: {  	[timem:s3], [sflag:s2] =	dma.local @!p0 [hbm:s0], s1  }
0x9d: {  	s0 =	simm.s32 @!p0 $0x9  }
0x9e: {  	_ =	swait.ge @!p0 [sflag:s0], s1  }
0x9f: {  	s1 =	ssub.s32 @!p0 $0x0, s1;
	[sflag:s0] =	ssyncset.done @!p0 $0x0  }
0xa0: {  	[sflag:s0] =	ssyncadd.s32 @!p0 s1  }
0xa1: {  	[bflag:$0x3] =	sbarrier.arrive $0xFFFF  }
0xa2: {  	_ =	shalt  }

// kernel: kernel.15.cloned.1.call-start
scs
__scs_entry_jumppad:
0x0: {  	(pc) =	sbr.rel $0x88, $3  }
0x1: {  	(tag) =	ssettag $0x0;
	lr =	simm.s32 $0x1  }
0x2: {  	[smem:$0x3F9B] =	sst lr;
	_ =	strace $0xD0000000  }
0x3: {  	_ = 	snop  }
0x4: {  	_ = 	snop  }
0x5: {  	_ = 	snop  }
0x6: {  	_ = 	snop  }
0x7: {  	_ = 	snop  }
__scs_overlays_trampoline_lowered:
0x8: {  	[smem:$0x3FAA] =	sst s0  }
0x9: {  	[smem:$0x3FAB] =	sst s1  }
0xa: {  	[smem:$0x3FAC] =	sst s2  }
0xb: {  	[smem:$0x3FAD] =	sst s3  }
0xc: {  	[smem:$0x3FAE] =	sst s4  }
0xd: {  	[smem:$0x3FAF] =	sst s5  }
0xe: {  	[smem:$0x3FB0] =	sst s6  }
0xf: {  	[smem:$0x3FB1] =	sst s7  }
0x10: {  	[smem:$0x3FB2] =	sst s8  }
0x11: {  	[smem:$0x3FB3] =	sst s9;
	s0 =	simm.s32 @!p0 $0x0  }
0x12: {  	s1 =	sld [smem:$0x3F99];
	s0 =	simm.s32 @p0 $0x1  }
0x13: {  	[smem:$0x3FB4] =	sst s0;
	s0 =	simm.s32 @!p1 $0x0  }
0x14: {  	s2 =	sld [smem:$0x3F98];
	s0 =	simm.s32 @p1 $0x1  }
0x15: {  	[smem:$0x3FB5] =	sst s0;
	s0 =	simm.s32 @!p2 $0x0  }
0x16: {  	s3 =	sld [smem:$0x3FDB];
	s0 =	simm.s32 @p2 $0x1  }
0x17: {  	s4 =	simm.s32 $0x1BF5;
	[smem:$0x3FB7] =	sst s0  }
0x18: {  	s0 =	sld [smem:$0x3F9A];
	_ =	swait.ge [sflag:s4], $0x0  }
0x19: {  	s7 =	sld [smem:$0x3F9B]  }
0x1a: {  	s8 =	sadd.s32 $0xFFFFE003, lr  }
0x1b: {  	s9 =	sadd.s32 $0xFFFFFEF7, lr;
	s5 =	simm.s32 $0xFFFFFFFF;
	p2 =	slt.u32 s8, $0xFFFFF086  }
0x1c: {  	p1 =	slt.u32 s9, $0xF7A;
	s5 =	simm.s32 @!p2 $0x0  }
0x1d: {  	s5 =	simm.s32 @p1 $0x1;
	p0 =	seq.s32 s7, s2  }
0x1e: {  	s7 =	smul.u32 @!p0 $0xF7A, s2;
	p2 =	seq.s32 @!p0 s5, $0x0  }
0x1f: {  	s9 =	smul.u32 $0xF7A, s1;
	s8 =	simm.s32 @!p0 $0x1BF5;
	p2 =	por !p2, p0  }
0x20: {  	[sflag:s8] =	ssyncset.s32 @!p0 $0xFFFFF086;
	s6 =	sadd.s32 @!p0 s3, s7;
	s7 =	simm.s32 @!p0 $0x108  }
0x21: {  	s3 =	sadd.s32 s3, s9;
	s6 =	sadd.s32 @!p0 $0x88, s6;
	s7 =	simm.s32 @p2 $0x1082  }
0x22: {  	[simem:s7], [sflag:s8] =	dma.local @!p0 [hbm:s6], $0xF7A  }
0x23: {  	s9 =	sor.u32 $0xD0000000, s2;
	s6 =	simm.s32 $0x108;
	_ =	swait.ge @!p0 [sflag:s8], $0x0  }
0x24: {  	s3 =	sadd.s32 $0x88, s3;
	s6 =	simm.s32 @!p1 $0x1082;
	[sflag:s4] =	ssyncset.s32 $0xFFFFF086  }
0x25: {  	[simem:s6], [sflag:s4] =	dma.local [hbm:s3], $0xF7A  }
0x26: {  	[smem:$0x3F9B] =	sst s1;
	(tag) =	ssettag s2;
	_ =	strace s9  }
0x27: {  	s1 =	sld [smem:$0x3FAB]  }
0x28: {  	s2 =	sld [smem:$0x3FAC]  }
0x29: {  	s4 =	sld [smem:$0x3FAE]  }
0x2a: {  	p0 =	seq.s32 s5, $0x0;
	s5 =	sld [smem:$0x3FAF]  }
0x2b: {  	s6 =	sld [smem:$0x3FB0]  }
0x2c: {  	s7 =	sld [smem:$0x3FB1]  }
0x2d: {  	s3 =	simm.s32 $0x108;
	s8 =	sld [smem:$0x3FB2]  }
0x2e: {  	s3 =	simm.s32 @!p0 $0x1082;
	s9 =	sld [smem:$0x3FB3]  }
0x2f: {  	lr =	sadd.s32 s0, s3;
	s0 =	sld [smem:$0x3FAA]  }
0x30: {  	s3 =	sld [smem:$0x3FAD]  }
0x31: {  	[smem:$0x3FB6] =	sst s10  }
0x32: {  	s10 =	sld [smem:$0x3FB4];
	_ =	sdelay $0x3  }
0x33: {  	p0 =	seq.s32 s10, $0x1;
	s10 =	sld [smem:$0x3FB6];
	_ =	sdelay $0x3  }
0x34: {  	[smem:$0x3FB6] =	sst s10  }
0x35: {  	s10 =	sld [smem:$0x3FB5];
	_ =	sdelay $0x3  }
0x36: {  	p1 =	seq.s32 s10, $0x1;
	s10 =	sld [smem:$0x3FB6];
	_ =	sdelay $0x3  }
0x37: {  	[smem:$0x3FB6] =	sst s10  }
0x38: {  	s10 =	sld [smem:$0x3FB7]  }
0x39: {  	_ = 	snop;
	(pc) =	sbr.ind lr, $3  }
0x3a: {  	_ = 	snop  }
0x3b: {  	_ = 	snop  }
0x3c: {  	p2 =	seq.s32 s10, $0x1;
	s10 =	sld [smem:$0x3FB6]  }
0x3d: {  	_ =	shalt  }
0x3e: {  	_ =	shalt  }
0x3f: {  	_ =	shalt  }
0x40: {  	_ =	shalt  }
0x41: {  	_ =	shalt  }
0x42: {  	_ =	shalt  }
0x43: {  	_ =	shalt  }
0x44: {  	_ =	shalt  }
0x45: {  	_ =	shalt  }
0x46: {  	_ =	shalt  }
0x47: {  	_ =	shalt  }
0x48: {  	_ =	shalt  }
0x49: {  	_ =	shalt  }
0x4a: {  	_ =	shalt  }
0x4b: {  	_ =	shalt  }
0x4c: {  	_ =	shalt  }
0x4d: {  	_ =	shalt  }
0x4e: {  	_ =	shalt  }
0x4f: {  	_ =	shalt  }
0x50: {  	_ =	shalt  }
0x51: {  	_ =	shalt  }
0x52: {  	_ =	shalt  }
0x53: {  	_ =	shalt  }
0x54: {  	_ =	shalt  }
0x55: {  	_ =	shalt  }
0x56: {  	_ =	shalt  }
0x57: {  	_ =	shalt  }
0x58: {  	_ =	shalt  }
0x59: {  	_ =	shalt  }
0x5a: {  	_ =	shalt  }
0x5b: {  	_ =	shalt  }
0x5c: {  	_ =	shalt  }
0x5d: {  	_ =	shalt  }
0x5e: {  	_ =	shalt  }
0x5f: {  	_ =	shalt  }
0x60: {  	_ =	shalt  }
0x61: {  	_ =	shalt  }
0x62: {  	_ =	shalt  }
0x63: {  	_ =	shalt  }
0x64: {  	_ =	shalt  }
0x65: {  	_ =	shalt  }
0x66: {  	_ =	shalt  }
0x67: {  	_ =	shalt  }
0x68: {  	_ =	shalt  }
0x69: {  	_ =	shalt  }
0x6a: {  	_ =	shalt  }
0x6b: {  	_ =	shalt  }
0x6c: {  	_ =	shalt  }
0x6d: {  	_ =	shalt  }
0x6e: {  	_ =	shalt  }
0x6f: {  	_ =	shalt  }
0x70: {  	_ =	shalt  }
0x71: {  	_ =	shalt  }
0x72: {  	_ =	shalt  }
0x73: {  	_ =	shalt  }
0x74: {  	_ =	shalt  }
0x75: {  	_ =	shalt  }
0x76: {  	_ =	shalt  }
0x77: {  	_ =	shalt  }
0x78: {  	_ =	shalt  }
0x79: {  	_ =	shalt  }
0x7a: {  	_ =	shalt  }
0x7b: {  	_ =	shalt  }
0x7c: {  	_ =	shalt  }
0x7d: {  	_ =	shalt  }
0x7e: {  	_ =	shalt  }
0x7f: {  	_ =	shalt  }
0x80: {  	_ =	shalt  }
0x81: {  	_ =	shalt  }
0x82: {  	_ =	shalt  }
0x83: {  	_ =	shalt  }
0x84: {  	_ =	shalt  }
0x85: {  	_ =	shalt  }
0x86: {  	_ =	shalt  }
0x87: {  	_ =	shalt  }
.Lfunc_end0:
.L_simem_size_0:
called_computation.2_lowered:
.L_overlay_start_0:
0x88: {  	s2 =	sld [smem:$0x3FD9]  }
0x89: {  	s3 =	sld [smem:$0x3FFE];
	_ =	sdelay $0x1  }
0x8a: {  	s1 =	srdreg.scid  }
0x8b: {  	s0 =	sand.u32 $0x1, s1  }
0x8c: {  	s16 =	sshll.u32 s0, $0xA;
	s2 =	sadd.s32 s3, s2  }
0x8d: {  	s2 =	sadd.s32 s2, s16  }
0x8e: {  	[smem:$0x3FC2] =	sst s2  }
0x8f: {  	_ = 	snop  }
0x90: {  	(tm) =	ssettm $0x1  }
0x91: {  	s17 =	sld [smem:$0x3FFB];
	_ =	sdelay $0x3  }
0x92: {  	_ =	strace s17  }
0x93: {  	s2 =	sld [smem:$0x3FFC];
	_ =	sdelay $0x3  }
0x94: {  	_ =	strace s2  }
0x95: {  	s2 =	sld [smem:$0x3FFD];
	_ =	sdelay $0x3  }
0x96: {  	_ =	strace s2  }
0x97: {  	_ =	strace $0x8FFFFFFF  }
0x98: {  	s18 =	sld [smem:$0x3FDB];
	_ =	sdelay $0x1  }
0x99: {  	s19 =	simm.s32 $_scs_section_size  }
0x9a: {  	s4 =	simm.s32 $_size__tile_overlayer_lowered;
	s5 =	simm.s32 $_tile_overlayer_lowered  }
0x9b: {  	s22 =	simm.s32 $0x1BFF;
	s21 =	sshll.u32 s5, $0x1;
	s2 =	sadd.s32 s19, s18  }
0x9c: {  	s6 =	simm.s32 $0x0;
	s20 =	sshll.u32 s4, $0x1;
	s4 =	sadd.s32 s21, s2  }
0x9d: {  	[timem:s6], [sflag:s22] =	dma.local [hbm:s4], s20  }
0x9e: {  	_ =	swait.ge [sflag:s22], s20  }
0x9f: {  	s3 =	ssub.s32 $0x0, s20;
	[sflag:s22] =	ssyncset.done $0x0  }
0xa0: {  	[sflag:s22] =	ssyncadd.s32 s3;
	_ =	sdelay $0x1  }
0xa1: {  	s23 =	simm.s32 $0x1B8B  }
0xa2: {  	_ =	swait.ge [sflag:s23], $0x1  }
0xa3: {  	[sflag:s23] =	ssyncset.done $0x0  }
0xa4: {  	s25 =	simm.s32 $0x1B8E;
	s24 =	sld [smem:$0x3FFE];
	[sflag:s23] =	ssyncadd.s32 $0xFFFFFFFF  }
0xa5: {  	s26 =	simm.s32 $execute0_lowered;
	[smem:$0x3FD2] =	sst s25  }
0xa6: {  	s4 =	sshll.u32 s26, $0x1;
	_ =	strace $0x8000004C;
	[dreg:$0x1] =	wrdreg $0xFFFFFFFF  }
0xa7: {  	s28 =	simm.s32 $_size_execute0_lowered;
	s2 =	sadd.s32 s2, s4;
	[dreg:$0x0] =	wrdreg $0x0  }
0xa8: {  	s4 =	sshll.u32 s28, $0x1;
	[dreg:$0x2] =	wrdreg s2  }
0xa9: {  	[dreg:$0x3] =	wrdreg s4  }
0xaa: {  	[dreg:$0x4] =	wrdreg $0xC0  }
0xab: {  	_ =	task [dreg:s6], $0x5FFFF  }
0xac: {  	[dreg:$0x1] =	wrdreg $0xFFFFFFFF  }
0xad: {  	[dreg:$0x0] =	wrdreg $0x60  }
0xae: {  	[dreg:$0x2] =	wrdreg s24  }
0xaf: {  	[dreg:$0x3] =	wrdreg $0x75D00  }
0xb0: {  	[dreg:$0x4] =	wrdreg $0x9  }
0xb1: {  	_ =	task.clear_ibuf [dreg:s6], $0x5FFFF;
	_ =	strace $0x9000004C  }
0xb2: {  	s29 =	simm.s32 $0x9;
	_ =	strace $0x8000004E  }
0xb3: {  	_ =	swait.ge [sflag:s29], $0x1  }
0xb4: {  	[sflag:s29] =	ssyncadd.s32 $0xFFFFFFFF  }
0xb5: {  	_ =	strace $0x9000004E  }
0xb6: {  	_ =	sfence  }
0xb7: {  	s30 =	sld [smem:$0x0];
	_ =	sdelay $0x2  }
0xb8: {  	s31 =	sshll.u32 s1, $0xD;
	s1 =	sshrl.u32 s1, $0x2  }
0xb9: {  	s3 =	sand.u32 $0x4000, s31;
	s1 =	sadd.s32 s1, s30  }
0xba: {  	s0 =	sor.u32 s3, s0;
	s1 =	sshll.u32 s1, $0x11  }
0xbb: {  	s0 =	sor.u32 s1, s0  }
0xbc: {  	s0 =	sadd.s32 $0x8F2B, s0  }
0xbd: {  	[sflag:s0] =	ssyncadd.remote.s32 $0x1  }
0xbe: {  	_ =	sfence.sel $0xFFFF  }
0xbf: {  	[dreg:$0x0] =	wrdreg $0xFFFFFFFF;
	(pc) =	sbr.abs _section_cstart, $3  }
0xc0: {  	[dreg:$0x1] =	wrdreg $0xFFFFFFFF  }
0xc1: {  	_ =	task.clear_ibuf [dreg:s6], $0x2FFFF;
	_ =	strace $0x9FFFFFFF  }
0xc2: {  	(tm) =	ssettm $0x7FFFFFFF  }
0xc3: {  	_ =	shalt  }
tec
execute0_lowered:
.L_overlay_start_1:
0x0: {  	(tag) =	ssettag $0x1  }
0x1: {  	s5 =	rddreg [dreg:$0x0]  }
0x2: {  	s2 =	rddreg [dreg:$0x1]  }
0x3: {  	s0 =	rddreg [dreg:$0x2];
	s3 =	srdreg.scid  }
0x4: {  	s1 =	stileid.u32;
	s17 =	simm.s32 $0x2710;
	s18 =	simm.s32 $0x4E20  }
0x5: {  	s19 =	simm.s32 $0x3;
	s20 =	simm.s32 $0x1;
	s21 =	simm.s32 $0x2  }
0x6: {  	s22 =	simm.s32 $0x7530;
	s23 =	simm.s32 $0x50;
	s24 =	simm.s32 $0x2760  }
0x7: {  	s25 =	simm.s32 $0x7580;
	s26 =	simm.s32 $0x4DD0;
	s28 =	simm.s32 $0x0  }
0x8: {  	s6 =	sand.u32 $0x1, s3;
	s4 =	sshll.u32 s1, $0x1;
	s7 =	smul.u32 $0x280, s1  }
0x9: {  	s3 =	simm.s32 $0x0;
	s4 =	sor.u32 s6, s4;
	s8 =	smul.u32 $0x2800, s6  }
0xa: {  	[smem:$0x7FF] =	sst s3;
	s6 =	ssub.s32 $0x2, s6;
	s9 =	smul.u32 $0x2710, s4  }
0xb: {  	_ =	strace $0x8000004D;
	s4 =	sadd.s32 $0x15200, s5;
	s31 =	sshrl.u32 s6, $0x1  }
0xc: {  	s8 =	sadd.s32 s7, s8;
	s16 =	ssub.s32 s6, s31;
	s6 =	sadd.s32 s7, s2  }
0xd: {  	s9 =	sshrl.u32 s9, $0x3;
	s8 =	sshrl.u32 s8, $0x3;
	s10 =	sadd.s32 $0xF0, s6  }
0xe: {  	s11 =	sadd.s32 $0x140, s6;
	s12 =	sadd.s32 $0x190, s6;
	s13 =	sadd.s32 $0x1E0, s6  }
0xf: {  	s14 =	sadd.s32 $0x230, s6;
	s16 =	smax.u32 s16, $0x1;
	s9 =	sadd.s32 s9, s5  }
0x10: {  	s15 =	sadd.s32 s8, s5;
	s8 =	sadd.s32 $0x50, s6;
	s5 =	sadd.s32 $0x1800, s9  }
0x11: {  	v0 =	vimm.f32 $0.0e+00;
	s7 =	sadd.s32 $0xB440, s9;
	s9 =	sadd.s32 $0xA0, s6;
	s15 =	sadd.s32 $0x15800, s15  }
.LBB2_1:
0x12: {  	[tilespmem:s3], [sflag:$0x1] =	stream.linear.gather [hbm4b:s5+s3], $0x2710, $0x38;
	[tilespmem:$0x7850] =	vst v63  }
0x13: {  	_ = 	snop  }
0x14: {  	[tilespmem:s17], [sflag:$0x2] =	stream.linear.gather [hbm4b:s7+s3], $0x2710, $0x38;
	[tilespmem:$0x7850] =	vst v63  }
0x15: {  	_ = 	snop  }
0x16: {  	[tilespmem:s18], [sflag:$0x3] =	stream.linear.gather [hbm4b:s4+s3], $0x2710, $0x38;
	[tilespmem:$0x7850] =	vst v63  }
0x17: {  	_ =	swait.ge [sflag:s19], $0x2710  }
0x18: {  	[sflag:s19] =	ssyncset.done $0x0  }
0x19: {  	[sflag:s19] =	ssyncadd.s32 $0xFFFFD8F0  }
0x1a: {  	_ =	swait.ge [sflag:s20], $0x2710  }
0x1b: {  	[sflag:s20] =	ssyncset.done $0x0  }
0x1c: {  	[sflag:s20] =	ssyncadd.s32 $0xFFFFD8F0  }
0x1d: {  	_ =	swait.ge [sflag:s21], $0x2710  }
0x1e: {  	[sflag:s21] =	ssyncset.done $0x0  }
0x1f: {  	[sflag:s21] =	ssyncadd.s32 $0xFFFFD8F0  }
0x20: {  	[tilespmem:$0x7530] =	vst v0  }
0x21: {  	[tilespmem:$0x7540] =	vst v0  }
0x22: {  	[tilespmem:$0x7550] =	vst v0  }
0x23: {  	[tilespmem:$0x7560] =	vst v0  }
0x24: {  	[tilespmem:$0x7570] =	vst v0  }
0x25: {  	[spmem:s6] =	stream.linear.scatter [tilespmem:s22], [sflag:$0x3], $0x50, $0x38;
	[tilespmem:$0x7850] =	vst v63  }
0x26: {  	_ =	swait.ge [sflag:s19], $0x50  }
0x27: {  	[sflag:s19] =	ssyncset.done $0x0  }
0x28: {  	[sflag:s19] =	ssyncadd.s32 $0xFFFFFFB0  }
0x29: {  	[spmem:s8] =	stream.linear.scatter [tilespmem:s22], [sflag:$0x3], $0x50, $0x38;
	[tilespmem:$0x7850] =	vst v63  }
0x2a: {  	_ =	swait.ge [sflag:s19], $0x50  }
0x2b: {  	[sflag:s19] =	ssyncset.done $0x0  }
0x2c: {  	[sflag:s19] =	ssyncadd.s32 $0xFFFFFFB0  }
0x2d: {  	[spmem:s9] =	stream.linear.scatter [tilespmem:s22], [sflag:$0x3], $0x50, $0x38;
	[tilespmem:$0x7850] =	vst v63  }
0x2e: {  	_ =	swait.ge [sflag:s19], $0x50  }
0x2f: {  	[sflag:s19] =	ssyncset.done $0x0  }
0x30: {  	[sflag:s19] =	ssyncadd.s32 $0xFFFFFFB0  }
0x31: {  	[spmem:s10] =	stream.linear.scatter [tilespmem:s22], [sflag:$0x3], $0x50, $0x38;
	[tilespmem:$0x7850] =	vst v63  }
0x32: {  	_ =	swait.ge [sflag:s19], $0x50  }
0x33: {  	[sflag:s19] =	ssyncset.done $0x0  }
0x34: {  	[sflag:s19] =	ssyncadd.s32 $0xFFFFFFB0  }
0x35: {  	[spmem:s11] =	stream.linear.scatter [tilespmem:s22], [sflag:$0x3], $0x50, $0x38;
	[tilespmem:$0x7850] =	vst v63  }
0x36: {  	_ =	swait.ge [sflag:s19], $0x50  }
0x37: {  	[sflag:s19] =	ssyncset.done $0x0  }
0x38: {  	[sflag:s19] =	ssyncadd.s32 $0xFFFFFFB0  }
0x39: {  	[spmem:s12] =	stream.linear.scatter [tilespmem:s22], [sflag:$0x3], $0x50, $0x38;
	[tilespmem:$0x7850] =	vst v63  }
0x3a: {  	_ =	swait.ge [sflag:s19], $0x50  }
0x3b: {  	[sflag:s19] =	ssyncset.done $0x0  }
0x3c: {  	[sflag:s19] =	ssyncadd.s32 $0xFFFFFFB0  }
0x3d: {  	[spmem:s13] =	stream.linear.scatter [tilespmem:s22], [sflag:$0x3], $0x50, $0x38;
	[tilespmem:$0x7850] =	vst v63  }
0x3e: {  	_ =	swait.ge [sflag:s19], $0x50  }
0x3f: {  	[sflag:s19] =	ssyncset.done $0x0  }
0x40: {  	[sflag:s19] =	ssyncadd.s32 $0xFFFFFFB0  }
0x41: {  	[spmem:s14] =	stream.linear.scatter [tilespmem:s22], [sflag:$0x3], $0x50, $0x38;
	[tilespmem:$0x7850] =	vst v63  }
0x42: {  	_ =	swait.ge [sflag:s19], $0x50  }
0x43: {  	[sflag:s19] =	ssyncset.done $0x0  }
0x44: {  	[sflag:s19] =	ssyncadd.s32 $0xFFFFFFB0  }
0x45: {  	[bflag:$0x0] =	sbarrier.arrive $0xFFFF  }
0x46: {  	v1 =	vld [tilespmem:$0x0];
	_ =	sdelay $0x5  }
0x47: {  	v2 =	vld [tilespmem:$0x10];
	_ =	sdelay $0x1  }
0x48: {  	v1 =	vld.idx.msk [tilespmem:v1+s18+$0x0], $0xffff;
	_ =	sdelay $0x3  }
0x49: {  	v3 =	vld [tilespmem:$0x20]  }
0x4a: {  	[tilespmem:$0x7530] =	vst v1  }
0x4b: {  	v1 =	vld.idx.msk [tilespmem:v2+s18+$0x0], $0xffff;
	_ =	sdelay $0x3  }
0x4c: {  	v2 =	vld [tilespmem:$0x30]  }
0x4d: {  	[tilespmem:$0x7540] =	vst v1  }
0x4e: {  	v1 =	vld.idx.msk [tilespmem:v3+s18+$0x0], $0xffff;
	_ =	sdelay $0x3  }
0x4f: {  	v3 =	vld [tilespmem:$0x40]  }
0x50: {  	[tilespmem:$0x7550] =	vst v1  }
0x51: {  	v1 =	vld.idx.msk [tilespmem:v2+s18+$0x0], $0xffff;
	_ =	sdelay $0x4  }
0x52: {  	[tilespmem:$0x7560] =	vst v1  }
0x53: {  	v1 =	vld.idx.msk [tilespmem:v3+s18+$0x0], $0xffff;
	_ =	sdelay $0x4  }
0x54: {  	[tilespmem:$0x7570] =	vst v1  }
0x55: {  	[spmem:s2] =	stream.indirect.scatter.add.f32 [tilespmem:s22], [sflag:$0x1], $0x1, s17, s23, $0xb8;
	[tilespmem:$0x7850] =	vst v63  }
0x56: {  	v1 =	vld [tilespmem:$0x50];
	_ =	sdelay $0x5  }
0x57: {  	v2 =	vld [tilespmem:$0x60];
	_ =	sdelay $0x1  }
0x58: {  	v1 =	vld.idx.msk [tilespmem:v1+s18+$0x0], $0xffff;
	_ =	sdelay $0x3  }
0x59: {  	v3 =	vld [tilespmem:$0x70]  }
0x5a: {  	[tilespmem:$0x7580] =	vst v1  }
0x5b: {  	v1 =	vld.idx.msk [tilespmem:v2+s18+$0x0], $0xffff;
	_ =	sdelay $0x3  }
0x5c: {  	v2 =	vld [tilespmem:$0x80]  }
0x5d: {  	[tilespmem:$0x7590] =	vst v1  }
0x5e: {  	v1 =	vld.idx.msk [tilespmem:v3+s18+$0x0], $0xffff;
	_ =	sdelay $0x3  }
0x5f: {  	v3 =	vld [tilespmem:$0x90]  }
0x60: {  	[tilespmem:$0x75A0] =	vst v1  }
0x61: {  	v1 =	vld.idx.msk [tilespmem:v2+s18+$0x0], $0xffff;
	_ =	sdelay $0x4  }
0x62: {  	[tilespmem:$0x75B0] =	vst v1  }
0x63: {  	v1 =	vld.idx.msk [tilespmem:v3+s18+$0x0], $0xffff;
	_ =	sdelay $0x4  }
0x64: {  	s29 =	simm.s32 $0x0;
	[tilespmem:$0x75C0] =	vst v1  }
0x65: {  	[spmem:s2] =	stream.indirect.scatter.add.f32 [tilespmem:s25], [sflag:$0x2], $0x1, s24, s23, $0xb8;
	[tilespmem:$0x7850] =	vst v63  }
.LBB2_2:
0x66: {  	_ =	swait.ge [sflag:s20], $0x50  }
0x67: {  	[sflag:s20] =	ssyncset.done $0x0  }
0x68: {  	s30 =	sshra.s32 s29, $0x2;
	[sflag:s20] =	ssyncadd.s32 $0xFFFFFFB0  }
0x69: {  	v1 =	vld [tilespmem:s30+$0xA0];
	_ =	sdelay $0x7  }
0x6a: {  	v1 =	vld.idx.msk [tilespmem:v1+s18+$0x0], $0xffff;
	_ =	sdelay $0x4  }
0x6b: {  	[tilespmem:$0x7530] =	vst v1  }
0x6c: {  	v1 =	vld [tilespmem:s30+$0xB0];
	_ =	sdelay $0x7  }
0x6d: {  	v1 =	vld.idx.msk [tilespmem:v1+s18+$0x0], $0xffff;
	_ =	sdelay $0x4  }
0x6e: {  	[tilespmem:$0x7540] =	vst v1  }
0x6f: {  	v1 =	vld [tilespmem:s30+$0xC0];
	_ =	sdelay $0x7  }
0x70: {  	v1 =	vld.idx.msk [tilespmem:v1+s18+$0x0], $0xffff;
	_ =	sdelay $0x4  }
0x71: {  	[tilespmem:$0x7550] =	vst v1  }
0x72: {  	v1 =	vld [tilespmem:s30+$0xD0];
	_ =	sdelay $0x7  }
0x73: {  	v1 =	vld.idx.msk [tilespmem:v1+s18+$0x0], $0xffff;
	_ =	sdelay $0x4  }
0x74: {  	[tilespmem:$0x7560] =	vst v1  }
0x75: {  	v1 =	vld [tilespmem:s30+$0xE0];
	_ =	sdelay $0x7  }
0x76: {  	v1 =	vld.idx.msk [tilespmem:v1+s18+$0x0], $0xffff;
	_ =	sdelay $0x4  }
0x77: {  	s31 =	sadd.s32 $0x27B0, s30;
	[tilespmem:$0x7570] =	vst v1  }
0x78: {  	[spmem:s2] =	stream.indirect.scatter.add.f32 [tilespmem:s22], [sflag:$0x1], $0x1, s31, s23, $0xb8;
	[tilespmem:$0x7850] =	vst v63  }
0x79: {  	_ =	swait.ge [sflag:s21], $0x50  }
0x7a: {  	[sflag:s21] =	ssyncset.done $0x0  }
0x7b: {  	[sflag:s21] =	ssyncadd.s32 $0xFFFFFFB0  }
0x7c: {  	v1 =	vld [tilespmem:s30+$0xF0];
	_ =	sdelay $0x7  }
0x7d: {  	v1 =	vld.idx.msk [tilespmem:v1+s18+$0x0], $0xffff;
	_ =	sdelay $0x4  }
0x7e: {  	[tilespmem:$0x7580] =	vst v1  }
0x7f: {  	v1 =	vld [tilespmem:s30+$0x100];
	_ =	sdelay $0x7  }
0x80: {  	v1 =	vld.idx.msk [tilespmem:v1+s18+$0x0], $0xffff;
	_ =	sdelay $0x4  }
0x81: {  	[tilespmem:$0x7590] =	vst v1  }
0x82: {  	v1 =	vld [tilespmem:s30+$0x110];
	_ =	sdelay $0x7  }
0x83: {  	v1 =	vld.idx.msk [tilespmem:v1+s18+$0x0], $0xffff;
	_ =	sdelay $0x4  }
0x84: {  	[tilespmem:$0x75A0] =	vst v1  }
0x85: {  	v1 =	vld [tilespmem:s30+$0x120];
	_ =	sdelay $0x7  }
0x86: {  	v1 =	vld.idx.msk [tilespmem:v1+s18+$0x0], $0xffff;
	_ =	sdelay $0x4  }
0x87: {  	[tilespmem:$0x75B0] =	vst v1  }
0x88: {  	v1 =	vld [tilespmem:s30+$0x130];
	_ =	sdelay $0x7  }
0x89: {  	v1 =	vld.idx.msk [tilespmem:v1+s18+$0x0], $0xffff  }
0x8a: {  	p0 =	sne.s32 s29, $0x9600  }
.Ltmp0:
0x8b: {  	_ = 	snop;
	(pc) =	sbr.rel @p0 .LBB2_2-.Ltmp0, $3  }
0x8c: {  	_ =	sdelay $0x1  }
0x8d: {  	s29 =	sadd.s32 $0x280, s29;
	s30 =	sadd.s32 $0x2800, s30;
	[tilespmem:$0x75C0] =	vst v1  }
0x8e: {  	[spmem:s2] =	stream.indirect.scatter.add.f32 [tilespmem:s25], [sflag:$0x2], $0x1, s30, s23, $0xb8;
	[tilespmem:$0x7850] =	vst v63  }
0x8f: {  	_ =	swait.ge [sflag:s20], $0x50  }
0x90: {  	[sflag:s20] =	ssyncset.done $0x0  }
0x91: {  	[sflag:s20] =	ssyncadd.s32 $0xFFFFFFB0  }
0x92: {  	v1 =	vld [tilespmem:$0x26C0];
	_ =	sdelay $0x5  }
0x93: {  	v2 =	vld [tilespmem:$0x26D0];
	_ =	sdelay $0x1  }
0x94: {  	v1 =	vld.idx.msk [tilespmem:v1+s18+$0x0], $0xffff;
	_ =	sdelay $0x3  }
0x95: {  	v3 =	vld [tilespmem:$0x26E0]  }
0x96: {  	[tilespmem:$0x7530] =	vst v1  }
0x97: {  	v1 =	vld.idx.msk [tilespmem:v2+s18+$0x0], $0xffff;
	_ =	sdelay $0x3  }
0x98: {  	v2 =	vld [tilespmem:$0x26F0]  }
0x99: {  	[tilespmem:$0x7540] =	vst v1  }
0x9a: {  	v1 =	vld.idx.msk [tilespmem:v3+s18+$0x0], $0xffff;
	_ =	sdelay $0x3  }
0x9b: {  	v3 =	vld [tilespmem:$0x2700]  }
0x9c: {  	[tilespmem:$0x7550] =	vst v1  }
0x9d: {  	v1 =	vld.idx.msk [tilespmem:v2+s18+$0x0], $0xffff;
	_ =	sdelay $0x4  }
0x9e: {  	[tilespmem:$0x7560] =	vst v1  }
0x9f: {  	v1 =	vld.idx.msk [tilespmem:v3+s18+$0x0], $0xffff;
	_ =	sdelay $0x4  }
0xa0: {  	[tilespmem:$0x7570] =	vst v1  }
0xa1: {  	[spmem:s2] =	stream.indirect.scatter.add.f32 [tilespmem:s22], [sflag:$0x1], $0x1, s26, s23, $0xb8;
	[tilespmem:$0x7850] =	vst v63  }
0xa2: {  	_ =	swait.ge [sflag:s21], $0x50  }
0xa3: {  	[sflag:s21] =	ssyncset.done $0x0  }
0xa4: {  	[sflag:s21] =	ssyncadd.s32 $0xFFFFFFB0  }
0xa5: {  	_ =	swait.ge [sflag:s20], $0x50  }
0xa6: {  	s29 =	sshll.u32 s1, $0x6;
	s28 =	sadd.s32 $0x1, s28;
	[sflag:s20] =	ssyncset.done $0x0  }
0xa7: {  	s30 =	sshrl.u32 s6, $0x3;
	p0 =	sne.s32 s28, s16;
	[sflag:s20] =	ssyncadd.s32 $0xFFFFFFB0  }
.Ltmp1:
0xa8: {  	s29 =	sor.u32 $0x1C03, s29;
	[bflag:$0x0] =	sbarrier.arrive $0xFFFF;
	(pc) =	sbr.rel @p0 .LBB2_1-.Ltmp1, $4  }
0xa9: {  	[hbm:s15], [sflag:s29] =	dma.local [spmem:s30], $0x50  }
0xaa: {  	_ =	swait.ge [sflag:s19], $0x50  }
0xab: {  	[sflag:s19] =	ssyncset.done $0x0  }
0xac: {  	[sflag:s19] =	ssyncadd.s32 $0xFFFFFFB0  }
0xad: {  	_ =	sfence.sel $0x180000  }
0xae: {  	[bflag:$0x0] =	sbarrier.arrive $0xFFFF  }
0xaf: {  	p0 =	sne.s32 s1, $0x0;
	_ =	strace $0x9000004D  }
0xb0: {  	s0 =	sadd.s32 @!p0 $0x100000, s0;
	[bflag:$0x2] =	sbarrier.arrive $0xFFFF  }
0xb1: {  	[sflag:s0] =	ssyncadd.tile.s32 @!p0 $0x1;
	_ =	shalt  }
.Lfunc_end2:
_tile_overlayer_lowered:
.L_overlay_start_2:
0xb2: {  	(tag) =	ssettag $0x2  }
0xb3: {  	s0 =	rddreg [dreg:$0x0];
	s2 =	stileid.u32  }
0xb4: {  	s1 =	rddreg [dreg:$0x1];
	p0 =	sne.s32 s2, $0x0  }
0xb5: {  	s3 =	rddreg [dreg:$0x2];
	[bflag:$0x3] =	sbarrier.arrive $0xFFFF;
	s2 =	simm.s32 @!p0 $0x1C03  }
0xb6: {  	[timem:s3], [sflag:s2] =	dma.local @!p0 [hbm:s0], s1  }
0xb7: {  	s0 =	simm.s32 @!p0 $0x3  }
0xb8: {  	_ =	swait.ge @!p0 [sflag:s0], s1  }
0xb9: {  	s1 =	ssub.s32 @!p0 $0x0, s1;
	[sflag:s0] =	ssyncset.done @!p0 $0x0  }
0xba: {  	[sflag:s0] =	ssyncadd.s32 @!p0 s1  }
0xbb: {  	[bflag:$0x3] =	sbarrier.arrive $0xFFFF  }
0xbc: {  	_ =	shalt  }

// kernel: kernel.9.cloned.1.call-start
scs
__scs_entry_jumppad:
0x0: {  	(pc) =	sbr.rel $0x88, $3  }
0x1: {  	(tag) =	ssettag $0x0;
	lr =	simm.s32 $0x1  }
0x2: {  	[smem:$0x3F9B] =	sst lr;
	_ =	strace $0xD0000000  }
0x3: {  	_ = 	snop  }
0x4: {  	_ = 	snop  }
0x5: {  	_ = 	snop  }
0x6: {  	_ = 	snop  }
0x7: {  	_ = 	snop  }
__scs_overlays_trampoline_lowered:
0x8: {  	[smem:$0x3FAA] =	sst s0  }
0x9: {  	[smem:$0x3FAB] =	sst s1  }
0xa: {  	[smem:$0x3FAC] =	sst s2  }
0xb: {  	[smem:$0x3FAD] =	sst s3  }
0xc: {  	[smem:$0x3FAE] =	sst s4  }
0xd: {  	[smem:$0x3FAF] =	sst s5  }
0xe: {  	[smem:$0x3FB0] =	sst s6  }
0xf: {  	[smem:$0x3FB1] =	sst s7  }
0x10: {  	[smem:$0x3FB2] =	sst s8  }
0x11: {  	[smem:$0x3FB3] =	sst s9;
	s0 =	simm.s32 @!p0 $0x0  }
0x12: {  	s1 =	sld [smem:$0x3F99];
	s0 =	simm.s32 @p0 $0x1  }
0x13: {  	[smem:$0x3FB4] =	sst s0;
	s0 =	simm.s32 @!p1 $0x0  }
0x14: {  	s2 =	sld [smem:$0x3F98];
	s0 =	simm.s32 @p1 $0x1  }
0x15: {  	[smem:$0x3FB5] =	sst s0;
	s0 =	simm.s32 @!p2 $0x0  }
0x16: {  	s3 =	sld [smem:$0x3FDB];
	s0 =	simm.s32 @p2 $0x1  }
0x17: {  	s4 =	simm.s32 $0x1BF5;
	[smem:$0x3FB7] =	sst s0  }
0x18: {  	s0 =	sld [smem:$0x3F9A];
	_ =	swait.ge [sflag:s4], $0x0  }
0x19: {  	s7 =	sld [smem:$0x3F9B]  }
0x1a: {  	s8 =	sadd.s32 $0xFFFFE003, lr  }
0x1b: {  	s9 =	sadd.s32 $0xFFFFFEF7, lr;
	s5 =	simm.s32 $0xFFFFFFFF;
	p2 =	slt.u32 s8, $0xFFFFF086  }
0x1c: {  	p1 =	slt.u32 s9, $0xF7A;
	s5 =	simm.s32 @!p2 $0x0  }
0x1d: {  	s5 =	simm.s32 @p1 $0x1;
	p0 =	seq.s32 s7, s2  }
0x1e: {  	s7 =	smul.u32 @!p0 $0xF7A, s2;
	p2 =	seq.s32 @!p0 s5, $0x0  }
0x1f: {  	s9 =	smul.u32 $0xF7A, s1;
	s8 =	simm.s32 @!p0 $0x1BF5;
	p2 =	por !p2, p0  }
0x20: {  	[sflag:s8] =	ssyncset.s32 @!p0 $0xFFFFF086;
	s6 =	sadd.s32 @!p0 s3, s7;
	s7 =	simm.s32 @!p0 $0x108  }
0x21: {  	s3 =	sadd.s32 s3, s9;
	s6 =	sadd.s32 @!p0 $0x88, s6;
	s7 =	simm.s32 @p2 $0x1082  }
0x22: {  	[simem:s7], [sflag:s8] =	dma.local @!p0 [hbm:s6], $0xF7A  }
0x23: {  	s9 =	sor.u32 $0xD0000000, s2;
	s6 =	simm.s32 $0x108;
	_ =	swait.ge @!p0 [sflag:s8], $0x0  }
0x24: {  	s3 =	sadd.s32 $0x88, s3;
	s6 =	simm.s32 @!p1 $0x1082;
	[sflag:s4] =	ssyncset.s32 $0xFFFFF086  }
0x25: {  	[simem:s6], [sflag:s4] =	dma.local [hbm:s3], $0xF7A  }
0x26: {  	[smem:$0x3F9B] =	sst s1;
	(tag) =	ssettag s2;
	_ =	strace s9  }
0x27: {  	s1 =	sld [smem:$0x3FAB]  }
0x28: {  	s2 =	sld [smem:$0x3FAC]  }
0x29: {  	s4 =	sld [smem:$0x3FAE]  }
0x2a: {  	p0 =	seq.s32 s5, $0x0;
	s5 =	sld [smem:$0x3FAF]  }
0x2b: {  	s6 =	sld [smem:$0x3FB0]  }
0x2c: {  	s7 =	sld [smem:$0x3FB1]  }
0x2d: {  	s3 =	simm.s32 $0x108;
	s8 =	sld [smem:$0x3FB2]  }
0x2e: {  	s3 =	simm.s32 @!p0 $0x1082;
	s9 =	sld [smem:$0x3FB3]  }
0x2f: {  	lr =	sadd.s32 s0, s3;
	s0 =	sld [smem:$0x3FAA]  }
0x30: {  	s3 =	sld [smem:$0x3FAD]  }
0x31: {  	[smem:$0x3FB6] =	sst s10  }
0x32: {  	s10 =	sld [smem:$0x3FB4];
	_ =	sdelay $0x3  }
0x33: {  	p0 =	seq.s32 s10, $0x1;
	s10 =	sld [smem:$0x3FB6];
	_ =	sdelay $0x3  }
0x34: {  	[smem:$0x3FB6] =	sst s10  }
0x35: {  	s10 =	sld [smem:$0x3FB5];
	_ =	sdelay $0x3  }
0x36: {  	p1 =	seq.s32 s10, $0x1;
	s10 =	sld [smem:$0x3FB6];
	_ =	sdelay $0x3  }
0x37: {  	[smem:$0x3FB6] =	sst s10  }
0x38: {  	s10 =	sld [smem:$0x3FB7]  }
0x39: {  	_ = 	snop;
	(pc) =	sbr.ind lr, $3  }
0x3a: {  	_ = 	snop  }
0x3b: {  	_ = 	snop  }
0x3c: {  	p2 =	seq.s32 s10, $0x1;
	s10 =	sld [smem:$0x3FB6]  }
0x3d: {  	_ =	shalt  }
0x3e: {  	_ =	shalt  }
0x3f: {  	_ =	shalt  }
0x40: {  	_ =	shalt  }
0x41: {  	_ =	shalt  }
0x42: {  	_ =	shalt  }
0x43: {  	_ =	shalt  }
0x44: {  	_ =	shalt  }
0x45: {  	_ =	shalt  }
0x46: {  	_ =	shalt  }
0x47: {  	_ =	shalt  }
0x48: {  	_ =	shalt  }
0x49: {  	_ =	shalt  }
0x4a: {  	_ =	shalt  }
0x4b: {  	_ =	shalt  }
0x4c: {  	_ =	shalt  }
0x4d: {  	_ =	shalt  }
0x4e: {  	_ =	shalt  }
0x4f: {  	_ =	shalt  }
0x50: {  	_ =	shalt  }
0x51: {  	_ =	shalt  }
0x52: {  	_ =	shalt  }
0x53: {  	_ =	shalt  }
0x54: {  	_ =	shalt  }
0x55: {  	_ =	shalt  }
0x56: {  	_ =	shalt  }
0x57: {  	_ =	shalt  }
0x58: {  	_ =	shalt  }
0x59: {  	_ =	shalt  }
0x5a: {  	_ =	shalt  }
0x5b: {  	_ =	shalt  }
0x5c: {  	_ =	shalt  }
0x5d: {  	_ =	shalt  }
0x5e: {  	_ =	shalt  }
0x5f: {  	_ =	shalt  }
0x60: {  	_ =	shalt  }
0x61: {  	_ =	shalt  }
0x62: {  	_ =	shalt  }
0x63: {  	_ =	shalt  }
0x64: {  	_ =	shalt  }
0x65: {  	_ =	shalt  }
0x66: {  	_ =	shalt  }
0x67: {  	_ =	shalt  }
0x68: {  	_ =	shalt  }
0x69: {  	_ =	shalt  }
0x6a: {  	_ =	shalt  }
0x6b: {  	_ =	shalt  }
0x6c: {  	_ =	shalt  }
0x6d: {  	_ =	shalt  }
0x6e: {  	_ =	shalt  }
0x6f: {  	_ =	shalt  }
0x70: {  	_ =	shalt  }
0x71: {  	_ =	shalt  }
0x72: {  	_ =	shalt  }
0x73: {  	_ =	shalt  }
0x74: {  	_ =	shalt  }
0x75: {  	_ =	shalt  }
0x76: {  	_ =	shalt  }
0x77: {  	_ =	shalt  }
0x78: {  	_ =	shalt  }
0x79: {  	_ =	shalt  }
0x7a: {  	_ =	shalt  }
0x7b: {  	_ =	shalt  }
0x7c: {  	_ =	shalt  }
0x7d: {  	_ =	shalt  }
0x7e: {  	_ =	shalt  }
0x7f: {  	_ =	shalt  }
0x80: {  	_ =	shalt  }
0x81: {  	_ =	shalt  }
0x82: {  	_ =	shalt  }
0x83: {  	_ =	shalt  }
0x84: {  	_ =	shalt  }
0x85: {  	_ =	shalt  }
0x86: {  	_ =	shalt  }
0x87: {  	_ =	shalt  }
.Lfunc_end0:
.L_simem_size_0:
called_computation_lowered:
.L_overlay_start_0:
0x88: {  	s2 =	sld [smem:$0x3FD9]  }
0x89: {  	s3 =	sld [smem:$0x3FFE];
	_ =	sdelay $0x1  }
0x8a: {  	s1 =	srdreg.scid  }
0x8b: {  	s0 =	sand.u32 $0x1, s1  }
0x8c: {  	s16 =	sshll.u32 s0, $0xA;
	s2 =	sadd.s32 s3, s2  }
0x8d: {  	s2 =	sadd.s32 s2, s16  }
0x8e: {  	[smem:$0x3FC2] =	sst s2  }
0x8f: {  	_ = 	snop  }
0x90: {  	(tm) =	ssettm $0x1  }
0x91: {  	s17 =	sld [smem:$0x3FFB];
	_ =	sdelay $0x3  }
0x92: {  	_ =	strace s17  }
0x93: {  	s2 =	sld [smem:$0x3FFC];
	_ =	sdelay $0x3  }
0x94: {  	_ =	strace s2  }
0x95: {  	s2 =	sld [smem:$0x3FFD];
	_ =	sdelay $0x3  }
0x96: {  	_ =	strace s2  }
0x97: {  	_ =	strace $0x8FFFFFFF  }
0x98: {  	s18 =	sld [smem:$0x3FDB];
	_ =	sdelay $0x1  }
0x99: {  	s19 =	simm.s32 $_scs_section_size  }
0x9a: {  	s4 =	simm.s32 $_size__tile_overlayer_lowered;
	s5 =	simm.s32 $_tile_overlayer_lowered  }
0x9b: {  	s22 =	simm.s32 $0x1BFF;
	s21 =	sshll.u32 s5, $0x1;
	s2 =	sadd.s32 s19, s18  }
0x9c: {  	s6 =	simm.s32 $0x0;
	s20 =	sshll.u32 s4, $0x1;
	s4 =	sadd.s32 s21, s2  }
0x9d: {  	[timem:s6], [sflag:s22] =	dma.local [hbm:s4], s20  }
0x9e: {  	_ =	swait.ge [sflag:s22], s20  }
0x9f: {  	s3 =	ssub.s32 $0x0, s20;
	[sflag:s22] =	ssyncset.done $0x0  }
0xa0: {  	[sflag:s22] =	ssyncadd.s32 s3;
	_ =	sdelay $0x1  }
0xa1: {  	s23 =	simm.s32 $0x1B8B  }
0xa2: {  	_ =	swait.ge [sflag:s23], $0x1  }
0xa3: {  	[sflag:s23] =	ssyncset.done $0x0  }
0xa4: {  	s25 =	simm.s32 $0x1B8E;
	s24 =	sld [smem:$0x3FFE];
	[sflag:s23] =	ssyncadd.s32 $0xFFFFFFFF  }
0xa5: {  	s26 =	simm.s32 $execute0_lowered;
	[smem:$0x3FD2] =	sst s25  }
0xa6: {  	s4 =	sshll.u32 s26, $0x1;
	_ =	strace $0x80000046;
	[dreg:$0x1] =	wrdreg $0xFFFFFFFF  }
0xa7: {  	s28 =	simm.s32 $_size_execute0_lowered;
	s2 =	sadd.s32 s2, s4;
	[dreg:$0x0] =	wrdreg $0x0  }
0xa8: {  	s4 =	sshll.u32 s28, $0x1;
	[dreg:$0x2] =	wrdreg s2  }
0xa9: {  	[dreg:$0x3] =	wrdreg s4  }
0xaa: {  	[dreg:$0x4] =	wrdreg $0xC0  }
0xab: {  	_ =	task [dreg:s6], $0x5FFFF  }
0xac: {  	[dreg:$0x1] =	wrdreg $0xFFFFFFFF  }
0xad: {  	[dreg:$0x0] =	wrdreg $0x60  }
0xae: {  	[dreg:$0x2] =	wrdreg s24  }
0xaf: {  	[dreg:$0x3] =	wrdreg $0x27600  }
0xb0: {  	[dreg:$0x4] =	wrdreg $0x9  }
0xb1: {  	_ =	task.clear_ibuf [dreg:s6], $0x5FFFF;
	_ =	strace $0x90000046  }
0xb2: {  	s29 =	simm.s32 $0x9;
	_ =	strace $0x80000048  }
0xb3: {  	_ =	swait.ge [sflag:s29], $0x1  }
0xb4: {  	[sflag:s29] =	ssyncadd.s32 $0xFFFFFFFF  }
0xb5: {  	_ =	strace $0x90000048  }
0xb6: {  	_ =	sfence  }
0xb7: {  	s30 =	sld [smem:$0x0];
	_ =	sdelay $0x2  }
0xb8: {  	s31 =	sshll.u32 s1, $0xD;
	s1 =	sshrl.u32 s1, $0x2  }
0xb9: {  	s3 =	sand.u32 $0x4000, s31;
	s1 =	sadd.s32 s1, s30  }
0xba: {  	s0 =	sor.u32 s3, s0;
	s1 =	sshll.u32 s1, $0x11  }
0xbb: {  	s0 =	sor.u32 s1, s0  }
0xbc: {  	s0 =	sadd.s32 $0x8F2B, s0  }
0xbd: {  	[sflag:s0] =	ssyncadd.remote.s32 $0x1  }
0xbe: {  	_ =	sfence.sel $0xFFFF  }
0xbf: {  	[dreg:$0x0] =	wrdreg $0xFFFFFFFF;
	(pc) =	sbr.abs _section_cstart, $3  }
0xc0: {  	[dreg:$0x1] =	wrdreg $0xFFFFFFFF  }
0xc1: {  	_ =	task.clear_ibuf [dreg:s6], $0x2FFFF;
	_ =	strace $0x9FFFFFFF  }
0xc2: {  	(tm) =	ssettm $0x7FFFFFFF  }
0xc3: {  	_ =	shalt  }
tec
execute0_lowered:
.L_overlay_start_1:
0x0: {  	(tag) =	ssettag $0x1  }
0x1: {  	s1 =	srdreg.scid;
	s4 =	rddreg [dreg:$0x0]  }
0x2: {  	s0 =	stileid.u32;
	s2 =	rddreg [dreg:$0x1];
	s3 =	simm.s32 $0x0  }
0x3: {  	s15 =	simm.s32 $0x2;
	s16 =	simm.s32 $0x2710;
	s17 =	simm.s32 $0x50  }
0x4: {  	s18 =	simm.s32 $0xA0;
	s19 =	simm.s32 $0xF0;
	s20 =	simm.s32 $0x140  }
0x5: {  	s21 =	simm.s32 $0x1;
	s24 =	simm.s32 $0x0;
	s5 =	sand.u32 $0x1, s1  }
0x6: {  	s6 =	smul.u32 $0x280, s0;
	s8 =	sshll.u32 s0, $0x1;
	s1 =	rddreg [dreg:$0x2]  }
0x7: {  	[smem:$0x7FF] =	sst s3;
	s7 =	smul.u32 $0x2800, s5;
	s8 =	sor.u32 s5, s8  }
0x8: {  	s22 =	sshll.u32 s0, $0x6;
	s5 =	ssub.s32 $0x2, s5;
	s8 =	smul.u32 $0x2710, s8  }
0x9: {  	_ =	strace $0x80000047;
	s22 =	sor.u32 $0x1C02, s22;
	s30 =	sshrl.u32 s5, $0x1  }
0xa: {  	s7 =	sadd.s32 s6, s7;
	s14 =	ssub.s32 s5, s30;
	s8 =	sshrl.u32 s8, $0x3  }
0xb: {  	s7 =	sshrl.u32 s7, $0x3;
	s14 =	smax.u32 s14, $0x1;
	s31 =	sadd.s32 s4, s8  }
0xc: {  	s13 =	sadd.s32 s7, s4;
	s4 =	sadd.s32 s6, s2;
	s5 =	sadd.s32 $0xB440, s31  }
0xd: {  	s6 =	sadd.s32 $0x50, s4;
	s7 =	sadd.s32 $0xA0, s4;
	s8 =	sadd.s32 $0xF0, s4  }
0xe: {  	s9 =	sadd.s32 $0x140, s4;
	s10 =	sadd.s32 $0x190, s4;
	s11 =	sadd.s32 $0x1E0, s4  }
0xf: {  	v0 =	vimm.f32 $0.0e+00;
	v1 =	vimm.f32 $1.000000000e+00;
	s12 =	sadd.s32 $0x230, s4;
	s13 =	sadd.s32 $0x15200, s13;
	s23 =	sshrl.u32 s4, $0x3  }
.LBB2_1:
0x10: {  	[tilespmem:s3], [sflag:$0x2] =	stream.linear.gather [hbm4b:s5+s3], $0x2710, $0x38;
	[tilespmem:$0x29E0] =	vst v63  }
0x11: {  	_ =	swait.ge [sflag:s15], $0x2710  }
0x12: {  	[sflag:s15] =	ssyncset.done $0x0  }
0x13: {  	[sflag:s15] =	ssyncadd.s32 $0xFFFFD8F0  }
0x14: {  	[tilespmem:$0x2710] =	vst v0  }
0x15: {  	[tilespmem:$0x2720] =	vst v0  }
0x16: {  	[tilespmem:$0x2730] =	vst v0  }
0x17: {  	[tilespmem:$0x2740] =	vst v0  }
0x18: {  	[tilespmem:$0x2750] =	vst v0  }
0x19: {  	[spmem:s4] =	stream.linear.scatter [tilespmem:s16], [sflag:$0x2], $0x50, $0x38;
	[tilespmem:$0x29E0] =	vst v63  }
0x1a: {  	_ =	swait.ge [sflag:s15], $0x50  }
0x1b: {  	[sflag:s15] =	ssyncset.done $0x0  }
0x1c: {  	[sflag:s15] =	ssyncadd.s32 $0xFFFFFFB0  }
0x1d: {  	[spmem:s6] =	stream.linear.scatter [tilespmem:s16], [sflag:$0x2], $0x50, $0x38;
	[tilespmem:$0x29E0] =	vst v63  }
0x1e: {  	_ =	swait.ge [sflag:s15], $0x50  }
0x1f: {  	[sflag:s15] =	ssyncset.done $0x0  }
0x20: {  	[sflag:s15] =	ssyncadd.s32 $0xFFFFFFB0  }
0x21: {  	[spmem:s7] =	stream.linear.scatter [tilespmem:s16], [sflag:$0x2], $0x50, $0x38;
	[tilespmem:$0x29E0] =	vst v63  }
0x22: {  	_ =	swait.ge [sflag:s15], $0x50  }
0x23: {  	[sflag:s15] =	ssyncset.done $0x0  }
0x24: {  	[sflag:s15] =	ssyncadd.s32 $0xFFFFFFB0  }
0x25: {  	[spmem:s8] =	stream.linear.scatter [tilespmem:s16], [sflag:$0x2], $0x50, $0x38;
	[tilespmem:$0x29E0] =	vst v63  }
0x26: {  	_ =	swait.ge [sflag:s15], $0x50  }
0x27: {  	[sflag:s15] =	ssyncset.done $0x0  }
0x28: {  	[sflag:s15] =	ssyncadd.s32 $0xFFFFFFB0  }
0x29: {  	[spmem:s9] =	stream.linear.scatter [tilespmem:s16], [sflag:$0x2], $0x50, $0x38;
	[tilespmem:$0x29E0] =	vst v63  }
0x2a: {  	_ =	swait.ge [sflag:s15], $0x50  }
0x2b: {  	[sflag:s15] =	ssyncset.done $0x0  }
0x2c: {  	[sflag:s15] =	ssyncadd.s32 $0xFFFFFFB0  }
0x2d: {  	[spmem:s10] =	stream.linear.scatter [tilespmem:s16], [sflag:$0x2], $0x50, $0x38;
	[tilespmem:$0x29E0] =	vst v63  }
0x2e: {  	_ =	swait.ge [sflag:s15], $0x50  }
0x2f: {  	[sflag:s15] =	ssyncset.done $0x0  }
0x30: {  	[sflag:s15] =	ssyncadd.s32 $0xFFFFFFB0  }
0x31: {  	[spmem:s11] =	stream.linear.scatter [tilespmem:s16], [sflag:$0x2], $0x50, $0x38;
	[tilespmem:$0x29E0] =	vst v63  }
0x32: {  	_ =	swait.ge [sflag:s15], $0x50  }
0x33: {  	[sflag:s15] =	ssyncset.done $0x0  }
0x34: {  	[sflag:s15] =	ssyncadd.s32 $0xFFFFFFB0  }
0x35: {  	[spmem:s12] =	stream.linear.scatter [tilespmem:s16], [sflag:$0x2], $0x50, $0x38;
	[tilespmem:$0x29E0] =	vst v63  }
0x36: {  	_ =	swait.ge [sflag:s15], $0x50  }
0x37: {  	[sflag:s15] =	ssyncset.done $0x0  }
0x38: {  	[sflag:s15] =	ssyncadd.s32 $0xFFFFFFB0  }
0x39: {  	[tilespmem:$0x2710] =	vst v1  }
0x3a: {  	[tilespmem:$0x2720] =	vst v1  }
0x3b: {  	[tilespmem:$0x2730] =	vst v1  }
0x3c: {  	[tilespmem:$0x2740] =	vst v1  }
0x3d: {  	[tilespmem:$0x2750] =	vst v1  }
0x3e: {  	[bflag:$0x0] =	sbarrier.arrive $0xFFFF  }
0x3f: {  	[spmem:s2] =	stream.indirect.scatter.add.f32 [tilespmem:s16], [sflag:$0x1], $0x1, s3, s17, $0xb8;
	[tilespmem:$0x29E0] =	vst v63  }
0x40: {  	_ = 	snop  }
0x41: {  	[spmem:s2] =	stream.indirect.scatter.add.f32 [tilespmem:s16], [sflag:$0x1], $0x1, s17, s17, $0xb8;
	[tilespmem:$0x29E0] =	vst v63  }
0x42: {  	_ = 	snop  }
0x43: {  	[spmem:s2] =	stream.indirect.scatter.add.f32 [tilespmem:s16], [sflag:$0x1], $0x1, s18, s17, $0xb8;
	[tilespmem:$0x29E0] =	vst v63  }
0x44: {  	_ = 	snop  }
0x45: {  	[spmem:s2] =	stream.indirect.scatter.add.f32 [tilespmem:s16], [sflag:$0x1], $0x1, s19, s17, $0xb8;
	[tilespmem:$0x29E0] =	vst v63  }
0x46: {  	_ = 	snop  }
0x47: {  	[spmem:s2] =	stream.indirect.scatter.add.f32 [tilespmem:s16], [sflag:$0x1], $0x1, s20, s17, $0xb8;
	[tilespmem:$0x29E0] =	vst v63  }
0x48: {  	s25 =	simm.s32 $0x190  }
0x49: {  	[spmem:s2] =	stream.indirect.scatter.add.f32 [tilespmem:s16], [sflag:$0x1], $0x1, s25, s17, $0xb8;
	[tilespmem:$0x29E0] =	vst v63  }
0x4a: {  	s28 =	simm.s32 $0x1E0  }
0x4b: {  	[spmem:s2] =	stream.indirect.scatter.add.f32 [tilespmem:s16], [sflag:$0x1], $0x1, s28, s17, $0xb8;
	[tilespmem:$0x29E0] =	vst v63  }
0x4c: {  	s29 =	simm.s32 $0x230  }
0x4d: {  	[spmem:s2] =	stream.indirect.scatter.add.f32 [tilespmem:s16], [sflag:$0x1], $0x1, s29, s17, $0xb8;
	[tilespmem:$0x29E0] =	vst v63  }
0x4e: {  	s30 =	simm.s32 $0x280  }
0x4f: {  	[spmem:s2] =	stream.indirect.scatter.add.f32 [tilespmem:s16], [sflag:$0x1], $0x1, s30, s17, $0xb8;
	[tilespmem:$0x29E0] =	vst v63  }
0x50: {  	s31 =	simm.s32 $0x2D0  }
0x51: {  	[spmem:s2] =	stream.indirect.scatter.add.f32 [tilespmem:s16], [sflag:$0x1], $0x1, s31, s17, $0xb8;
	[tilespmem:$0x29E0] =	vst v63  }
0x52: {  	_ =	swait.ge [sflag:s21], $0x50  }
0x53: {  	[sflag:s21] =	ssyncset.done $0x0  }
0x54: {  	[sflag:s21] =	ssyncadd.s32 $0xFFFFFFB0  }
0x55: {  	_ =	swait.ge [sflag:s21], $0x50  }
0x56: {  	[sflag:s21] =	ssyncset.done $0x0  }
0x57: {  	[sflag:s21] =	ssyncadd.s32 $0xFFFFFFB0  }
0x58: {  	_ =	swait.ge [sflag:s21], $0x50  }
0x59: {  	[sflag:s21] =	ssyncset.done $0x0  }
0x5a: {  	[sflag:s21] =	ssyncadd.s32 $0xFFFFFFB0  }
0x5b: {  	_ =	swait.ge [sflag:s21], $0x50  }
0x5c: {  	[sflag:s21] =	ssyncset.done $0x0  }
0x5d: {  	[sflag:s21] =	ssyncadd.s32 $0xFFFFFFB0  }
0x5e: {  	_ =	swait.ge [sflag:s21], $0x50  }
0x5f: {  	s26 =	simm.s32 $0xFFFF7680;
	s25 =	simm.s32 $0xFFFFDC10;
	[sflag:s21] =	ssyncset.done $0x0  }
.LBB2_2:
0x60: {  	s28 =	sadd.s32 $0x2710, s25  }
0x61: {  	[sflag:s21] =	ssyncadd.s32 $0xFFFFFFB0;
	s29 =	smov.u32 s26;
	s30 =	sadd.s32 $0x640, s26  }
0x62: {  	[spmem:s2] =	stream.indirect.scatter.add.f32 [tilespmem:s16], [sflag:$0x1], $0x1, s28, s17, $0xb8;
	[tilespmem:$0x29E0] =	vst v63  }
0x63: {  	p0 =	sne.s32 s26, $0xFFFFF9C0;
	s26 =	sadd.s32 $0x2760, s25  }
0x64: {  	[spmem:s2] =	stream.indirect.scatter.add.f32 [tilespmem:s16], [sflag:$0x1], $0x1, s26, s17, $0xb8;
	[tilespmem:$0x29E0] =	vst v63  }
0x65: {  	s26 =	sadd.s32 $0x27B0, s25  }
0x66: {  	[spmem:s2] =	stream.indirect.scatter.add.f32 [tilespmem:s16], [sflag:$0x1], $0x1, s26, s17, $0xb8;
	[tilespmem:$0x29E0] =	vst v63  }
0x67: {  	s26 =	sadd.s32 $0x2800, s25  }
0x68: {  	[spmem:s2] =	stream.indirect.scatter.add.f32 [tilespmem:s16], [sflag:$0x1], $0x1, s26, s17, $0xb8;
	[tilespmem:$0x29E0] =	vst v63  }
0x69: {  	s25 =	sadd.s32 $0x2850, s25  }
0x6a: {  	[spmem:s2] =	stream.indirect.scatter.add.f32 [tilespmem:s16], [sflag:$0x1], $0x1, s25, s17, $0xb8;
	[tilespmem:$0x29E0] =	vst v63  }
0x6b: {  	_ =	swait.ge [sflag:s21], $0x50  }
0x6c: {  	[sflag:s21] =	ssyncset.done $0x0  }
0x6d: {  	[sflag:s21] =	ssyncadd.s32 $0xFFFFFFB0  }
0x6e: {  	_ =	swait.ge [sflag:s21], $0x50  }
0x6f: {  	[sflag:s21] =	ssyncset.done $0x0  }
0x70: {  	[sflag:s21] =	ssyncadd.s32 $0xFFFFFFB0  }
0x71: {  	_ =	swait.ge [sflag:s21], $0x50  }
0x72: {  	[sflag:s21] =	ssyncset.done $0x0  }
0x73: {  	[sflag:s21] =	ssyncadd.s32 $0xFFFFFFB0  }
.Ltmp0:
0x74: {  	_ =	swait.ge [sflag:s21], $0x50;
	(pc) =	sbr.rel @p0 .LBB2_2-.Ltmp0, $4  }
0x75: {  	[sflag:s21] =	ssyncset.done $0x0  }
0x76: {  	[sflag:s21] =	ssyncadd.s32 $0xFFFFFFB0  }
0x77: {  	_ =	swait.ge [sflag:s21], $0x50  }
0x78: {  	s26 =	smov.u32 s30;
	s25 =	sshra.s32 s29, $0x2;
	[sflag:s21] =	ssyncset.done $0x0  }
0x79: {  	s26 =	sadd.s32 $0x2710, s25;
	[sflag:s21] =	ssyncadd.s32 $0xFFFFFFB0  }
0x7a: {  	[spmem:s2] =	stream.indirect.scatter.add.f32 [tilespmem:s16], [sflag:$0x1], $0x1, s26, s17, $0xb8;
	[tilespmem:$0x29E0] =	vst v63  }
0x7b: {  	s28 =	sadd.s32 $0x2760, s25  }
0x7c: {  	[spmem:s2] =	stream.indirect.scatter.add.f32 [tilespmem:s16], [sflag:$0x1], $0x1, s28, s17, $0xb8;
	[tilespmem:$0x29E0] =	vst v63  }
0x7d: {  	s29 =	sadd.s32 $0x27B0, s25  }
0x7e: {  	[spmem:s2] =	stream.indirect.scatter.add.f32 [tilespmem:s16], [sflag:$0x1], $0x1, s29, s17, $0xb8;
	[tilespmem:$0x29E0] =	vst v63  }
0x7f: {  	s30 =	sadd.s32 $0x2800, s25  }
0x80: {  	[spmem:s2] =	stream.indirect.scatter.add.f32 [tilespmem:s16], [sflag:$0x1], $0x1, s30, s17, $0xb8;
	[tilespmem:$0x29E0] =	vst v63  }
0x81: {  	s31 =	sadd.s32 $0x2850, s25  }
0x82: {  	[spmem:s2] =	stream.indirect.scatter.add.f32 [tilespmem:s16], [sflag:$0x1], $0x1, s31, s17, $0xb8;
	[tilespmem:$0x29E0] =	vst v63  }
0x83: {  	_ =	swait.ge [sflag:s21], $0x50  }
0x84: {  	[sflag:s21] =	ssyncset.done $0x0  }
0x85: {  	[sflag:s21] =	ssyncadd.s32 $0xFFFFFFB0  }
0x86: {  	_ =	swait.ge [sflag:s21], $0x50  }
0x87: {  	[sflag:s21] =	ssyncset.done $0x0  }
0x88: {  	[sflag:s21] =	ssyncadd.s32 $0xFFFFFFB0  }
0x89: {  	_ =	swait.ge [sflag:s21], $0x50  }
0x8a: {  	[sflag:s21] =	ssyncset.done $0x0  }
0x8b: {  	[sflag:s21] =	ssyncadd.s32 $0xFFFFFFB0  }
0x8c: {  	_ =	swait.ge [sflag:s21], $0x50  }
0x8d: {  	[sflag:s21] =	ssyncset.done $0x0  }
0x8e: {  	[sflag:s21] =	ssyncadd.s32 $0xFFFFFFB0  }
0x8f: {  	_ =	swait.ge [sflag:s21], $0x50  }
0x90: {  	[sflag:s21] =	ssyncset.done $0x0  }
0x91: {  	[sflag:s21] =	ssyncadd.s32 $0xFFFFFFB0  }
0x92: {  	_ =	swait.ge [sflag:s21], $0x50  }
0x93: {  	[sflag:s21] =	ssyncset.done $0x0  }
0x94: {  	[sflag:s21] =	ssyncadd.s32 $0xFFFFFFB0  }
0x95: {  	_ =	swait.ge [sflag:s21], $0x50  }
0x96: {  	[sflag:s21] =	ssyncset.done $0x0  }
0x97: {  	[sflag:s21] =	ssyncadd.s32 $0xFFFFFFB0  }
0x98: {  	_ =	swait.ge [sflag:s21], $0x50  }
0x99: {  	[sflag:s21] =	ssyncset.done $0x0  }
0x9a: {  	[sflag:s21] =	ssyncadd.s32 $0xFFFFFFB0  }
0x9b: {  	_ =	swait.ge [sflag:s21], $0x50  }
0x9c: {  	[sflag:s21] =	ssyncset.done $0x0  }
0x9d: {  	[sflag:s21] =	ssyncadd.s32 $0xFFFFFFB0  }
0x9e: {  	_ =	swait.ge [sflag:s21], $0x50  }
0x9f: {  	s24 =	sadd.s32 $0x1, s24;
	[sflag:s21] =	ssyncset.done $0x0  }
0xa0: {  	p0 =	sne.s32 s24, s14;
	[sflag:s21] =	ssyncadd.s32 $0xFFFFFFB0  }
.Ltmp1:
0xa1: {  	[bflag:$0x0] =	sbarrier.arrive $0xFFFF;
	(pc) =	sbr.rel @p0 .LBB2_1-.Ltmp1, $4  }
0xa2: {  	[hbm:s13], [sflag:s22] =	dma.local [spmem:s23], $0x50  }
0xa3: {  	_ =	swait.ge [sflag:s15], $0x50  }
0xa4: {  	[sflag:s15] =	ssyncset.done $0x0  }
0xa5: {  	[sflag:s15] =	ssyncadd.s32 $0xFFFFFFB0  }
0xa6: {  	_ =	sfence.sel $0x180000  }
0xa7: {  	[bflag:$0x0] =	sbarrier.arrive $0xFFFF  }
0xa8: {  	p0 =	sne.s32 s0, $0x0;
	_ =	strace $0x90000047  }
0xa9: {  	s0 =	sadd.s32 @!p0 $0x100000, s1;
	[bflag:$0x2] =	sbarrier.arrive $0xFFFF  }
0xaa: {  	[sflag:s0] =	ssyncadd.tile.s32 @!p0 $0x1;
	_ =	shalt  }
.Lfunc_end2:
_tile_overlayer_lowered:
.L_overlay_start_2:
0xab: {  	(tag) =	ssettag $0x2  }
0xac: {  	s0 =	rddreg [dreg:$0x0];
	s2 =	stileid.u32  }
0xad: {  	s1 =	rddreg [dreg:$0x1];
	p0 =	sne.s32 s2, $0x0  }
0xae: {  	s3 =	rddreg [dreg:$0x2];
	[bflag:$0x3] =	sbarrier.arrive $0xFFFF;
	s2 =	simm.s32 @!p0 $0x1C02  }
0xaf: {  	[timem:s3], [sflag:s2] =	dma.local @!p0 [hbm:s0], s1  }
0xb0: {  	s0 =	simm.s32 @!p0 $0x2  }
0xb1: {  	_ =	swait.ge @!p0 [sflag:s0], s1  }
0xb2: {  	s1 =	ssub.s32 @!p0 $0x0, s1;
	[sflag:s0] =	ssyncset.done @!p0 $0x0  }
0xb3: {  	[sflag:s0] =	ssyncadd.s32 @!p0 s1  }
0xb4: {  	[bflag:$0x3] =	sbarrier.arrive $0xFFFF  }
0xb5: {  	_ =	shalt  }

</sc_bundles>
